<compile_context>
chip_gen: v7x
topology: tpu7x:2x2x1
jax: 0.10.2.dev20260603
libtpu: 0.0.44.dev20260713+nightly
codegen_flags: <defaults>
</compile_context>

<pallas_src>
import jax
import jax.numpy as jnp
from jax import lax
from jax.experimental import pallas as pl
from jax.experimental.pallas import tpu as pltpu
from jax.experimental.pallas import tpu_sc as plsc

_UNITS = 256
_S, _A, _R = 8, 8, 8
_B, _T, _F = 64, 128, 256
_SAR = _S * _A * _R
_NEG = -3.0e38


_BB = 8


def _k1_body(x_ref, w1_ref, b1_ref, w2_ref, b2_ref, wsp_ref,
             out_ref, q_ref, p_ref):
    x = x_ref[...].reshape(_BB * _T, _F)
    h = jnp.tanh(jnp.dot(x, w1_ref[...], preferred_element_type=jnp.float32)
                 + b1_ref[...])
    out = jnp.dot(h, w2_ref[...], preferred_element_type=jnp.float32) + b2_ref[...]
    out_ref[...] = out.reshape(_BB, _T, _F)

    sp = jnp.dot(h, wsp_ref[...], preferred_element_type=jnp.float32)

    for bb in range(_BB):
        outb = out[bb * _T:(bb + 1) * _T]
        q_ref[bb] = jnp.mean(outb, axis=0, keepdims=True)
        _k1_maxpath(sp[bb * _T:(bb + 1) * _T], p_ref, bb)


def _k1_maxpath(sp, p_ref, bb):
    s_sum = jnp.sum(sp[:, 7 * 64:8 * 64], axis=0)
    g_col = s_sum[:, None]
    gi = jax.lax.broadcasted_iota(jnp.int32, (64, 8), 0)
    ci = jax.lax.broadcasted_iota(jnp.int32, (64, 8), 1)

    m1 = jnp.where(gi % 8 == ci, g_col, _NEG)
    c1max = jnp.max(m1, axis=0, keepdims=True)
    mif = jnp.min(jnp.where(m1 == c1max, gi // 8, 127), axis=0)
    m2 = jnp.where(gi // 8 == ci, g_col, _NEG)
    c2max = jnp.max(m2, axis=0, keepdims=True)
    mit = jnp.min(jnp.where(m2 == c2max, gi % 8, 127), axis=0)

    sp8 = sp[0:8, :]
    cI = jax.lax.broadcasted_iota(jnp.int32, (8, _SAR), 1)
    rmask = jnp.max(jnp.where(mif[:, None] == cI // 64, 1.0, 0.0), axis=0,
                    keepdims=True)
    tI = jax.lax.broadcasted_iota(jnp.int32, (8, 8), 0)
    tmask = jnp.max(jnp.where(mit[None, :] == tI, 1.0, 0.0), axis=1,
                    keepdims=True)
    masked = jnp.where((tmask > 0.0) & (rmask > 0.0), sp8, _NEG)
    tmax = jnp.max(masked, axis=0, keepdims=True)
    gm = tmax[:, 0:64]
    for r in range(1, 8):
        gm = jnp.maximum(gm, tmax[:, r * 64:(r + 1) * 64])
    prio = jnp.sum(gm) * (1.0 / 64.0)
    p_ref[bb] = jnp.full((1, 128), prio, dtype=jnp.float32)


def _k3_body(q_ref, mem_ref, mp_ref, prio2d_ref, prow_ref,
             best_ref, imp_ref, idx_ref, m_scr, l_scr, b_scr,
             v_scr, idx_scr):
    pid = pl.program_id(0)
    nsteps = pl.num_programs(0)
    cdim = mem_ref.shape[0]
    c0 = pid * cdim

    @pl.when(pid == 0)
    def _extract():
        v_scr[...] = prio2d_ref[...]
        rows = jax.lax.broadcasted_iota(jnp.int32, (512, 128), 0)
        cols = jax.lax.broadcasted_iota(jnp.int32, (512, 128), 1)
        lin = rows * 128 + cols
        ksub = jax.lax.broadcasted_iota(jnp.int32, (64, 1), 0)
        BIG = jnp.int32(2 ** 30)
        INF = jnp.float32(3.0e38)

        def step(k, idxs):
            v = v_scr[...]
            m = jnp.min(jnp.min(v, axis=1, keepdims=True), axis=0,
                        keepdims=True)
            cand = jnp.where(v == m, lin, BIG)
            sel = jnp.min(jnp.min(cand, axis=1, keepdims=True), axis=0,
                          keepdims=True)
            v_scr[...] = jnp.where(lin == sel, INF, v)
            return jnp.where(ksub == k, sel, idxs)

        res = jax.lax.fori_loop(0, 64, step, jnp.zeros((64, 1), jnp.int32))
        idx_scr[...] = res
        idx_ref[...] = res

    idxc = idx_scr[...]
    q = q_ref[...]
    sims = jax.lax.dot_general(q, mem_ref[...],
                               dimension_numbers=(((1,), (1,)), ((), ())),
                               preferred_element_type=jnp.float32)
    sims = sims + mp_ref[0]

    colg = jax.lax.broadcasted_iota(jnp.int32, (64, cdim), 1) + c0
    onehot = jnp.where(idxc == colg, 1.0, 0.0)
    covered = jnp.max(onehot, axis=0, keepdims=True)
    qq = jax.lax.dot_general(q, q, dimension_numbers=(((1,), (1,)), ((), ())),
                             preferred_element_type=jnp.float32)
    newv = qq + prow_ref[...]
    repl = jnp.dot(newv, onehot, preferred_element_type=jnp.float32)
    sims = jnp.where(covered > 0.0, repl, sims)

    tmax = jnp.max(sims, axis=1, keepdims=True)
    carg = jax.lax.broadcasted_iota(jnp.int32, (_B, cdim), 1) + c0
    targ = jnp.min(jnp.where(sims == tmax, carg, jnp.int32(2 ** 30)),
                   axis=1, keepdims=True)

    @pl.when(pid == 0)
    def _init():
        m_scr[...] = jnp.full((_B, 128), _NEG, jnp.float32)
        l_scr[...] = jnp.zeros((_B, 128), jnp.float32)
        b_scr[...] = jnp.zeros((_B, 128), jnp.int32)

    m_old = m_scr[:, 0:1]
    m_new = jnp.maximum(m_old, tmax)
    lsum = jnp.sum(jnp.exp(sims - m_new), axis=1, keepdims=True)
    l_new = l_scr[:, 0:1] * jnp.exp(m_old - m_new) + lsum
    b_new = jnp.where(tmax > m_old, targ, b_scr[:, 0:1])
    m_scr[...] = jnp.broadcast_to(m_new, (_B, 128))
    l_scr[...] = jnp.broadcast_to(l_new, (_B, 128))
    b_scr[...] = jnp.broadcast_to(b_new, (_B, 128))

    @pl.when(pid == nsteps - 1)
    def _fin():
        best_ref[...] = b_scr[:, 0:1]
        imp_ref[...] = 1.0 / l_scr[:, 0:1]


def _sc_gather_body(table_hbm, idx_hbm, out_hbm, idx_v, rows_v, sem):
    wid = lax.axis_index("s") * 2 + lax.axis_index("c")

    @pl.when(wid == 0)
    def _():
        pltpu.sync_copy(idx_hbm, idx_v)
        pltpu.async_copy(table_hbm.at[idx_v], rows_v, sem).wait()
        pltpu.sync_copy(rows_v, out_hbm)


def _sc_gather(memory, best):
    mesh = plsc.VectorSubcoreMesh(core_axis_name="c", subcore_axis_name="s")
    return pl.kernel(
        _sc_gather_body,
        mesh=mesh,
        out_type=jax.ShapeDtypeStruct((_B, _F), jnp.float32),
        scratch_types=[
            pltpu.VMEM((_B,), jnp.int32),
            pltpu.VMEM((_B, _F), jnp.float32),
            pltpu.SemaphoreType.DMA,
        ],
    )(memory, best)


def _k4_body(x_ref, traw_ref, idxr_ref, q_ref, best_col_ref,
             imp_col_ref, d_ref, i_ref):
    bcol = best_col_ref[...]
    fsel = jnp.where(bcol == idxr_ref[...], 1.0, 0.0)
    anyr = jnp.max(fsel, axis=1, keepdims=True)
    repl = jnp.dot(fsel, q_ref[...], preferred_element_type=jnp.float32)
    tm = jnp.where(anyr > 0.0, repl, traw_ref[...])

    x = x_ref[...].reshape(_B * _T, _F)
    rowb = jax.lax.broadcasted_iota(jnp.int32, (_B * _T, _B), 0) // _T
    colb = jax.lax.broadcasted_iota(jnp.int32, (_B * _T, _B), 1)
    own = jnp.where(rowb == colb, 1.0, 0.0)
    texp = jnp.dot(own, tm, preferred_element_type=jnp.float32)
    diff = x - texp
    d2 = jnp.sum(diff * diff, axis=1, keepdims=True)
    nrm = jnp.sqrt(d2)
    dist = 0.5 - jnp.clip(0.2 * nrm + 0.5, 0.0, 1.0)
    d_ref[...] = dist.reshape(_B, _T, 1)
    impsel = jnp.dot(own, imp_col_ref[...],
                     preferred_element_type=jnp.float32)
    i_ref[...] = impsel.reshape(_B, _T, 1)


def kernel(inputs, W1, b1, W2, b2, W_space, memory, mem_priority):
    f32 = jnp.float32
    wsp = W_space.reshape(_UNITS, _S, _A, _R).transpose(0, 3, 1, 2)
    wsp = wsp.reshape(_UNITS, _SAR)

    out, query3, prio3 = pl.pallas_call(
        _k1_body,
        grid=(_B // _BB,),
        in_specs=[
            pl.BlockSpec((_BB, _T, _F), lambda i: (i, 0, 0)),
            pl.BlockSpec((_F, _UNITS), lambda i: (0, 0)),
            pl.BlockSpec((1, _UNITS), lambda i: (0, 0)),
            pl.BlockSpec((_UNITS, _F), lambda i: (0, 0)),
            pl.BlockSpec((1, _F), lambda i: (0, 0)),
            pl.BlockSpec((_UNITS, _SAR), lambda i: (0, 0)),
        ],
        out_specs=[
            pl.BlockSpec((_BB, _T, _F), lambda i: (i, 0, 0)),
            pl.BlockSpec((_BB, 1, _F), lambda i: (i, 0, 0)),
            pl.BlockSpec((_BB, 1, 128), lambda i: (i, 0, 0)),
        ],
        out_shape=[
            jax.ShapeDtypeStruct((_B, _T, _F), f32),
            jax.ShapeDtypeStruct((_B, 1, _F), f32),
            jax.ShapeDtypeStruct((_B, 1, 128), f32),
        ],
    )(inputs, W1, b1.reshape(1, _UNITS), W2, b2.reshape(1, _F), wsp)

    query = query3.reshape(_B, _F)
    priority = prio3[:, 0, 0]

    prio_row = priority.reshape(1, 64)

    CBLK = 8192
    nsteps = 65536 // CBLK
    best2, imp2, idx2 = pl.pallas_call(
        _k3_body,
        grid=(nsteps,),
        in_specs=[
            pl.BlockSpec((_B, _F), lambda i: (0, 0)),
            pl.BlockSpec((CBLK, _F), lambda i: (i, 0)),
            pl.BlockSpec((1, 1, CBLK), lambda i: (0, 0, i)),
            pl.BlockSpec((512, 128), lambda i: (0, 0)),
            pl.BlockSpec((1, 64), lambda i: (0, 0)),
        ],
        out_specs=[
            pl.BlockSpec((_B, 1), lambda i: (0, 0)),
            pl.BlockSpec((_B, 1), lambda i: (0, 0)),
            pl.BlockSpec((64, 1), lambda i: (0, 0)),
        ],
        out_shape=[
            jax.ShapeDtypeStruct((_B, 1), jnp.int32),
            jax.ShapeDtypeStruct((_B, 1), f32),
            jax.ShapeDtypeStruct((64, 1), jnp.int32),
        ],
        scratch_shapes=[pltpu.VMEM((_B, 128), f32),
                        pltpu.VMEM((_B, 128), f32),
                        pltpu.VMEM((_B, 128), jnp.int32),
                        pltpu.VMEM((512, 128), f32),
                        pltpu.VMEM((64, 1), jnp.int32)],
    )(query, memory, mem_priority.reshape(1, 1, 65536),
      mem_priority.reshape(512, 128), prio_row)
    idx_row = idx2.reshape(1, 64)

    best = best2.reshape(_B)
    imp = imp2.reshape(_B)

    targets_raw = _sc_gather(memory, best)

    dist, imps = pl.pallas_call(
        _k4_body,
        in_specs=[
            pl.BlockSpec((_B, _T, _F), lambda: (0, 0, 0)),
            pl.BlockSpec((_B, _F), lambda: (0, 0)),
            pl.BlockSpec((1, 64), lambda: (0, 0)),
            pl.BlockSpec((_B, _F), lambda: (0, 0)),
            pl.BlockSpec((_B, 1), lambda: (0, 0)),
            pl.BlockSpec((_B, 1), lambda: (0, 0)),
        ],
        out_specs=[
            pl.BlockSpec((_B, _T, 1), lambda: (0, 0, 0)),
            pl.BlockSpec((_B, _T, 1), lambda: (0, 0, 0)),
        ],
        out_shape=[
            jax.ShapeDtypeStruct((_B, _T, 1), f32),
            jax.ShapeDtypeStruct((_B, _T, 1), f32),
        ],
    )(inputs, targets_raw, idx_row, query, best2, imp2)

    return dist, imps, out

# --- scband reference (transcript-rebuilt; emitter-appended) ---
"""Pipeline reference for scband-sympathetic-circuit-61667140436067 (READ-ONLY COPY).

The authoritative reference and input builder live on the scoring server;
editing this copy changes nothing except your own understanding.
"""

import jax, jax.numpy as jnp
import numpy as np

UNITS = 256
S, A, R = 8, 8, 8
MEM = 65536
B, T, F = 64, 128, 256


def hard_sigmoid(x):
    return jnp.clip(0.2 * x + 0.5, 0.0, 1.0)


def find_max_path(space):
    # space: (T, S, A, R) per batch element (mirrors TF code after split+squeeze)
    s = jnp.sum(space[:, :, :, -1], axis=0)          # (S, A)
    max_index_features = jnp.argmax(s, axis=0)        # (A,) argmax over S (axis=-2)
    max_index_timesteps = jnp.argmax(s, axis=1)       # (S,) argmax over A (axis=2 in TF incl. batch dim)
    mp = jnp.take(space, max_index_features, axis=-1) # gather over R axis -> (T, S, A, A)
    mp = jnp.take(mp, max_index_timesteps, axis=0)    # gather over T axis -> (S, S, A, A)
    return jnp.max(jnp.max(mp, axis=0), axis=-1)      # (S, A)


def setup_inputs(seed: int = 0):
    key = jax.random.key(seed)
    ks = jax.random.split(key, 8)
    inputs = jax.random.normal(ks[0], (B, T, F), dtype=jnp.float32)
    W1 = jax.random.normal(ks[1], (F, UNITS), dtype=jnp.float32) * 0.05
    b1 = jnp.zeros((UNITS,), dtype=jnp.float32)
    W2 = jax.random.normal(ks[2], (UNITS, F), dtype=jnp.float32) * 0.05
    b2 = jnp.zeros((F,), dtype=jnp.float32)
    W_space = jax.random.normal(ks[3], (UNITS, S * A * R), dtype=jnp.float32) * 0.05
    memory = jax.random.normal(ks[4], (MEM, F), dtype=jnp.float32) * 0.05
    mem_priority = jax.random.uniform(ks[5], (MEM,), dtype=jnp.float32)
    return {"inputs": inputs, "W1": W1, "b1": b1, "W2": W2, "b2": b2,
            "W_space": W_space, "memory": memory, "mem_priority": mem_priority}


def reference(inputs, W1, b1, W2, b2, W_space, memory, mem_priority):
    Bd, Td, Fd = inputs.shape
    # EventSpace: hidden projection -> corrected context + (S,A,R) event space per token
    h = jnp.tanh(inputs @ W1 + b1)                      # (B, T, UNITS)
    output = h @ W2 + b2                                # (B, T, F) corrected context
    space = (h @ W_space).reshape(Bd, Td, S, A, R)      # (B, T, S, A, R)
    # max-path extraction per batch element (as in tf.split + find_max_path + concat)
    max_spaces = jax.vmap(find_max_path)(space)         # (B, S, A)
    # QueueMemory: scatter new entries into lowest-priority slots, then gather best match
    priority = jnp.mean(max_spaces, axis=(1, 2))        # (B,)
    query = jnp.mean(output, axis=1)                    # (B, F)
    idxs = jnp.argsort(mem_priority)[:Bd]               # B lowest-priority slots
    new_memory = memory.at[idxs].set(query)             # scatter-overwrite write
    new_prior = mem_priority.at[idxs].set(priority)
    sims = query @ new_memory.T + new_prior[None, :]    # (B, MEM)
    best = jnp.argmax(sims, axis=-1)                    # (B,)
    targets = jnp.take(new_memory, best, axis=0)        # gather read (B, F)
    importances = jnp.take_along_axis(jax.nn.softmax(sims, axis=-1), best[:, None], axis=1)[:, :, None]  # (B,1,1)
    distances = 0.5 - hard_sigmoid(jnp.linalg.norm(inputs - targets[:, None, :], axis=-1, keepdims=True))  # (B,T,1)
    importances = jnp.tile(importances, (1, Td, 1))     # (B,T,1)
    return distances, importances, output

if __name__ == "__main__":
    import jax
    _d = setup_inputs()
    print(jax.jit(kernel)(*tuple(_d.values())))

</pallas_src>

<mosaic_0001>
#map = affine_map<(d0, d1) -> (0, 0)>
#map1 = affine_map<(d0, d1) -> (0)>
module attributes {stable_mosaic.version = 14 : i64} {
  func.func @_sc_gather_body(%arg0: i32, %arg1: i32, %arg2: memref<65536x256xf32, #tpu.memory_space<hbm>>, %arg3: memref<64xi32, #tpu.memory_space<hbm>>, %arg4: memref<64x256xf32, #tpu.memory_space<hbm>>, %arg5: memref<64xi32, #tpu.memory_space<vmem>>, %arg6: memref<64x256xf32, #tpu.memory_space<vmem>>, %arg7: memref<!tpu.dma_semaphore, #tpu.memory_space<semaphore_mem>>) attributes {dimension_semantics = [#tpu.dimension_semantics<core_parallel>, #tpu.dimension_semantics<subcore_parallel>], iteration_bounds = array<i64: 2, 16>, scalar_prefetch = 0 : i64, scratch_operands = 3 : i64, tpu.core_type = #tpu.core_type<sc_vector_subcore>, window_params = [{transform_indices = #map}, {transform_indices = #map1}, {transform_indices = #map}]} {
    %mul3A = arith.constant 2 : i32
    %mul3A_0 = arith.muli %arg1, %mul3A : i32
    %add3A = arith.addi %mul3A_0, %arg0 : i32
    %eq3A = arith.constant 0 : i32
    %eq3A_1 = arith.cmpi eq, %add3A, %eq3A : i32
    %convert_element_type3A = arith.extui %eq3A_1 : i1 to i32
    %cond3A = arith.constant 0 : i32
    %cond3A_2 = arith.cmpi ne, %convert_element_type3A, %cond3A : i32
    scf.if %cond3A_2 {
      "tpu.region"() ({
        %run_scoped3A = tpu.sem_alloc : memref<!tpu.dma_semaphore, #tpu.memory_space<semaphore_mem>>
        tpu.enqueue_dma source(%arg3 : memref<64xi32, #tpu.memory_space<hbm>>) target(%arg5 : memref<64xi32, #tpu.memory_space<vmem>>) target_semaphore(%run_scoped3A : memref<!tpu.dma_semaphore, #tpu.memory_space<semaphore_mem>>)
        tpu.wait_dma2 semaphore(%run_scoped3A : memref<!tpu.dma_semaphore, #tpu.memory_space<semaphore_mem>>) src(%arg3 : memref<64xi32, #tpu.memory_space<hbm>>) dst(%arg5 : memref<64xi32, #tpu.memory_space<vmem>>)
        tpu.yield
      }) : () -> ()
      %dma_start3A = arith.constant 0 : i32
      %dma_start3A_3 = arith.constant 0 : i32
      %dma_start3A_4 = tpu.memref_slice %arg2[%dma_start3A, %dma_start3A_3] : memref<65536x256xf32, #tpu.memory_space<hbm>> -> memref<65536x256xf32, #tpu.memory_space<hbm>>
      tpu.enqueue_indirect_dma source(%dma_start3A_4 : memref<65536x256xf32, #tpu.memory_space<hbm>>) target(%arg6 : memref<64x256xf32, #tpu.memory_space<vmem>>) offsets(%arg5 : memref<64xi32, #tpu.memory_space<vmem>>) semaphore(%arg7 : memref<!tpu.dma_semaphore, #tpu.memory_space<semaphore_mem>>)
      %dma_wait3A = arith.constant 0 : i32
      %dma_wait3A_5 = arith.constant 0 : i32
      %dma_wait3A_6 = tpu.memref_slice %arg2[%dma_wait3A, %dma_wait3A_5] : memref<65536x256xf32, #tpu.memory_space<hbm>> -> memref<65536x256xf32, #tpu.memory_space<hbm>>
      tpu.wait_indirect_dma semaphore(%arg7 : memref<!tpu.dma_semaphore, #tpu.memory_space<semaphore_mem>>) src(%dma_wait3A_6 : memref<65536x256xf32, #tpu.memory_space<hbm>>) dst(%arg6 : memref<64x256xf32, #tpu.memory_space<vmem>>)
      "tpu.region"() ({
        %run_scoped3A = tpu.sem_alloc : memref<!tpu.dma_semaphore, #tpu.memory_space<semaphore_mem>>
        tpu.enqueue_dma source(%arg6 : memref<64x256xf32, #tpu.memory_space<vmem>>) target(%arg4 : memref<64x256xf32, #tpu.memory_space<hbm>>) target_semaphore(%run_scoped3A : memref<!tpu.dma_semaphore, #tpu.memory_space<semaphore_mem>>)
        tpu.wait_dma2 semaphore(%run_scoped3A : memref<!tpu.dma_semaphore, #tpu.memory_space<semaphore_mem>>) src(%arg6 : memref<64x256xf32, #tpu.memory_space<vmem>>) dst(%arg4 : memref<64x256xf32, #tpu.memory_space<hbm>>)
        tpu.yield
      }) : () -> ()
    } else {
    }
    return
  }
}

module attributes {stable_mosaic.version = 14 : i64} {
  func.func @_k1_body(%arg0: i32, %arg1: memref<8x128x256xf32, #tpu.memory_space<vmem>>, %arg2: memref<256x256xf32, #tpu.memory_space<vmem>>, %arg3: memref<1x256xf32, #tpu.memory_space<vmem>>, %arg4: memref<256x256xf32, #tpu.memory_space<vmem>>, %arg5: memref<1x256xf32, #tpu.memory_space<vmem>>, %arg6: memref<256x512xf32, #tpu.memory_space<vmem>>, %arg7: memref<8x128x256xf32, #tpu.memory_space<vmem>>, %arg8: memref<8x1x256xf32, #tpu.memory_space<vmem>>, %arg9: memref<8x1x128xf32, #tpu.memory_space<vmem>>) attributes {dimension_semantics = [#tpu.dimension_semantics<arbitrary>], iteration_bounds = array<i64: 8>, scalar_prefetch = 0 : i64, scratch_operands = 0 : i64, tpu.core_type = #tpu.core_type<tc>, window_params = [{transform_indices = @transform_0, window_bounds = array<i64: 8, 128, 256>}, {pipeline_mode = #tpu.pipeline_mode<synchronous>, transform_indices = @transform_1, window_bounds = array<i64: 256, 256>}, {pipeline_mode = #tpu.pipeline_mode<synchronous>, transform_indices = @transform_2, window_bounds = array<i64: 1, 256>}, {pipeline_mode = #tpu.pipeline_mode<synchronous>, transform_indices = @transform_3, window_bounds = array<i64: 256, 256>}, {pipeline_mode = #tpu.pipeline_mode<synchronous>, transform_indices = @transform_4, window_bounds = array<i64: 1, 256>}, {pipeline_mode = #tpu.pipeline_mode<synchronous>, transform_indices = @transform_5, window_bounds = array<i64: 256, 512>}, {transform_indices = @transform_6, window_bounds = array<i64: 8, 128, 256>}, {transform_indices = @transform_7, window_bounds = array<i64: 8, 1, 256>}, {transform_indices = @transform_8, window_bounds = array<i64: 8, 1, 128>}]} {
    %get3A = arith.constant 0 : index
    %get3A_0 = arith.constant 0 : index
    %get3A_1 = arith.constant 0 : index
    %get3A_2 = vector.load %arg1[%get3A, %get3A_0, %get3A_1] : memref<8x128x256xf32, #tpu.memory_space<vmem>>, vector<8x128x256xf32>
    %reshape3A = vector.shape_cast %get3A_2 : vector<8x128x256xf32> to vector<1024x256xf32>
    %get3A_3 = arith.constant 0 : index
    %get3A_4 = arith.constant 0 : index
    %get3A_5 = vector.load %arg2[%get3A_3, %get3A_4] : memref<256x256xf32, #tpu.memory_space<vmem>>, vector<256x256xf32>
    %dot_general3A = arith.constant dense<0.000000e+00> : vector<1024x256xf32>
    %dot_general3A_6 = tpu.matmul %reshape3A, %get3A_5, %dot_general3A {dimension_numbers = #tpu.dot_dimension_numbers<[1], [0], [0], [1], [0, 0, 1, 1], [], []>, transpose_lhs_hint = false} : vector<1024x256xf32>, vector<256x256xf32>, vector<1024x256xf32> -> vector<1024x256xf32>
    %get3A_7 = arith.constant 0 : index
    %get3A_8 = arith.constant 0 : index
    %get3A_9 = vector.load %arg3[%get3A_7, %get3A_8] : memref<1x256xf32, #tpu.memory_space<vmem>>, vector<1x256xf32>
    %add3A = vector.broadcast %get3A_9 : vector<1x256xf32> to vector<1024x256xf32>
    %add3A_10 = arith.addf %dot_general3A_6, %add3A : vector<1024x256xf32>
    %tanh3A = math.tanh %add3A_10 : vector<1024x256xf32>
    %get3A_11 = arith.constant 0 : index
    %get3A_12 = arith.constant 0 : index
    %get3A_13 = vector.load %arg4[%get3A_11, %get3A_12] : memref<256x256xf32, #tpu.memory_space<vmem>>, vector<256x256xf32>
    %dot_general3A_14 = arith.constant dense<0.000000e+00> : vector<1024x256xf32>
    %dot_general3A_15 = tpu.matmul %tanh3A, %get3A_13, %dot_general3A_14 {dimension_numbers = #tpu.dot_dimension_numbers<[1], [0], [0], [1], [0, 0, 1, 1], [], []>, transpose_lhs_hint = false} : vector<1024x256xf32>, vector<256x256xf32>, vector<1024x256xf32> -> vector<1024x256xf32>
    %get3A_16 = arith.constant 0 : index
    %get3A_17 = arith.constant 0 : index
    %get3A_18 = vector.load %arg5[%get3A_16, %get3A_17] : memref<1x256xf32, #tpu.memory_space<vmem>>, vector<1x256xf32>
    %add3A_19 = vector.broadcast %get3A_18 : vector<1x256xf32> to vector<1024x256xf32>
    %add3A_20 = arith.addf %dot_general3A_15, %add3A_19 : vector<1024x256xf32>
    %reshape3A_21 = vector.shape_cast %add3A_20 : vector<1024x256xf32> to vector<8x128x256xf32>
    %swap3A = arith.constant 0 : index
    %swap3A_22 = arith.constant 0 : index
    %swap3A_23 = arith.constant 0 : index
    %swap3A_24 = vector.load %arg7[%swap3A, %swap3A_22, %swap3A_23] : memref<8x128x256xf32, #tpu.memory_space<vmem>>, vector<8x128x256xf32>
    tpu.vector_store %arg7[%swap3A, %swap3A_22, %swap3A_23], %reshape3A_21 {strides = array<i32>} : memref<8x128x256xf32, #tpu.memory_space<vmem>>, vector<8x128x256xf32>,
    %get3A_25 = arith.constant 0 : index
    %get3A_26 = arith.constant 0 : index
    %get3A_27 = vector.load %arg6[%get3A_25, %get3A_26] : memref<256x512xf32, #tpu.memory_space<vmem>>, vector<256x512xf32>
    %dot_general3A_28 = arith.constant dense<0.000000e+00> : vector<1024x512xf32>
    %dot_general3A_29 = tpu.matmul %tanh3A, %get3A_27, %dot_general3A_28 {dimension_numbers = #tpu.dot_dimension_numbers<[1], [0], [0], [1], [0, 0, 1, 1], [], []>, transpose_lhs_hint = false} : vector<1024x256xf32>, vector<256x512xf32>, vector<1024x512xf32> -> vector<1024x512xf32>
    %slice3A = vector.extract_strided_slice %add3A_20 {offsets = [0, 0], sizes = [128, 256], strides = [1, 1]} : vector<1024x256xf32> to vector<128x256xf32>
    %reduce_sum3A = arith.constant dense<0.000000e+00> : vector<256xf32>
    %reduce_sum3A_30 = vector.multi_reduction <add>, %slice3A, %reduce_sum3A [0] : vector<128x256xf32> to vector<256xf32>
    %broadcast_in_dim3A = vector.shape_cast %reduce_sum3A_30 : vector<256xf32> to vector<1x256xf32>
    %div3A = arith.constant 1.280000e+02 : f32
    %div3A_31 = vector.broadcast %div3A : f32 to vector<1x256xf32>
    %div3A_32 = arith.divf %broadcast_in_dim3A, %div3A_31 : vector<1x256xf32>
    %swap3A_33 = arith.constant 0 : index
    %swap3A_34 = arith.constant 0 : index
    %swap3A_35 = arith.constant 0 : index
    %swap3A_36 = vector.load %arg8[%swap3A_33, %swap3A_34, %swap3A_35] : memref<8x1x256xf32, #tpu.memory_space<vmem>>, vector<1x1x256xf32>
    %swap3A_37 = vector.shape_cast %swap3A_36 : vector<1x1x256xf32> to vector<1x256xf32>
    %swap3A_38 = vector.shape_cast %div3A_32 : vector<1x256xf32> to vector<1x1x256xf32>
    tpu.vector_store %arg8[%swap3A_33, %swap3A_34, %swap3A_35], %swap3A_38 {strides = array<i32>} : memref<8x1x256xf32, #tpu.memory_space<vmem>>, vector<1x1x256xf32>,
    %slice3A_39 = vector.extract_strided_slice %dot_general3A_29 {offsets = [0, 0], sizes = [128, 512], strides = [1, 1]} : vector<1024x512xf32> to vector<128x512xf32>
    %slice3A_40 = vector.extract_strided_slice %slice3A_39 {offsets = [0, 448], sizes = [128, 64], strides = [1, 1]} : vector<128x512xf32> to vector<128x64xf32>
    %reduce_sum3A_41 = arith.constant dense<0.000000e+00> : vector<64xf32>
    %reduce_sum3A_42 = vector.multi_reduction <add>, %slice3A_40, %reduce_sum3A_41 [0] : vector<128x64xf32> to vector<64xf32>
    %broadcast_in_dim3A_43 = vector.shape_cast %reduce_sum3A_42 : vector<64xf32> to vector<64x1xf32>
    %iota3A = tpu.iota {dimensions = array<i32: 0>} : vector<64x8xi32>
    %iota3A_44 = tpu.iota {dimensions = array<i32: 1>} : vector<64x8xi32>
    %jit3A = arith.constant 8 : i32
    %eq3A = arith.constant 0 : i32
    %eq3A_45 = arith.cmpi eq, %jit3A, %eq3A : i32
    %jit3A_46 = arith.constant 1 : i32
    %select_n3A = arith.select %eq3A_45, %jit3A_46, %jit3A : i32
    %rem3A = vector.broadcast %select_n3A : i32 to vector<64x8xi32>
    %rem3A_47 = arith.remsi %iota3A, %rem3A : vector<64x8xi32>
    %ne3A = arith.constant 0 : i32
    %ne3A_48 = vector.broadcast %ne3A : i32 to vector<64x8xi32>
    %ne3A_49 = arith.cmpi ne, %rem3A_47, %ne3A_48 : vector<64x8xi32>
    %lt3A = arith.constant 0 : i32
    %lt3A_50 = vector.broadcast %lt3A : i32 to vector<64x8xi32>
    %lt3A_51 = arith.cmpi slt, %rem3A_47, %lt3A_50 : vector<64x8xi32>
    %lt3A_52 = arith.constant 0 : i32
    %lt3A_53 = arith.cmpi slt, %select_n3A, %lt3A_52 : i32
    %ne3A_54 = vector.broadcast %lt3A_53 : i1 to vector<64x8xi1>
    %ne3A_55 = vector.broadcast %ne3A_54 : vector<64x8xi1> to vector<64x8xi1>
    %ne3A_56 = arith.xori %lt3A_51, %ne3A_55 : vector<64x8xi1>
    %and3A = arith.andi %ne3A_56, %ne3A_49 : vector<64x8xi1>
    %add3A_57 = vector.broadcast %select_n3A : i32 to vector<64x8xi32>
    %add3A_58 = arith.addi %rem3A_47, %add3A_57 : vector<64x8xi32>
    %select_n3A_59 = arith.select %and3A, %add3A_58, %rem3A_47 : vector<64x8xi1>, vector<64x8xi32>
    %eq3A_60 = arith.cmpi eq, %select_n3A_59, %iota3A_44 : vector<64x8xi32>
    %jit3A_61 = arith.constant -3.000000e+38 : f32
    %broadcast_in_dim3A_62 = vector.shape_cast %broadcast_in_dim3A_43 : vector<64x1xf32> to vector<64x1xf32>
    %broadcast_in_dim3A_63 = vector.broadcast %broadcast_in_dim3A_62 : vector<64x1xf32> to vector<64x8xf32>
    %broadcast_in_dim3A_64 = vector.broadcast %jit3A_61 : f32 to vector<64x8xf32>
    %select_n3A_65 = arith.select %eq3A_60, %broadcast_in_dim3A_63, %broadcast_in_dim3A_64 : vector<64x8xi1>, vector<64x8xf32>
    %reduce_max3A = arith.constant dense<0xFF800000> : vector<8xf32>
    %reduce_max3A_66 = vector.multi_reduction <maximumf>, %select_n3A_65, %reduce_max3A [0] : vector<64x8xf32> to vector<8xf32>
    %broadcast_in_dim3A_67 = vector.shape_cast %reduce_max3A_66 : vector<8xf32> to vector<1x8xf32>
    %eq3A_68 = vector.broadcast %broadcast_in_dim3A_67 : vector<1x8xf32> to vector<64x8xf32>
    %eq3A_69 = arith.cmpf oeq, %select_n3A_65, %eq3A_68 : vector<64x8xf32>
    %jit3A_70 = arith.constant 8 : i32
    %div3A_71 = vector.broadcast %jit3A_70 : i32 to vector<64x8xi32>
    %div3A_72 = arith.divsi %iota3A, %div3A_71 : vector<64x8xi32>
    %sign3A = arith.constant 0 : i32
    %sign3A_73 = vector.broadcast %sign3A : i32 to vector<64x8xi32>
    %sign3A_74 = arith.cmpi sgt, %iota3A, %sign3A_73 : vector<64x8xi32>
    %sign3A_75 = arith.extui %sign3A_74 : vector<64x8xi1> to vector<64x8xi32>
    %sign3A_76 = arith.constant 0 : i32
    %sign3A_77 = vector.broadcast %sign3A_76 : i32 to vector<64x8xi32>
    %sign3A_78 = arith.cmpi slt, %iota3A, %sign3A_77 : vector<64x8xi32>
    %sign3A_79 = arith.extui %sign3A_78 : vector<64x8xi1> to vector<64x8xi32>
    %sign3A_80 = arith.subi %sign3A_75, %sign3A_79 : vector<64x8xi32>
    %sign3A_81 = arith.constant 0 : i32
    %sign3A_82 = arith.cmpi sgt, %jit3A_70, %sign3A_81 : i32
    %sign3A_83 = arith.extui %sign3A_82 : i1 to i32
    %sign3A_84 = arith.constant 0 : i32
    %sign3A_85 = arith.cmpi slt, %jit3A_70, %sign3A_84 : i32
    %sign3A_86 = arith.extui %sign3A_85 : i1 to i32
    %sign3A_87 = arith.subi %sign3A_83, %sign3A_86 : i32
    %ne3A_88 = vector.broadcast %sign3A_87 : i32 to vector<64x8xi32>
    %ne3A_89 = arith.cmpi ne, %sign3A_80, %ne3A_88 : vector<64x8xi32>
    %rem3A_90 = vector.broadcast %jit3A_70 : i32 to vector<64x8xi32>
    %rem3A_91 = arith.remsi %iota3A, %rem3A_90 : vector<64x8xi32>
    %ne3A_92 = arith.constant 0 : i32
    %ne3A_93 = vector.broadcast %ne3A_92 : i32 to vector<64x8xi32>
    %ne3A_94 = arith.cmpi ne, %rem3A_91, %ne3A_93 : vector<64x8xi32>
    %and3A_95 = arith.andi %ne3A_89, %ne3A_94 : vector<64x8xi1>
    %sub3A = arith.constant 1 : i32
    %sub3A_96 = vector.broadcast %sub3A : i32 to vector<64x8xi32>
    %sub3A_97 = arith.subi %div3A_72, %sub3A_96 : vector<64x8xi32>
    %select_n3A_98 = arith.select %and3A_95, %sub3A_97, %div3A_72 : vector<64x8xi1>, vector<64x8xi32>
    %jit3A_99 = arith.constant 127 : i32
    %broadcast_in_dim3A_100 = vector.broadcast %jit3A_99 : i32 to vector<64x8xi32>
    %select_n3A_101 = arith.select %eq3A_69, %select_n3A_98, %broadcast_in_dim3A_100 : vector<64x8xi1>, vector<64x8xi32>
    %reduce_min3A = arith.constant dense<2147483647> : vector<8xi32>
    %reduce_min3A_102 = vector.multi_reduction <minsi>, %select_n3A_101, %reduce_min3A [0] : vector<64x8xi32> to vector<8xi32>
    %jit3A_103 = arith.constant 8 : i32
    %div3A_104 = vector.broadcast %jit3A_103 : i32 to vector<64x8xi32>
    %div3A_105 = arith.divsi %iota3A, %div3A_104 : vector<64x8xi32>
    %sign3A_106 = arith.constant 0 : i32
    %sign3A_107 = vector.broadcast %sign3A_106 : i32 to vector<64x8xi32>
    %sign3A_108 = arith.cmpi sgt, %iota3A, %sign3A_107 : vector<64x8xi32>
    %sign3A_109 = arith.extui %sign3A_108 : vector<64x8xi1> to vector<64x8xi32>
    %sign3A_110 = arith.constant 0 : i32
    %sign3A_111 = vector.broadcast %sign3A_110 : i32 to vector<64x8xi32>
    %sign3A_112 = arith.cmpi slt, %iota3A, %sign3A_111 : vector<64x8xi32>
    %sign3A_113 = arith.extui %sign3A_112 : vector<64x8xi1> to vector<64x8xi32>
    %sign3A_114 = arith.subi %sign3A_109, %sign3A_113 : vector<64x8xi32>
    %sign3A_115 = arith.constant 0 : i32
    %sign3A_116 = arith.cmpi sgt, %jit3A_103, %sign3A_115 : i32
    %sign3A_117 = arith.extui %sign3A_116 : i1 to i32
    %sign3A_118 = arith.constant 0 : i32
    %sign3A_119 = arith.cmpi slt, %jit3A_103, %sign3A_118 : i32
    %sign3A_120 = arith.extui %sign3A_119 : i1 to i32
    %sign3A_121 = arith.subi %sign3A_117, %sign3A_120 : i32
    %ne3A_122 = vector.broadcast %sign3A_121 : i32 to vector<64x8xi32>
    %ne3A_123 = arith.cmpi ne, %sign3A_114, %ne3A_122 : vector<64x8xi32>
    %rem3A_124 = vector.broadcast %jit3A_103 : i32 to vector<64x8xi32>
    %rem3A_125 = arith.remsi %iota3A, %rem3A_124 : vector<64x8xi32>
    %ne3A_126 = arith.constant 0 : i32
    %ne3A_127 = vector.broadcast %ne3A_126 : i32 to vector<64x8xi32>
    %ne3A_128 = arith.cmpi ne, %rem3A_125, %ne3A_127 : vector<64x8xi32>
    %and3A_129 = arith.andi %ne3A_123, %ne3A_128 : vector<64x8xi1>
    %sub3A_130 = arith.constant 1 : i32
    %sub3A_131 = vector.broadcast %sub3A_130 : i32 to vector<64x8xi32>
    %sub3A_132 = arith.subi %div3A_105, %sub3A_131 : vector<64x8xi32>
    %select_n3A_133 = arith.select %and3A_129, %sub3A_132, %div3A_105 : vector<64x8xi1>, vector<64x8xi32>
    %eq3A_134 = arith.cmpi eq, %select_n3A_133, %iota3A_44 : vector<64x8xi32>
    %jit3A_135 = arith.constant -3.000000e+38 : f32
    %broadcast_in_dim3A_136 = vector.shape_cast %broadcast_in_dim3A_43 : vector<64x1xf32> to vector<64x1xf32>
    %broadcast_in_dim3A_137 = vector.broadcast %broadcast_in_dim3A_136 : vector<64x1xf32> to vector<64x8xf32>
    %broadcast_in_dim3A_138 = vector.broadcast %jit3A_135 : f32 to vector<64x8xf32>
    %select_n3A_139 = arith.select %eq3A_134, %broadcast_in_dim3A_137, %broadcast_in_dim3A_138 : vector<64x8xi1>, vector<64x8xf32>
    %reduce_max3A_140 = arith.constant dense<0xFF800000> : vector<8xf32>
    %reduce_max3A_141 = vector.multi_reduction <maximumf>, %select_n3A_139, %reduce_max3A_140 [0] : vector<64x8xf32> to vector<8xf32>
    %broadcast_in_dim3A_142 = vector.shape_cast %reduce_max3A_141 : vector<8xf32> to vector<1x8xf32>
    %eq3A_143 = vector.broadcast %broadcast_in_dim3A_142 : vector<1x8xf32> to vector<64x8xf32>
    %eq3A_144 = arith.cmpf oeq, %select_n3A_139, %eq3A_143 : vector<64x8xf32>
    %jit3A_145 = arith.constant 8 : i32
    %eq3A_146 = arith.constant 0 : i32
    %eq3A_147 = arith.cmpi eq, %jit3A_145, %eq3A_146 : i32
    %jit3A_148 = arith.constant 1 : i32
    %select_n3A_149 = arith.select %eq3A_147, %jit3A_148, %jit3A_145 : i32
    %rem3A_150 = vector.broadcast %select_n3A_149 : i32 to vector<64x8xi32>
    %rem3A_151 = arith.remsi %iota3A, %rem3A_150 : vector<64x8xi32>
    %ne3A_152 = arith.constant 0 : i32
    %ne3A_153 = vector.broadcast %ne3A_152 : i32 to vector<64x8xi32>
    %ne3A_154 = arith.cmpi ne, %rem3A_151, %ne3A_153 : vector<64x8xi32>
    %lt3A_155 = arith.constant 0 : i32
    %lt3A_156 = vector.broadcast %lt3A_155 : i32 to vector<64x8xi32>
    %lt3A_157 = arith.cmpi slt, %rem3A_151, %lt3A_156 : vector<64x8xi32>
    %lt3A_158 = arith.constant 0 : i32
    %lt3A_159 = arith.cmpi slt, %select_n3A_149, %lt3A_158 : i32
    %ne3A_160 = vector.broadcast %lt3A_159 : i1 to vector<64x8xi1>
    %ne3A_161 = vector.broadcast %ne3A_160 : vector<64x8xi1> to vector<64x8xi1>
    %ne3A_162 = arith.xori %lt3A_157, %ne3A_161 : vector<64x8xi1>
    %and3A_163 = arith.andi %ne3A_162, %ne3A_154 : vector<64x8xi1>
    %add3A_164 = vector.broadcast %select_n3A_149 : i32 to vector<64x8xi32>
    %add3A_165 = arith.addi %rem3A_151, %add3A_164 : vector<64x8xi32>
    %select_n3A_166 = arith.select %and3A_163, %add3A_165, %rem3A_151 : vector<64x8xi1>, vector<64x8xi32>
    %jit3A_167 = arith.constant 127 : i32
    %broadcast_in_dim3A_168 = vector.broadcast %jit3A_167 : i32 to vector<64x8xi32>
    %select_n3A_169 = arith.select %eq3A_144, %select_n3A_166, %broadcast_in_dim3A_168 : vector<64x8xi1>, vector<64x8xi32>
    %reduce_min3A_170 = arith.constant dense<2147483647> : vector<8xi32>
    %reduce_min3A_171 = vector.multi_reduction <minsi>, %select_n3A_169, %reduce_min3A_170 [0] : vector<64x8xi32> to vector<8xi32>
    %slice3A_172 = vector.extract_strided_slice %slice3A_39 {offsets = [0, 0], sizes = [8, 512], strides = [1, 1]} : vector<128x512xf32> to vector<8x512xf32>
    %iota3A_173 = tpu.iota {dimensions = array<i32: 1>} : vector<8x512xi32>
    %broadcast_in_dim3A_174 = vector.shape_cast %reduce_min3A_102 : vector<8xi32> to vector<8x1xi32>
    %jit3A_175 = arith.constant 64 : i32
    %div3A_176 = vector.broadcast %jit3A_175 : i32 to vector<8x512xi32>
    %div3A_177 = arith.divsi %iota3A_173, %div3A_176 : vector<8x512xi32>
    %sign3A_178 = arith.constant 0 : i32
    %sign3A_179 = vector.broadcast %sign3A_178 : i32 to vector<8x512xi32>
    %sign3A_180 = arith.cmpi sgt, %iota3A_173, %sign3A_179 : vector<8x512xi32>
    %sign3A_181 = arith.extui %sign3A_180 : vector<8x512xi1> to vector<8x512xi32>
    %sign3A_182 = arith.constant 0 : i32
    %sign3A_183 = vector.broadcast %sign3A_182 : i32 to vector<8x512xi32>
    %sign3A_184 = arith.cmpi slt, %iota3A_173, %sign3A_183 : vector<8x512xi32>
    %sign3A_185 = arith.extui %sign3A_184 : vector<8x512xi1> to vector<8x512xi32>
    %sign3A_186 = arith.subi %sign3A_181, %sign3A_185 : vector<8x512xi32>
    %sign3A_187 = arith.constant 0 : i32
    %sign3A_188 = arith.cmpi sgt, %jit3A_175, %sign3A_187 : i32
    %sign3A_189 = arith.extui %sign3A_188 : i1 to i32
    %sign3A_190 = arith.constant 0 : i32
    %sign3A_191 = arith.cmpi slt, %jit3A_175, %sign3A_190 : i32
    %sign3A_192 = arith.extui %sign3A_191 : i1 to i32
    %sign3A_193 = arith.subi %sign3A_189, %sign3A_192 : i32
    %ne3A_194 = vector.broadcast %sign3A_193 : i32 to vector<8x512xi32>
    %ne3A_195 = arith.cmpi ne, %sign3A_186, %ne3A_194 : vector<8x512xi32>
    %rem3A_196 = vector.broadcast %jit3A_175 : i32 to vector<8x512xi32>
    %rem3A_197 = arith.remsi %iota3A_173, %rem3A_196 : vector<8x512xi32>
    %ne3A_198 = arith.constant 0 : i32
    %ne3A_199 = vector.broadcast %ne3A_198 : i32 to vector<8x512xi32>
    %ne3A_200 = arith.cmpi ne, %rem3A_197, %ne3A_199 : vector<8x512xi32>
    %and3A_201 = arith.andi %ne3A_195, %ne3A_200 : vector<8x512xi1>
    %sub3A_202 = arith.constant 1 : i32
    %sub3A_203 = vector.broadcast %sub3A_202 : i32 to vector<8x512xi32>
    %sub3A_204 = arith.subi %div3A_177, %sub3A_203 : vector<8x512xi32>
    %select_n3A_205 = arith.select %and3A_201, %sub3A_204, %div3A_177 : vector<8x512xi1>, vector<8x512xi32>
    %eq3A_206 = vector.broadcast %broadcast_in_dim3A_174 : vector<8x1xi32> to vector<8x512xi32>
    %eq3A_207 = arith.cmpi eq, %eq3A_206, %select_n3A_205 : vector<8x512xi32>
    %jit3A_208 = arith.constant 1.000000e+00 : f32
    %jit3A_209 = arith.constant 0.000000e+00 : f32
    %broadcast_in_dim3A_210 = vector.broadcast %jit3A_208 : f32 to vector<8x512xf32>
    %broadcast_in_dim3A_211 = vector.broadcast %jit3A_209 : f32 to vector<8x512xf32>
    %select_n3A_212 = arith.select %eq3A_207, %broadcast_in_dim3A_210, %broadcast_in_dim3A_211 : vector<8x512xi1>, vector<8x512xf32>
    %reduce_max3A_213 = arith.constant dense<0xFF800000> : vector<512xf32>
    %reduce_max3A_214 = vector.multi_reduction <maximumf>, %select_n3A_212, %reduce_max3A_213 [0] : vector<8x512xf32> to vector<512xf32>
    %broadcast_in_dim3A_215 = vector.shape_cast %reduce_max3A_214 : vector<512xf32> to vector<1x512xf32>
    %iota3A_216 = tpu.iota {dimensions = array<i32: 0>} : vector<8x8xi32>
    %broadcast_in_dim3A_217 = vector.shape_cast %reduce_min3A_171 : vector<8xi32> to vector<1x8xi32>
    %eq3A_218 = vector.broadcast %broadcast_in_dim3A_217 : vector<1x8xi32> to vector<8x8xi32>
    %eq3A_219 = arith.cmpi eq, %eq3A_218, %iota3A_216 : vector<8x8xi32>
    %jit3A_220 = arith.constant 1.000000e+00 : f32
    %jit3A_221 = arith.constant 0.000000e+00 : f32
    %broadcast_in_dim3A_222 = vector.broadcast %jit3A_220 : f32 to vector<8x8xf32>
    %broadcast_in_dim3A_223 = vector.broadcast %jit3A_221 : f32 to vector<8x8xf32>
    %select_n3A_224 = arith.select %eq3A_219, %broadcast_in_dim3A_222, %broadcast_in_dim3A_223 : vector<8x8xi1>, vector<8x8xf32>
    %reduce_max3A_225 = arith.constant dense<0xFF800000> : vector<8xf32>
    %reduce_max3A_226 = vector.multi_reduction <maximumf>, %select_n3A_224, %reduce_max3A_225 [1] : vector<8x8xf32> to vector<8xf32>
    %broadcast_in_dim3A_227 = vector.shape_cast %reduce_max3A_226 : vector<8xf32> to vector<8x1xf32>
    %gt3A = arith.constant 0.000000e+00 : f32
    %gt3A_228 = vector.broadcast %gt3A : f32 to vector<8x1xf32>
    %gt3A_229 = arith.cmpf ogt, %broadcast_in_dim3A_227, %gt3A_228 : vector<8x1xf32>
    %gt3A_230 = arith.constant 0.000000e+00 : f32
    %gt3A_231 = vector.broadcast %gt3A_230 : f32 to vector<1x512xf32>
    %gt3A_232 = arith.cmpf ogt, %broadcast_in_dim3A_215, %gt3A_231 : vector<1x512xf32>
    %and3A_233 = vector.broadcast %gt3A_229 : vector<8x1xi1> to vector<8x512xi1>
    %and3A_234 = vector.broadcast %gt3A_232 : vector<1x512xi1> to vector<8x512xi1>
    %and3A_235 = arith.andi %and3A_233, %and3A_234 : vector<8x512xi1>
    %jit3A_236 = arith.constant -3.000000e+38 : f32
    %broadcast_in_dim3A_237 = vector.broadcast %jit3A_236 : f32 to vector<8x512xf32>
    %select_n3A_238 = arith.select %and3A_235, %slice3A_172, %broadcast_in_dim3A_237 : vector<8x512xi1>, vector<8x512xf32>
    %reduce_max3A_239 = arith.constant dense<0xFF800000> : vector<512xf32>
    %reduce_max3A_240 = vector.multi_reduction <maximumf>, %select_n3A_238, %reduce_max3A_239 [0] : vector<8x512xf32> to vector<512xf32>
    %broadcast_in_dim3A_241 = vector.shape_cast %reduce_max3A_240 : vector<512xf32> to vector<1x512xf32>
    %slice3A_242 = vector.extract_strided_slice %broadcast_in_dim3A_241 {offsets = [0, 0], sizes = [1, 64], strides = [1, 1]} : vector<1x512xf32> to vector<1x64xf32>
    %slice3A_243 = vector.extract_strided_slice %broadcast_in_dim3A_241 {offsets = [0, 64], sizes = [1, 64], strides = [1, 1]} : vector<1x512xf32> to vector<1x64xf32>
    %max3A = arith.maximumf %slice3A_242, %slice3A_243 : vector<1x64xf32>
    %slice3A_244 = vector.extract_strided_slice %broadcast_in_dim3A_241 {offsets = [0, 128], sizes = [1, 64], strides = [1, 1]} : vector<1x512xf32> to vector<1x64xf32>
    %max3A_245 = arith.maximumf %max3A, %slice3A_244 : vector<1x64xf32>
    %slice3A_246 = vector.extract_strided_slice %broadcast_in_dim3A_241 {offsets = [0, 192], sizes = [1, 64], strides = [1, 1]} : vector<1x512xf32> to vector<1x64xf32>
    %max3A_247 = arith.maximumf %max3A_245, %slice3A_246 : vector<1x64xf32>
    %slice3A_248 = vector.extract_strided_slice %broadcast_in_dim3A_241 {offsets = [0, 256], sizes = [1, 64], strides = [1, 1]} : vector<1x512xf32> to vector<1x64xf32>
    %max3A_249 = arith.maximumf %max3A_247, %slice3A_248 : vector<1x64xf32>
    %slice3A_250 = vector.extract_strided_slice %broadcast_in_dim3A_241 {offsets = [0, 320], sizes = [1, 64], strides = [1, 1]} : vector<1x512xf32> to vector<1x64xf32>
    %max3A_251 = arith.maximumf %max3A_249, %slice3A_250 : vector<1x64xf32>
    %slice3A_252 = vector.extract_strided_slice %broadcast_in_dim3A_241 {offsets = [0, 384], sizes = [1, 64], strides = [1, 1]} : vector<1x512xf32> to vector<1x64xf32>
    %max3A_253 = arith.maximumf %max3A_251, %slice3A_252 : vector<1x64xf32>
    %slice3A_254 = vector.extract_strided_slice %broadcast_in_dim3A_241 {offsets = [0, 448], sizes = [1, 64], strides = [1, 1]} : vector<1x512xf32> to vector<1x64xf32>
    %max3A_255 = arith.maximumf %max3A_253, %slice3A_254 : vector<1x64xf32>
    %reduce_sum3A_256 = vector.shape_cast %max3A_255 : vector<1x64xf32> to vector<1x1x64xf32>
    %reduce_sum3A_257 = arith.constant dense<0.000000e+00> : vector<1xf32>
    %reduce_sum3A_258 = vector.multi_reduction <add>, %reduce_sum3A_256, %reduce_sum3A_257 [1, 2] : vector<1x1x64xf32> to vector<1xf32>
    %reduce_sum3A_259 = vector.shape_cast %reduce_sum3A_258 : vector<1xf32> to vector<1x1x1xf32>
    %reduce_sum3A_260 = vector.extract %reduce_sum3A_259[0, 0, 0] : f32 from vector<1x1x1xf32>
    %mul3A = arith.constant 1.562500e-02 : f32
    %mul3A_261 = arith.mulf %reduce_sum3A_260, %mul3A : f32
    %broadcast_in_dim3A_262 = vector.broadcast %mul3A_261 : f32 to vector<1x128xf32>
    %swap3A_263 = arith.constant 0 : index
    %swap3A_264 = arith.constant 0 : index
    %swap3A_265 = arith.constant 0 : index
    %swap3A_266 = vector.load %arg9[%swap3A_263, %swap3A_264, %swap3A_265] : memref<8x1x128xf32, #tpu.memory_space<vmem>>, vector<1x1x128xf32>
    %swap3A_267 = vector.shape_cast %swap3A_266 : vector<1x1x128xf32> to vector<1x128xf32>
    %swap3A_268 = vector.shape_cast %broadcast_in_dim3A_262 : vector<1x128xf32> to vector<1x1x128xf32>
    tpu.vector_store %arg9[%swap3A_263, %swap3A_264, %swap3A_265], %swap3A_268 {strides = array<i32>} : memref<8x1x128xf32, #tpu.memory_space<vmem>>, vector<1x1x128xf32>,
    %slice3A_269 = vector.extract_strided_slice %add3A_20 {offsets = [128, 0], sizes = [128, 256], strides = [1, 1]} : vector<1024x256xf32> to vector<128x256xf32>
    %reduce_sum3A_270 = arith.constant dense<0.000000e+00> : vector<256xf32>
    %reduce_sum3A_271 = vector.multi_reduction <add>, %slice3A_269, %reduce_sum3A_270 [0] : vector<128x256xf32> to vector<256xf32>
    %broadcast_in_dim3A_272 = vector.shape_cast %reduce_sum3A_271 : vector<256xf32> to vector<1x256xf32>
    %div3A_273 = arith.constant 1.280000e+02 : f32
    %div3A_274 = vector.broadcast %div3A_273 : f32 to vector<1x256xf32>
    %div3A_275 = arith.divf %broadcast_in_dim3A_272, %div3A_274 : vector<1x256xf32>
    %swap3A_276 = arith.constant 1 : index
    %swap3A_277 = arith.constant 0 : index
    %swap3A_278 = arith.constant 0 : index
    %swap3A_279 = vector.load %arg8[%swap3A_276, %swap3A_277, %swap3A_278] : memref<8x1x256xf32, #tpu.memory_space<vmem>>, vector<1x1x256xf32>
    %swap3A_280 = vector.shape_cast %swap3A_279 : vector<1x1x256xf32> to vector<1x256xf32>
    %swap3A_281 = vector.shape_cast %div3A_275 : vector<1x256xf32> to vector<1x1x256xf32>
    tpu.vector_store %arg8[%swap3A_276, %swap3A_277, %swap3A_278], %swap3A_281 {strides = array<i32>} : memref<8x1x256xf32, #tpu.memory_space<vmem>>, vector<1x1x256xf32>,
    %slice3A_282 = vector.extract_strided_slice %dot_general3A_29 {offsets = [128, 0], sizes = [128, 512], strides = [1, 1]} : vector<1024x512xf32> to vector<128x512xf32>
    %slice3A_283 = vector.extract_strided_slice %slice3A_282 {offsets = [0, 448], sizes = [128, 64], strides = [1, 1]} : vector<128x512xf32> to vector<128x64xf32>
    %reduce_sum3A_284 = arith.constant dense<0.000000e+00> : vector<64xf32>
    %reduce_sum3A_285 = vector.multi_reduction <add>, %slice3A_283, %reduce_sum3A_284 [0] : vector<128x64xf32> to vector<64xf32>
    %broadcast_in_dim3A_286 = vector.shape_cast %reduce_sum3A_285 : vector<64xf32> to vector<64x1xf32>
    %iota3A_287 = tpu.iota {dimensions = array<i32: 0>} : vector<64x8xi32>
    %iota3A_288 = tpu.iota {dimensions = array<i32: 1>} : vector<64x8xi32>
    %jit3A_289 = arith.constant 8 : i32
    %eq3A_290 = arith.constant 0 : i32
    %eq3A_291 = arith.cmpi eq, %jit3A_289, %eq3A_290 : i32
    %jit3A_292 = arith.constant 1 : i32
    %select_n3A_293 = arith.select %eq3A_291, %jit3A_292, %jit3A_289 : i32
    %rem3A_294 = vector.broadcast %select_n3A_293 : i32 to vector<64x8xi32>
    %rem3A_295 = arith.remsi %iota3A_287, %rem3A_294 : vector<64x8xi32>
    %ne3A_296 = arith.constant 0 : i32
    %ne3A_297 = vector.broadcast %ne3A_296 : i32 to vector<64x8xi32>
    %ne3A_298 = arith.cmpi ne, %rem3A_295, %ne3A_297 : vector<64x8xi32>
    %lt3A_299 = arith.constant 0 : i32
    %lt3A_300 = vector.broadcast %lt3A_299 : i32 to vector<64x8xi32>
    %lt3A_301 = arith.cmpi slt, %rem3A_295, %lt3A_300 : vector<64x8xi32>
    %lt3A_302 = arith.constant 0 : i32
    %lt3A_303 = arith.cmpi slt, %select_n3A_293, %lt3A_302 : i32
    %ne3A_304 = vector.broadcast %lt3A_303 : i1 to vector<64x8xi1>
    %ne3A_305 = vector.broadcast %ne3A_304 : vector<64x8xi1> to vector<64x8xi1>
    %ne3A_306 = arith.xori %lt3A_301, %ne3A_305 : vector<64x8xi1>
    %and3A_307 = arith.andi %ne3A_306, %ne3A_298 : vector<64x8xi1>
    %add3A_308 = vector.broadcast %select_n3A_293 : i32 to vector<64x8xi32>
    %add3A_309 = arith.addi %rem3A_295, %add3A_308 : vector<64x8xi32>
    %select_n3A_310 = arith.select %and3A_307, %add3A_309, %rem3A_295 : vector<64x8xi1>, vector<64x8xi32>
    %eq3A_311 = arith.cmpi eq, %select_n3A_310, %iota3A_288 : vector<64x8xi32>
    %jit3A_312 = arith.constant -3.000000e+38 : f32
    %broadcast_in_dim3A_313 = vector.shape_cast %broadcast_in_dim3A_286 : vector<64x1xf32> to vector<64x1xf32>
    %broadcast_in_dim3A_314 = vector.broadcast %broadcast_in_dim3A_313 : vector<64x1xf32> to vector<64x8xf32>
    %broadcast_in_dim3A_315 = vector.broadcast %jit3A_312 : f32 to vector<64x8xf32>
    %select_n3A_316 = arith.select %eq3A_311, %broadcast_in_dim3A_314, %broadcast_in_dim3A_315 : vector<64x8xi1>, vector<64x8xf32>
    %reduce_max3A_317 = arith.constant dense<0xFF800000> : vector<8xf32>
    %reduce_max3A_318 = vector.multi_reduction <maximumf>, %select_n3A_316, %reduce_max3A_317 [0] : vector<64x8xf32> to vector<8xf32>
    %broadcast_in_dim3A_319 = vector.shape_cast %reduce_max3A_318 : vector<8xf32> to vector<1x8xf32>
    %eq3A_320 = vector.broadcast %broadcast_in_dim3A_319 : vector<1x8xf32> to vector<64x8xf32>
    %eq3A_321 = arith.cmpf oeq, %select_n3A_316, %eq3A_320 : vector<64x8xf32>
    %jit3A_322 = arith.constant 8 : i32
    %div3A_323 = vector.broadcast %jit3A_322 : i32 to vector<64x8xi32>
    %div3A_324 = arith.divsi %iota3A_287, %div3A_323 : vector<64x8xi32>
    %sign3A_325 = arith.constant 0 : i32
    %sign3A_326 = vector.broadcast %sign3A_325 : i32 to vector<64x8xi32>
    %sign3A_327 = arith.cmpi sgt, %iota3A_287, %sign3A_326 : vector<64x8xi32>
    %sign3A_328 = arith.extui %sign3A_327 : vector<64x8xi1> to vector<64x8xi32>
    %sign3A_329 = arith.constant 0 : i32
    %sign3A_330 = vector.broadcast %sign3A_329 : i32 to vector<64x8xi32>
    %sign3A_331 = arith.cmpi slt, %iota3A_287, %sign3A_330 : vector<64x8xi32>
    %sign3A_332 = arith.extui %sign3A_331 : vector<64x8xi1> to vector<64x8xi32>
    %sign3A_333 = arith.subi %sign3A_328, %sign3A_332 : vector<64x8xi32>
    %sign3A_334 = arith.constant 0 : i32
    %sign3A_335 = arith.cmpi sgt, %jit3A_322, %sign3A_334 : i32
    %sign3A_336 = arith.extui %sign3A_335 : i1 to i32
    %sign3A_337 = arith.constant 0 : i32
    %sign3A_338 = arith.cmpi slt, %jit3A_322, %sign3A_337 : i32
    %sign3A_339 = arith.extui %sign3A_338 : i1 to i32
    %sign3A_340 = arith.subi %sign3A_336, %sign3A_339 : i32
    %ne3A_341 = vector.broadcast %sign3A_340 : i32 to vector<64x8xi32>
    %ne3A_342 = arith.cmpi ne, %sign3A_333, %ne3A_341 : vector<64x8xi32>
    %rem3A_343 = vector.broadcast %jit3A_322 : i32 to vector<64x8xi32>
    %rem3A_344 = arith.remsi %iota3A_287, %rem3A_343 : vector<64x8xi32>
    %ne3A_345 = arith.constant 0 : i32
    %ne3A_346 = vector.broadcast %ne3A_345 : i32 to vector<64x8xi32>
    %ne3A_347 = arith.cmpi ne, %rem3A_344, %ne3A_346 : vector<64x8xi32>
    %and3A_348 = arith.andi %ne3A_342, %ne3A_347 : vector<64x8xi1>
    %sub3A_349 = arith.constant 1 : i32
    %sub3A_350 = vector.broadcast %sub3A_349 : i32 to vector<64x8xi32>
    %sub3A_351 = arith.subi %div3A_324, %sub3A_350 : vector<64x8xi32>
    %select_n3A_352 = arith.select %and3A_348, %sub3A_351, %div3A_324 : vector<64x8xi1>, vector<64x8xi32>
    %jit3A_353 = arith.constant 127 : i32
    %broadcast_in_dim3A_354 = vector.broadcast %jit3A_353 : i32 to vector<64x8xi32>
    %select_n3A_355 = arith.select %eq3A_321, %select_n3A_352, %broadcast_in_dim3A_354 : vector<64x8xi1>, vector<64x8xi32>
    %reduce_min3A_356 = arith.constant dense<2147483647> : vector<8xi32>
    %reduce_min3A_357 = vector.multi_reduction <minsi>, %select_n3A_355, %reduce_min3A_356 [0] : vector<64x8xi32> to vector<8xi32>
    %jit3A_358 = arith.constant 8 : i32
    %div3A_359 = vector.broadcast %jit3A_358 : i32 to vector<64x8xi32>
    %div3A_360 = arith.divsi %iota3A_287, %div3A_359 : vector<64x8xi32>
    %sign3A_361 = arith.constant 0 : i32
    %sign3A_362 = vector.broadcast %sign3A_361 : i32 to vector<64x8xi32>
    %sign3A_363 = arith.cmpi sgt, %iota3A_287, %sign3A_362 : vector<64x8xi32>
    %sign3A_364 = arith.extui %sign3A_363 : vector<64x8xi1> to vector<64x8xi32>
    %sign3A_365 = arith.constant 0 : i32
    %sign3A_366 = vector.broadcast %sign3A_365 : i32 to vector<64x8xi32>
    %sign3A_367 = arith.cmpi slt, %iota3A_287, %sign3A_366 : vector<64x8xi32>
    %sign3A_368 = arith.extui %sign3A_367 : vector<64x8xi1> to vector<64x8xi32>
    %sign3A_369 = arith.subi %sign3A_364, %sign3A_368 : vector<64x8xi32>
    %sign3A_370 = arith.constant 0 : i32
    %sign3A_371 = arith.cmpi sgt, %jit3A_358, %sign3A_370 : i32
    %sign3A_372 = arith.extui %sign3A_371 : i1 to i32
    %sign3A_373 = arith.constant 0 : i32
    %sign3A_374 = arith.cmpi slt, %jit3A_358, %sign3A_373 : i32
    %sign3A_375 = arith.extui %sign3A_374 : i1 to i32
    %sign3A_376 = arith.subi %sign3A_372, %sign3A_375 : i32
    %ne3A_377 = vector.broadcast %sign3A_376 : i32 to vector<64x8xi32>
    %ne3A_378 = arith.cmpi ne, %sign3A_369, %ne3A_377 : vector<64x8xi32>
    %rem3A_379 = vector.broadcast %jit3A_358 : i32 to vector<64x8xi32>
    %rem3A_380 = arith.remsi %iota3A_287, %rem3A_379 : vector<64x8xi32>
    %ne3A_381 = arith.constant 0 : i32
    %ne3A_382 = vector.broadcast %ne3A_381 : i32 to vector<64x8xi32>
    %ne3A_383 = arith.cmpi ne, %rem3A_380, %ne3A_382 : vector<64x8xi32>
    %and3A_384 = arith.andi %ne3A_378, %ne3A_383 : vector<64x8xi1>
    %sub3A_385 = arith.constant 1 : i32
    %sub3A_386 = vector.broadcast %sub3A_385 : i32 to vector<64x8xi32>
    %sub3A_387 = arith.subi %div3A_360, %sub3A_386 : vector<64x8xi32>
    %select_n3A_388 = arith.select %and3A_384, %sub3A_387, %div3A_360 : vector<64x8xi1>, vector<64x8xi32>
    %eq3A_389 = arith.cmpi eq, %select_n3A_388, %iota3A_288 : vector<64x8xi32>
    %jit3A_390 = arith.constant -3.000000e+38 : f32
    %broadcast_in_dim3A_391 = vector.shape_cast %broadcast_in_dim3A_286 : vector<64x1xf32> to vector<64x1xf32>
    %broadcast_in_dim3A_392 = vector.broadcast %broadcast_in_dim3A_391 : vector<64x1xf32> to vector<64x8xf32>
    %broadcast_in_dim3A_393 = vector.broadcast %jit3A_390 : f32 to vector<64x8xf32>
    %select_n3A_394 = arith.select %eq3A_389, %broadcast_in_dim3A_392, %broadcast_in_dim3A_393 : vector<64x8xi1>, vector<64x8xf32>
    %reduce_max3A_395 = arith.constant dense<0xFF800000> : vector<8xf32>
    %reduce_max3A_396 = vector.multi_reduction <maximumf>, %select_n3A_394, %reduce_max3A_395 [0] : vector<64x8xf32> to vector<8xf32>
    %broadcast_in_dim3A_397 = vector.shape_cast %reduce_max3A_396 : vector<8xf32> to vector<1x8xf32>
    %eq3A_398 = vector.broadcast %broadcast_in_dim3A_397 : vector<1x8xf32> to vector<64x8xf32>
    %eq3A_399 = arith.cmpf oeq, %select_n3A_394, %eq3A_398 : vector<64x8xf32>
    %jit3A_400 = arith.constant 8 : i32
    %eq3A_401 = arith.constant 0 : i32
    %eq3A_402 = arith.cmpi eq, %jit3A_400, %eq3A_401 : i32
    %jit3A_403 = arith.constant 1 : i32
    %select_n3A_404 = arith.select %eq3A_402, %jit3A_403, %jit3A_400 : i32
    %rem3A_405 = vector.broadcast %select_n3A_404 : i32 to vector<64x8xi32>
    %rem3A_406 = arith.remsi %iota3A_287, %rem3A_405 : vector<64x8xi32>
    %ne3A_407 = arith.constant 0 : i32
    %ne3A_408 = vector.broadcast %ne3A_407 : i32 to vector<64x8xi32>
    %ne3A_409 = arith.cmpi ne, %rem3A_406, %ne3A_408 : vector<64x8xi32>
    %lt3A_410 = arith.constant 0 : i32
    %lt3A_411 = vector.broadcast %lt3A_410 : i32 to vector<64x8xi32>
    %lt3A_412 = arith.cmpi slt, %rem3A_406, %lt3A_411 : vector<64x8xi32>
    %lt3A_413 = arith.constant 0 : i32
    %lt3A_414 = arith.cmpi slt, %select_n3A_404, %lt3A_413 : i32
    %ne3A_415 = vector.broadcast %lt3A_414 : i1 to vector<64x8xi1>
    %ne3A_416 = vector.broadcast %ne3A_415 : vector<64x8xi1> to vector<64x8xi1>
    %ne3A_417 = arith.xori %lt3A_412, %ne3A_416 : vector<64x8xi1>
    %and3A_418 = arith.andi %ne3A_417, %ne3A_409 : vector<64x8xi1>
    %add3A_419 = vector.broadcast %select_n3A_404 : i32 to vector<64x8xi32>
    %add3A_420 = arith.addi %rem3A_406, %add3A_419 : vector<64x8xi32>
    %select_n3A_421 = arith.select %and3A_418, %add3A_420, %rem3A_406 : vector<64x8xi1>, vector<64x8xi32>
    %jit3A_422 = arith.constant 127 : i32
    %broadcast_in_dim3A_423 = vector.broadcast %jit3A_422 : i32 to vector<64x8xi32>
    %select_n3A_424 = arith.select %eq3A_399, %select_n3A_421, %broadcast_in_dim3A_423 : vector<64x8xi1>, vector<64x8xi32>
    %reduce_min3A_425 = arith.constant dense<2147483647> : vector<8xi32>
    %reduce_min3A_426 = vector.multi_reduction <minsi>, %select_n3A_424, %reduce_min3A_425 [0] : vector<64x8xi32> to vector<8xi32>
    %slice3A_427 = vector.extract_strided_slice %slice3A_282 {offsets = [0, 0], sizes = [8, 512], strides = [1, 1]} : vector<128x512xf32> to vector<8x512xf32>
    %iota3A_428 = tpu.iota {dimensions = array<i32: 1>} : vector<8x512xi32>
    %broadcast_in_dim3A_429 = vector.shape_cast %reduce_min3A_357 : vector<8xi32> to vector<8x1xi32>
    %jit3A_430 = arith.constant 64 : i32
    %div3A_431 = vector.broadcast %jit3A_430 : i32 to vector<8x512xi32>
    %div3A_432 = arith.divsi %iota3A_428, %div3A_431 : vector<8x512xi32>
    %sign3A_433 = arith.constant 0 : i32
    %sign3A_434 = vector.broadcast %sign3A_433 : i32 to vector<8x512xi32>
    %sign3A_435 = arith.cmpi sgt, %iota3A_428, %sign3A_434 : vector<8x512xi32>
    %sign3A_436 = arith.extui %sign3A_435 : vector<8x512xi1> to vector<8x512xi32>
    %sign3A_437 = arith.constant 0 : i32
    %sign3A_438 = vector.broadcast %sign3A_437 : i32 to vector<8x512xi32>
    %sign3A_439 = arith.cmpi slt, %iota3A_428, %sign3A_438 : vector<8x512xi32>
    %sign3A_440 = arith.extui %sign3A_439 : vector<8x512xi1> to vector<8x512xi32>
    %sign3A_441 = arith.subi %sign3A_436, %sign3A_440 : vector<8x512xi32>
    %sign3A_442 = arith.constant 0 : i32
    %sign3A_443 = arith.cmpi sgt, %jit3A_430, %sign3A_442 : i32
    %sign3A_444 = arith.extui %sign3A_443 : i1 to i32
    %sign3A_445 = arith.constant 0 : i32
    %sign3A_446 = arith.cmpi slt, %jit3A_430, %sign3A_445 : i32
    %sign3A_447 = arith.extui %sign3A_446 : i1 to i32
    %sign3A_448 = arith.subi %sign3A_444, %sign3A_447 : i32
    %ne3A_449 = vector.broadcast %sign3A_448 : i32 to vector<8x512xi32>
    %ne3A_450 = arith.cmpi ne, %sign3A_441, %ne3A_449 : vector<8x512xi32>
    %rem3A_451 = vector.broadcast %jit3A_430 : i32 to vector<8x512xi32>
    %rem3A_452 = arith.remsi %iota3A_428, %rem3A_451 : vector<8x512xi32>
    %ne3A_453 = arith.constant 0 : i32
    %ne3A_454 = vector.broadcast %ne3A_453 : i32 to vector<8x512xi32>
    %ne3A_455 = arith.cmpi ne, %rem3A_452, %ne3A_454 : vector<8x512xi32>
    %and3A_456 = arith.andi %ne3A_450, %ne3A_455 : vector<8x512xi1>
    %sub3A_457 = arith.constant 1 : i32
    %sub3A_458 = vector.broadcast %sub3A_457 : i32 to vector<8x512xi32>
    %sub3A_459 = arith.subi %div3A_432, %sub3A_458 : vector<8x512xi32>
    %select_n3A_460 = arith.select %and3A_456, %sub3A_459, %div3A_432 : vector<8x512xi1>, vector<8x512xi32>
    %eq3A_461 = vector.broadcast %broadcast_in_dim3A_429 : vector<8x1xi32> to vector<8x512xi32>
    %eq3A_462 = arith.cmpi eq, %eq3A_461, %select_n3A_460 : vector<8x512xi32>
    %jit3A_463 = arith.constant 1.000000e+00 : f32
    %jit3A_464 = arith.constant 0.000000e+00 : f32
    %broadcast_in_dim3A_465 = vector.broadcast %jit3A_463 : f32 to vector<8x512xf32>
    %broadcast_in_dim3A_466 = vector.broadcast %jit3A_464 : f32 to vector<8x512xf32>
    %select_n3A_467 = arith.select %eq3A_462, %broadcast_in_dim3A_465, %broadcast_in_dim3A_466 : vector<8x512xi1>, vector<8x512xf32>
    %reduce_max3A_468 = arith.constant dense<0xFF800000> : vector<512xf32>
    %reduce_max3A_469 = vector.multi_reduction <maximumf>, %select_n3A_467, %reduce_max3A_468 [0] : vector<8x512xf32> to vector<512xf32>
    %broadcast_in_dim3A_470 = vector.shape_cast %reduce_max3A_469 : vector<512xf32> to vector<1x512xf32>
    %iota3A_471 = tpu.iota {dimensions = array<i32: 0>} : vector<8x8xi32>
    %broadcast_in_dim3A_472 = vector.shape_cast %reduce_min3A_426 : vector<8xi32> to vector<1x8xi32>
    %eq3A_473 = vector.broadcast %broadcast_in_dim3A_472 : vector<1x8xi32> to vector<8x8xi32>
    %eq3A_474 = arith.cmpi eq, %eq3A_473, %iota3A_471 : vector<8x8xi32>
    %jit3A_475 = arith.constant 1.000000e+00 : f32
    %jit3A_476 = arith.constant 0.000000e+00 : f32
    %broadcast_in_dim3A_477 = vector.broadcast %jit3A_475 : f32 to vector<8x8xf32>
    %broadcast_in_dim3A_478 = vector.broadcast %jit3A_476 : f32 to vector<8x8xf32>
    %select_n3A_479 = arith.select %eq3A_474, %broadcast_in_dim3A_477, %broadcast_in_dim3A_478 : vector<8x8xi1>, vector<8x8xf32>
    %reduce_max3A_480 = arith.constant dense<0xFF800000> : vector<8xf32>
    %reduce_max3A_481 = vector.multi_reduction <maximumf>, %select_n3A_479, %reduce_max3A_480 [1] : vector<8x8xf32> to vector<8xf32>
    %broadcast_in_dim3A_482 = vector.shape_cast %reduce_max3A_481 : vector<8xf32> to vector<8x1xf32>
    %gt3A_483 = arith.constant 0.000000e+00 : f32
    %gt3A_484 = vector.broadcast %gt3A_483 : f32 to vector<8x1xf32>
    %gt3A_485 = arith.cmpf ogt, %broadcast_in_dim3A_482, %gt3A_484 : vector<8x1xf32>
    %gt3A_486 = arith.constant 0.000000e+00 : f32
    %gt3A_487 = vector.broadcast %gt3A_486 : f32 to vector<1x512xf32>
    %gt3A_488 = arith.cmpf ogt, %broadcast_in_dim3A_470, %gt3A_487 : vector<1x512xf32>
    %and3A_489 = vector.broadcast %gt3A_485 : vector<8x1xi1> to vector<8x512xi1>
    %and3A_490 = vector.broadcast %gt3A_488 : vector<1x512xi1> to vector<8x512xi1>
    %and3A_491 = arith.andi %and3A_489, %and3A_490 : vector<8x512xi1>
    %jit3A_492 = arith.constant -3.000000e+38 : f32
    %broadcast_in_dim3A_493 = vector.broadcast %jit3A_492 : f32 to vector<8x512xf32>
    %select_n3A_494 = arith.select %and3A_491, %slice3A_427, %broadcast_in_dim3A_493 : vector<8x512xi1>, vector<8x512xf32>
    %reduce_max3A_495 = arith.constant dense<0xFF800000> : vector<512xf32>
    %reduce_max3A_496 = vector.multi_reduction <maximumf>, %select_n3A_494, %reduce_max3A_495 [0] : vector<8x512xf32> to vector<512xf32>
    %broadcast_in_dim3A_497 = vector.shape_cast %reduce_max3A_496 : vector<512xf32> to vector<1x512xf32>
    %slice3A_498 = vector.extract_strided_slice %broadcast_in_dim3A_497 {offsets = [0, 0], sizes = [1, 64], strides = [1, 1]} : vector<1x512xf32> to vector<1x64xf32>
    %slice3A_499 = vector.extract_strided_slice %broadcast_in_dim3A_497 {offsets = [0, 64], sizes = [1, 64], strides = [1, 1]} : vector<1x512xf32> to vector<1x64xf32>
    %max3A_500 = arith.maximumf %slice3A_498, %slice3A_499 : vector<1x64xf32>
    %slice3A_501 = vector.extract_strided_slice %broadcast_in_dim3A_497 {offsets = [0, 128], sizes = [1, 64], strides = [1, 1]} : vector<1x512xf32> to vector<1x64xf32>
    %max3A_502 = arith.maximumf %max3A_500, %slice3A_501 : vector<1x64xf32>
    %slice3A_503 = vector.extract_strided_slice %broadcast_in_dim3A_497 {offsets = [0, 192], sizes = [1, 64], strides = [1, 1]} : vector<1x512xf32> to vector<1x64xf32>
    %max3A_504 = arith.maximumf %max3A_502, %slice3A_503 : vector<1x64xf32>
    %slice3A_505 = vector.extract_strided_slice %broadcast_in_dim3A_497 {offsets = [0, 256], sizes = [1, 64], strides = [1, 1]} : vector<1x512xf32> to vector<1x64xf32>
    %max3A_506 = arith.maximumf %max3A_504, %slice3A_505 : vector<1x64xf32>
    %slice3A_507 = vector.extract_strided_slice %broadcast_in_dim3A_497 {offsets = [0, 320], sizes = [1, 64], strides = [1, 1]} : vector<1x512xf32> to vector<1x64xf32>
    %max3A_508 = arith.maximumf %max3A_506, %slice3A_507 : vector<1x64xf32>
    %slice3A_509 = vector.extract_strided_slice %broadcast_in_dim3A_497 {offsets = [0, 384], sizes = [1, 64], strides = [1, 1]} : vector<1x512xf32> to vector<1x64xf32>
    %max3A_510 = arith.maximumf %max3A_508, %slice3A_509 : vector<1x64xf32>
    %slice3A_511 = vector.extract_strided_slice %broadcast_in_dim3A_497 {offsets = [0, 448], sizes = [1, 64], strides = [1, 1]} : vector<1x512xf32> to vector<1x64xf32>
    %max3A_512 = arith.maximumf %max3A_510, %slice3A_511 : vector<1x64xf32>
    %reduce_sum3A_513 = vector.shape_cast %max3A_512 : vector<1x64xf32> to vector<1x1x64xf32>
    %reduce_sum3A_514 = arith.constant dense<0.000000e+00> : vector<1xf32>
    %reduce_sum3A_515 = vector.multi_reduction <add>, %reduce_sum3A_513, %reduce_sum3A_514 [1, 2] : vector<1x1x64xf32> to vector<1xf32>
    %reduce_sum3A_516 = vector.shape_cast %reduce_sum3A_515 : vector<1xf32> to vector<1x1x1xf32>
    %reduce_sum3A_517 = vector.extract %reduce_sum3A_516[0, 0, 0] : f32 from vector<1x1x1xf32>
    %mul3A_518 = arith.constant 1.562500e-02 : f32
    %mul3A_519 = arith.mulf %reduce_sum3A_517, %mul3A_518 : f32
    %broadcast_in_dim3A_520 = vector.broadcast %mul3A_519 : f32 to vector<1x128xf32>
    %swap3A_521 = arith.constant 1 : index
    %swap3A_522 = arith.constant 0 : index
    %swap3A_523 = arith.constant 0 : index
    %swap3A_524 = vector.load %arg9[%swap3A_521, %swap3A_522, %swap3A_523] : memref<8x1x128xf32, #tpu.memory_space<vmem>>, vector<1x1x128xf32>
    %swap3A_525 = vector.shape_cast %swap3A_524 : vector<1x1x128xf32> to vector<1x128xf32>
    %swap3A_526 = vector.shape_cast %broadcast_in_dim3A_520 : vector<1x128xf32> to vector<1x1x128xf32>
    tpu.vector_store %arg9[%swap3A_521, %swap3A_522, %swap3A_523], %swap3A_526 {strides = array<i32>} : memref<8x1x128xf32, #tpu.memory_space<vmem>>, vector<1x1x128xf32>,
    %slice3A_527 = vector.extract_strided_slice %add3A_20 {offsets = [256, 0], sizes = [128, 256], strides = [1, 1]} : vector<1024x256xf32> to vector<128x256xf32>
    %reduce_sum3A_528 = arith.constant dense<0.000000e+00> : vector<256xf32>
    %reduce_sum3A_529 = vector.multi_reduction <add>, %slice3A_527, %reduce_sum3A_528 [0] : vector<128x256xf32> to vector<256xf32>
    %broadcast_in_dim3A_530 = vector.shape_cast %reduce_sum3A_529 : vector<256xf32> to vector<1x256xf32>
    %div3A_531 = arith.constant 1.280000e+02 : f32
    %div3A_532 = vector.broadcast %div3A_531 : f32 to vector<1x256xf32>
    %div3A_533 = arith.divf %broadcast_in_dim3A_530, %div3A_532 : vector<1x256xf32>
    %swap3A_534 = arith.constant 2 : index
    %swap3A_535 = arith.constant 0 : index
    %swap3A_536 = arith.constant 0 : index
    %swap3A_537 = vector.load %arg8[%swap3A_534, %swap3A_535, %swap3A_536] : memref<8x1x256xf32, #tpu.memory_space<vmem>>, vector<1x1x256xf32>
    %swap3A_538 = vector.shape_cast %swap3A_537 : vector<1x1x256xf32> to vector<1x256xf32>
    %swap3A_539 = vector.shape_cast %div3A_533 : vector<1x256xf32> to vector<1x1x256xf32>
    tpu.vector_store %arg8[%swap3A_534, %swap3A_535, %swap3A_536], %swap3A_539 {strides = array<i32>} : memref<8x1x256xf32, #tpu.memory_space<vmem>>, vector<1x1x256xf32>,
    %slice3A_540 = vector.extract_strided_slice %dot_general3A_29 {offsets = [256, 0], sizes = [128, 512], strides = [1, 1]} : vector<1024x512xf32> to vector<128x512xf32>
    %slice3A_541 = vector.extract_strided_slice %slice3A_540 {offsets = [0, 448], sizes = [128, 64], strides = [1, 1]} : vector<128x512xf32> to vector<128x64xf32>
    %reduce_sum3A_542 = arith.constant dense<0.000000e+00> : vector<64xf32>
    %reduce_sum3A_543 = vector.multi_reduction <add>, %slice3A_541, %reduce_sum3A_542 [0] : vector<128x64xf32> to vector<64xf32>
    %broadcast_in_dim3A_544 = vector.shape_cast %reduce_sum3A_543 : vector<64xf32> to vector<64x1xf32>
    %iota3A_545 = tpu.iota {dimensions = array<i32: 0>} : vector<64x8xi32>
    %iota3A_546 = tpu.iota {dimensions = array<i32: 1>} : vector<64x8xi32>
    %jit3A_547 = arith.constant 8 : i32
    %eq3A_548 = arith.constant 0 : i32
    %eq3A_549 = arith.cmpi eq, %jit3A_547, %eq3A_548 : i32
    %jit3A_550 = arith.constant 1 : i32
    %select_n3A_551 = arith.select %eq3A_549, %jit3A_550, %jit3A_547 : i32
    %rem3A_552 = vector.broadcast %select_n3A_551 : i32 to vector<64x8xi32>
    %rem3A_553 = arith.remsi %iota3A_545, %rem3A_552 : vector<64x8xi32>
    %ne3A_554 = arith.constant 0 : i32
    %ne3A_555 = vector.broadcast %ne3A_554 : i32 to vector<64x8xi32>
    %ne3A_556 = arith.cmpi ne, %rem3A_553, %ne3A_555 : vector<64x8xi32>
    %lt3A_557 = arith.constant 0 : i32
    %lt3A_558 = vector.broadcast %lt3A_557 : i32 to vector<64x8xi32>
    %lt3A_559 = arith.cmpi slt, %rem3A_553, %lt3A_558 : vector<64x8xi32>
    %lt3A_560 = arith.constant 0 : i32
    %lt3A_561 = arith.cmpi slt, %select_n3A_551, %lt3A_560 : i32
    %ne3A_562 = vector.broadcast %lt3A_561 : i1 to vector<64x8xi1>
    %ne3A_563 = vector.broadcast %ne3A_562 : vector<64x8xi1> to vector<64x8xi1>
    %ne3A_564 = arith.xori %lt3A_559, %ne3A_563 : vector<64x8xi1>
    %and3A_565 = arith.andi %ne3A_564, %ne3A_556 : vector<64x8xi1>
    %add3A_566 = vector.broadcast %select_n3A_551 : i32 to vector<64x8xi32>
    %add3A_567 = arith.addi %rem3A_553, %add3A_566 : vector<64x8xi32>
    %select_n3A_568 = arith.select %and3A_565, %add3A_567, %rem3A_553 : vector<64x8xi1>, vector<64x8xi32>
    %eq3A_569 = arith.cmpi eq, %select_n3A_568, %iota3A_546 : vector<64x8xi32>
    %jit3A_570 = arith.constant -3.000000e+38 : f32
    %broadcast_in_dim3A_571 = vector.shape_cast %broadcast_in_dim3A_544 : vector<64x1xf32> to vector<64x1xf32>
    %broadcast_in_dim3A_572 = vector.broadcast %broadcast_in_dim3A_571 : vector<64x1xf32> to vector<64x8xf32>
    %broadcast_in_dim3A_573 = vector.broadcast %jit3A_570 : f32 to vector<64x8xf32>
    %select_n3A_574 = arith.select %eq3A_569, %broadcast_in_dim3A_572, %broadcast_in_dim3A_573 : vector<64x8xi1>, vector<64x8xf32>
    %reduce_max3A_575 = arith.constant dense<0xFF800000> : vector<8xf32>
    %reduce_max3A_576 = vector.multi_reduction <maximumf>, %select_n3A_574, %reduce_max3A_575 [0] : vector<64x8xf32> to vector<8xf32>
    %broadcast_in_dim3A_577 = vector.shape_cast %reduce_max3A_576 : vector<8xf32> to vector<1x8xf32>
    %eq3A_578 = vector.broadcast %broadcast_in_dim3A_577 : vector<1x8xf32> to vector<64x8xf32>
    %eq3A_579 = arith.cmpf oeq, %select_n3A_574, %eq3A_578 : vector<64x8xf32>
    %jit3A_580 = arith.constant 8 : i32
    %div3A_581 = vector.broadcast %jit3A_580 : i32 to vector<64x8xi32>
    %div3A_582 = arith.divsi %iota3A_545, %div3A_581 : vector<64x8xi32>
    %sign3A_583 = arith.constant 0 : i32
    %sign3A_584 = vector.broadcast %sign3A_583 : i32 to vector<64x8xi32>
    %sign3A_585 = arith.cmpi sgt, %iota3A_545, %sign3A_584 : vector<64x8xi32>
    %sign3A_586 = arith.extui %sign3A_585 : vector<64x8xi1> to vector<64x8xi32>
    %sign3A_587 = arith.constant 0 : i32
    %sign3A_588 = vector.broadcast %sign3A_587 : i32 to vector<64x8xi32>
    %sign3A_589 = arith.cmpi slt, %iota3A_545, %sign3A_588 : vector<64x8xi32>
    %sign3A_590 = arith.extui %sign3A_589 : vector<64x8xi1> to vector<64x8xi32>
    %sign3A_591 = arith.subi %sign3A_586, %sign3A_590 : vector<64x8xi32>
    %sign3A_592 = arith.constant 0 : i32
    %sign3A_593 = arith.cmpi sgt, %jit3A_580, %sign3A_592 : i32
    %sign3A_594 = arith.extui %sign3A_593 : i1 to i32
    %sign3A_595 = arith.constant 0 : i32
    %sign3A_596 = arith.cmpi slt, %jit3A_580, %sign3A_595 : i32
    %sign3A_597 = arith.extui %sign3A_596 : i1 to i32
    %sign3A_598 = arith.subi %sign3A_594, %sign3A_597 : i32
    %ne3A_599 = vector.broadcast %sign3A_598 : i32 to vector<64x8xi32>
    %ne3A_600 = arith.cmpi ne, %sign3A_591, %ne3A_599 : vector<64x8xi32>
    %rem3A_601 = vector.broadcast %jit3A_580 : i32 to vector<64x8xi32>
    %rem3A_602 = arith.remsi %iota3A_545, %rem3A_601 : vector<64x8xi32>
    %ne3A_603 = arith.constant 0 : i32
    %ne3A_604 = vector.broadcast %ne3A_603 : i32 to vector<64x8xi32>
    %ne3A_605 = arith.cmpi ne, %rem3A_602, %ne3A_604 : vector<64x8xi32>
    %and3A_606 = arith.andi %ne3A_600, %ne3A_605 : vector<64x8xi1>
    %sub3A_607 = arith.constant 1 : i32
    %sub3A_608 = vector.broadcast %sub3A_607 : i32 to vector<64x8xi32>
    %sub3A_609 = arith.subi %div3A_582, %sub3A_608 : vector<64x8xi32>
    %select_n3A_610 = arith.select %and3A_606, %sub3A_609, %div3A_582 : vector<64x8xi1>, vector<64x8xi32>
    %jit3A_611 = arith.constant 127 : i32
    %broadcast_in_dim3A_612 = vector.broadcast %jit3A_611 : i32 to vector<64x8xi32>
    %select_n3A_613 = arith.select %eq3A_579, %select_n3A_610, %broadcast_in_dim3A_612 : vector<64x8xi1>, vector<64x8xi32>
    %reduce_min3A_614 = arith.constant dense<2147483647> : vector<8xi32>
    %reduce_min3A_615 = vector.multi_reduction <minsi>, %select_n3A_613, %reduce_min3A_614 [0] : vector<64x8xi32> to vector<8xi32>
    %jit3A_616 = arith.constant 8 : i32
    %div3A_617 = vector.broadcast %jit3A_616 : i32 to vector<64x8xi32>
    %div3A_618 = arith.divsi %iota3A_545, %div3A_617 : vector<64x8xi32>
    %sign3A_619 = arith.constant 0 : i32
    %sign3A_620 = vector.broadcast %sign3A_619 : i32 to vector<64x8xi32>
    %sign3A_621 = arith.cmpi sgt, %iota3A_545, %sign3A_620 : vector<64x8xi32>
    %sign3A_622 = arith.extui %sign3A_621 : vector<64x8xi1> to vector<64x8xi32>
    %sign3A_623 = arith.constant 0 : i32
    %sign3A_624 = vector.broadcast %sign3A_623 : i32 to vector<64x8xi32>
    %sign3A_625 = arith.cmpi slt, %iota3A_545, %sign3A_624 : vector<64x8xi32>
    %sign3A_626 = arith.extui %sign3A_625 : vector<64x8xi1> to vector<64x8xi32>
    %sign3A_627 = arith.subi %sign3A_622, %sign3A_626 : vector<64x8xi32>
    %sign3A_628 = arith.constant 0 : i32
    %sign3A_629 = arith.cmpi sgt, %jit3A_616, %sign3A_628 : i32
    %sign3A_630 = arith.extui %sign3A_629 : i1 to i32
    %sign3A_631 = arith.constant 0 : i32
    %sign3A_632 = arith.cmpi slt, %jit3A_616, %sign3A_631 : i32
    %sign3A_633 = arith.extui %sign3A_632 : i1 to i32
    %sign3A_634 = arith.subi %sign3A_630, %sign3A_633 : i32
    %ne3A_635 = vector.broadcast %sign3A_634 : i32 to vector<64x8xi32>
    %ne3A_636 = arith.cmpi ne, %sign3A_627, %ne3A_635 : vector<64x8xi32>
    %rem3A_637 = vector.broadcast %jit3A_616 : i32 to vector<64x8xi32>
    %rem3A_638 = arith.remsi %iota3A_545, %rem3A_637 : vector<64x8xi32>
    %ne3A_639 = arith.constant 0 : i32
    %ne3A_640 = vector.broadcast %ne3A_639 : i32 to vector<64x8xi32>
    %ne3A_641 = arith.cmpi ne, %rem3A_638, %ne3A_640 : vector<64x8xi32>
    %and3A_642 = arith.andi %ne3A_636, %ne3A_641 : vector<64x8xi1>
    %sub3A_643 = arith.constant 1 : i32
    %sub3A_644 = vector.broadcast %sub3A_643 : i32 to vector<64x8xi32>
    %sub3A_645 = arith.subi %div3A_618, %sub3A_644 : vector<64x8xi32>
    %select_n3A_646 = arith.select %and3A_642, %sub3A_645, %div3A_618 : vector<64x8xi1>, vector<64x8xi32>
    %eq3A_647 = arith.cmpi eq, %select_n3A_646, %iota3A_546 : vector<64x8xi32>
    %jit3A_648 = arith.constant -3.000000e+38 : f32
    %broadcast_in_dim3A_649 = vector.shape_cast %broadcast_in_dim3A_544 : vector<64x1xf32> to vector<64x1xf32>
    %broadcast_in_dim3A_650 = vector.broadcast %broadcast_in_dim3A_649 : vector<64x1xf32> to vector<64x8xf32>
    %broadcast_in_dim3A_651 = vector.broadcast %jit3A_648 : f32 to vector<64x8xf32>
    %select_n3A_652 = arith.select %eq3A_647, %broadcast_in_dim3A_650, %broadcast_in_dim3A_651 : vector<64x8xi1>, vector<64x8xf32>
    %reduce_max3A_653 = arith.constant dense<0xFF800000> : vector<8xf32>
    %reduce_max3A_654 = vector.multi_reduction <maximumf>, %select_n3A_652, %reduce_max3A_653 [0] : vector<64x8xf32> to vector<8xf32>
    %broadcast_in_dim3A_655 = vector.shape_cast %reduce_max3A_654 : vector<8xf32> to vector<1x8xf32>
    %eq3A_656 = vector.broadcast %broadcast_in_dim3A_655 : vector<1x8xf32> to vector<64x8xf32>
    %eq3A_657 = arith.cmpf oeq, %select_n3A_652, %eq3A_656 : vector<64x8xf32>
    %jit3A_658 = arith.constant 8 : i32
    %eq3A_659 = arith.constant 0 : i32
    %eq3A_660 = arith.cmpi eq, %jit3A_658, %eq3A_659 : i32
    %jit3A_661 = arith.constant 1 : i32
    %select_n3A_662 = arith.select %eq3A_660, %jit3A_661, %jit3A_658 : i32
    %rem3A_663 = vector.broadcast %select_n3A_662 : i32 to vector<64x8xi32>
    %rem3A_664 = arith.remsi %iota3A_545, %rem3A_663 : vector<64x8xi32>
    %ne3A_665 = arith.constant 0 : i32
    %ne3A_666 = vector.broadcast %ne3A_665 : i32 to vector<64x8xi32>
    %ne3A_667 = arith.cmpi ne, %rem3A_664, %ne3A_666 : vector<64x8xi32>
    %lt3A_668 = arith.constant 0 : i32
    %lt3A_669 = vector.broadcast %lt3A_668 : i32 to vector<64x8xi32>
    %lt3A_670 = arith.cmpi slt, %rem3A_664, %lt3A_669 : vector<64x8xi32>
    %lt3A_671 = arith.constant 0 : i32
    %lt3A_672 = arith.cmpi slt, %select_n3A_662, %lt3A_671 : i32
    %ne3A_673 = vector.broadcast %lt3A_672 : i1 to vector<64x8xi1>
    %ne3A_674 = vector.broadcast %ne3A_673 : vector<64x8xi1> to vector<64x8xi1>
    %ne3A_675 = arith.xori %lt3A_670, %ne3A_674 : vector<64x8xi1>
    %and3A_676 = arith.andi %ne3A_675, %ne3A_667 : vector<64x8xi1>
    %add3A_677 = vector.broadcast %select_n3A_662 : i32 to vector<64x8xi32>
    %add3A_678 = arith.addi %rem3A_664, %add3A_677 : vector<64x8xi32>
    %select_n3A_679 = arith.select %and3A_676, %add3A_678, %rem3A_664 : vector<64x8xi1>, vector<64x8xi32>
    %jit3A_680 = arith.constant 127 : i32
    %broadcast_in_dim3A_681 = vector.broadcast %jit3A_680 : i32 to vector<64x8xi32>
    %select_n3A_682 = arith.select %eq3A_657, %select_n3A_679, %broadcast_in_dim3A_681 : vector<64x8xi1>, vector<64x8xi32>
    %reduce_min3A_683 = arith.constant dense<2147483647> : vector<8xi32>
    %reduce_min3A_684 = vector.multi_reduction <minsi>, %select_n3A_682, %reduce_min3A_683 [0] : vector<64x8xi32> to vector<8xi32>
    %slice3A_685 = vector.extract_strided_slice %slice3A_540 {offsets = [0, 0], sizes = [8, 512], strides = [1, 1]} : vector<128x512xf32> to vector<8x512xf32>
    %iota3A_686 = tpu.iota {dimensions = array<i32: 1>} : vector<8x512xi32>
    %broadcast_in_dim3A_687 = vector.shape_cast %reduce_min3A_615 : vector<8xi32> to vector<8x1xi32>
    %jit3A_688 = arith.constant 64 : i32
    %div3A_689 = vector.broadcast %jit3A_688 : i32 to vector<8x512xi32>
    %div3A_690 = arith.divsi %iota3A_686, %div3A_689 : vector<8x512xi32>
    %sign3A_691 = arith.constant 0 : i32
    %sign3A_692 = vector.broadcast %sign3A_691 : i32 to vector<8x512xi32>
    %sign3A_693 = arith.cmpi sgt, %iota3A_686, %sign3A_692 : vector<8x512xi32>
    %sign3A_694 = arith.extui %sign3A_693 : vector<8x512xi1> to vector<8x512xi32>
    %sign3A_695 = arith.constant 0 : i32
    %sign3A_696 = vector.broadcast %sign3A_695 : i32 to vector<8x512xi32>
    %sign3A_697 = arith.cmpi slt, %iota3A_686, %sign3A_696 : vector<8x512xi32>
    %sign3A_698 = arith.extui %sign3A_697 : vector<8x512xi1> to vector<8x512xi32>
    %sign3A_699 = arith.subi %sign3A_694, %sign3A_698 : vector<8x512xi32>
    %sign3A_700 = arith.constant 0 : i32
    %sign3A_701 = arith.cmpi sgt, %jit3A_688, %sign3A_700 : i32
    %sign3A_702 = arith.extui %sign3A_701 : i1 to i32
    %sign3A_703 = arith.constant 0 : i32
    %sign3A_704 = arith.cmpi slt, %jit3A_688, %sign3A_703 : i32
    %sign3A_705 = arith.extui %sign3A_704 : i1 to i32
    %sign3A_706 = arith.subi %sign3A_702, %sign3A_705 : i32
    %ne3A_707 = vector.broadcast %sign3A_706 : i32 to vector<8x512xi32>
    %ne3A_708 = arith.cmpi ne, %sign3A_699, %ne3A_707 : vector<8x512xi32>
    %rem3A_709 = vector.broadcast %jit3A_688 : i32 to vector<8x512xi32>
    %rem3A_710 = arith.remsi %iota3A_686, %rem3A_709 : vector<8x512xi32>
    %ne3A_711 = arith.constant 0 : i32
    %ne3A_712 = vector.broadcast %ne3A_711 : i32 to vector<8x512xi32>
    %ne3A_713 = arith.cmpi ne, %rem3A_710, %ne3A_712 : vector<8x512xi32>
    %and3A_714 = arith.andi %ne3A_708, %ne3A_713 : vector<8x512xi1>
    %sub3A_715 = arith.constant 1 : i32
    %sub3A_716 = vector.broadcast %sub3A_715 : i32 to vector<8x512xi32>
    %sub3A_717 = arith.subi %div3A_690, %sub3A_716 : vector<8x512xi32>
    %select_n3A_718 = arith.select %and3A_714, %sub3A_717, %div3A_690 : vector<8x512xi1>, vector<8x512xi32>
    %eq3A_719 = vector.broadcast %broadcast_in_dim3A_687 : vector<8x1xi32> to vector<8x512xi32>
    %eq3A_720 = arith.cmpi eq, %eq3A_719, %select_n3A_718 : vector<8x512xi32>
    %jit3A_721 = arith.constant 1.000000e+00 : f32
    %jit3A_722 = arith.constant 0.000000e+00 : f32
    %broadcast_in_dim3A_723 = vector.broadcast %jit3A_721 : f32 to vector<8x512xf32>
    %broadcast_in_dim3A_724 = vector.broadcast %jit3A_722 : f32 to vector<8x512xf32>
    %select_n3A_725 = arith.select %eq3A_720, %broadcast_in_dim3A_723, %broadcast_in_dim3A_724 : vector<8x512xi1>, vector<8x512xf32>
    %reduce_max3A_726 = arith.constant dense<0xFF800000> : vector<512xf32>
    %reduce_max3A_727 = vector.multi_reduction <maximumf>, %select_n3A_725, %reduce_max3A_726 [0] : vector<8x512xf32> to vector<512xf32>
    %broadcast_in_dim3A_728 = vector.shape_cast %reduce_max3A_727 : vector<512xf32> to vector<1x512xf32>
    %iota3A_729 = tpu.iota {dimensions = array<i32: 0>} : vector<8x8xi32>
    %broadcast_in_dim3A_730 = vector.shape_cast %reduce_min3A_684 : vector<8xi32> to vector<1x8xi32>
    %eq3A_731 = vector.broadcast %broadcast_in_dim3A_730 : vector<1x8xi32> to vector<8x8xi32>
    %eq3A_732 = arith.cmpi eq, %eq3A_731, %iota3A_729 : vector<8x8xi32>
    %jit3A_733 = arith.constant 1.000000e+00 : f32
    %jit3A_734 = arith.constant 0.000000e+00 : f32
    %broadcast_in_dim3A_735 = vector.broadcast %jit3A_733 : f32 to vector<8x8xf32>
    %broadcast_in_dim3A_736 = vector.broadcast %jit3A_734 : f32 to vector<8x8xf32>
    %select_n3A_737 = arith.select %eq3A_732, %broadcast_in_dim3A_735, %broadcast_in_dim3A_736 : vector<8x8xi1>, vector<8x8xf32>
    %reduce_max3A_738 = arith.constant dense<0xFF800000> : vector<8xf32>
    %reduce_max3A_739 = vector.multi_reduction <maximumf>, %select_n3A_737, %reduce_max3A_738 [1] : vector<8x8xf32> to vector<8xf32>
    %broadcast_in_dim3A_740 = vector.shape_cast %reduce_max3A_739 : vector<8xf32> to vector<8x1xf32>
    %gt3A_741 = arith.constant 0.000000e+00 : f32
    %gt3A_742 = vector.broadcast %gt3A_741 : f32 to vector<8x1xf32>
    %gt3A_743 = arith.cmpf ogt, %broadcast_in_dim3A_740, %gt3A_742 : vector<8x1xf32>
    %gt3A_744 = arith.constant 0.000000e+00 : f32
    %gt3A_745 = vector.broadcast %gt3A_744 : f32 to vector<1x512xf32>
    %gt3A_746 = arith.cmpf ogt, %broadcast_in_dim3A_728, %gt3A_745 : vector<1x512xf32>
    %and3A_747 = vector.broadcast %gt3A_743 : vector<8x1xi1> to vector<8x512xi1>
    %and3A_748 = vector.broadcast %gt3A_746 : vector<1x512xi1> to vector<8x512xi1>
    %and3A_749 = arith.andi %and3A_747, %and3A_748 : vector<8x512xi1>
    %jit3A_750 = arith.constant -3.000000e+38 : f32
    %broadcast_in_dim3A_751 = vector.broadcast %jit3A_750 : f32 to vector<8x512xf32>
    %select_n3A_752 = arith.select %and3A_749, %slice3A_685, %broadcast_in_dim3A_751 : vector<8x512xi1>, vector<8x512xf32>
    %reduce_max3A_753 = arith.constant dense<0xFF800000> : vector<512xf32>
    %reduce_max3A_754 = vector.multi_reduction <maximumf>, %select_n3A_752, %reduce_max3A_753 [0] : vector<8x512xf32> to vector<512xf32>
    %broadcast_in_dim3A_755 = vector.shape_cast %reduce_max3A_754 : vector<512xf32> to vector<1x512xf32>
    %slice3A_756 = vector.extract_strided_slice %broadcast_in_dim3A_755 {offsets = [0, 0], sizes = [1, 64], strides = [1, 1]} : vector<1x512xf32> to vector<1x64xf32>
    %slice3A_757 = vector.extract_strided_slice %broadcast_in_dim3A_755 {offsets = [0, 64], sizes = [1, 64], strides = [1, 1]} : vector<1x512xf32> to vector<1x64xf32>
    %max3A_758 = arith.maximumf %slice3A_756, %slice3A_757 : vector<1x64xf32>
    %slice3A_759 = vector.extract_strided_slice %broadcast_in_dim3A_755 {offsets = [0, 128], sizes = [1, 64], strides = [1, 1]} : vector<1x512xf32> to vector<1x64xf32>
    %max3A_760 = arith.maximumf %max3A_758, %slice3A_759 : vector<1x64xf32>
    %slice3A_761 = vector.extract_strided_slice %broadcast_in_dim3A_755 {offsets = [0, 192], sizes = [1, 64], strides = [1, 1]} : vector<1x512xf32> to vector<1x64xf32>
    %max3A_762 = arith.maximumf %max3A_760, %slice3A_761 : vector<1x64xf32>
    %slice3A_763 = vector.extract_strided_slice %broadcast_in_dim3A_755 {offsets = [0, 256], sizes = [1, 64], strides = [1, 1]} : vector<1x512xf32> to vector<1x64xf32>
    %max3A_764 = arith.maximumf %max3A_762, %slice3A_763 : vector<1x64xf32>
    %slice3A_765 = vector.extract_strided_slice %broadcast_in_dim3A_755 {offsets = [0, 320], sizes = [1, 64], strides = [1, 1]} : vector<1x512xf32> to vector<1x64xf32>
    %max3A_766 = arith.maximumf %max3A_764, %slice3A_765 : vector<1x64xf32>
    %slice3A_767 = vector.extract_strided_slice %broadcast_in_dim3A_755 {offsets = [0, 384], sizes = [1, 64], strides = [1, 1]} : vector<1x512xf32> to vector<1x64xf32>
    %max3A_768 = arith.maximumf %max3A_766, %slice3A_767 : vector<1x64xf32>
    %slice3A_769 = vector.extract_strided_slice %broadcast_in_dim3A_755 {offsets = [0, 448], sizes = [1, 64], strides = [1, 1]} : vector<1x512xf32> to vector<1x64xf32>
    %max3A_770 = arith.maximumf %max3A_768, %slice3A_769 : vector<1x64xf32>
    %reduce_sum3A_771 = vector.shape_cast %max3A_770 : vector<1x64xf32> to vector<1x1x64xf32>
    %reduce_sum3A_772 = arith.constant dense<0.000000e+00> : vector<1xf32>
    %reduce_sum3A_773 = vector.multi_reduction <add>, %reduce_sum3A_771, %reduce_sum3A_772 [1, 2] : vector<1x1x64xf32> to vector<1xf32>
    %reduce_sum3A_774 = vector.shape_cast %reduce_sum3A_773 : vector<1xf32> to vector<1x1x1xf32>
    %reduce_sum3A_775 = vector.extract %reduce_sum3A_774[0, 0, 0] : f32 from vector<1x1x1xf32>
    %mul3A_776 = arith.constant 1.562500e-02 : f32
    %mul3A_777 = arith.mulf %reduce_sum3A_775, %mul3A_776 : f32
    %broadcast_in_dim3A_778 = vector.broadcast %mul3A_777 : f32 to vector<1x128xf32>
    %swap3A_779 = arith.constant 2 : index
    %swap3A_780 = arith.constant 0 : index
    %swap3A_781 = arith.constant 0 : index
    %swap3A_782 = vector.load %arg9[%swap3A_779, %swap3A_780, %swap3A_781] : memref<8x1x128xf32, #tpu.memory_space<vmem>>, vector<1x1x128xf32>
    %swap3A_783 = vector.shape_cast %swap3A_782 : vector<1x1x128xf32> to vector<1x128xf32>
    %swap3A_784 = vector.shape_cast %broadcast_in_dim3A_778 : vector<1x128xf32> to vector<1x1x128xf32>
    tpu.vector_store %arg9[%swap3A_779, %swap3A_780, %swap3A_781], %swap3A_784 {strides = array<i32>} : memref<8x1x128xf32, #tpu.memory_space<vmem>>, vector<1x1x128xf32>,
    %slice3A_785 = vector.extract_strided_slice %add3A_20 {offsets = [384, 0], sizes = [128, 256], strides = [1, 1]} : vector<1024x256xf32> to vector<128x256xf32>
    %reduce_sum3A_786 = arith.constant dense<0.000000e+00> : vector<256xf32>
    %reduce_sum3A_787 = vector.multi_reduction <add>, %slice3A_785, %reduce_sum3A_786 [0] : vector<128x256xf32> to vector<256xf32>
    %broadcast_in_dim3A_788 = vector.shape_cast %reduce_sum3A_787 : vector<256xf32> to vector<1x256xf32>
    %div3A_789 = arith.constant 1.280000e+02 : f32
    %div3A_790 = vector.broadcast %div3A_789 : f32 to vector<1x256xf32>
    %div3A_791 = arith.divf %broadcast_in_dim3A_788, %div3A_790 : vector<1x256xf32>
    %swap3A_792 = arith.constant 3 : index
    %swap3A_793 = arith.constant 0 : index
    %swap3A_794 = arith.constant 0 : index
    %swap3A_795 = vector.load %arg8[%swap3A_792, %swap3A_793, %swap3A_794] : memref<8x1x256xf32, #tpu.memory_space<vmem>>, vector<1x1x256xf32>
    %swap3A_796 = vector.shape_cast %swap3A_795 : vector<1x1x256xf32> to vector<1x256xf32>
    %swap3A_797 = vector.shape_cast %div3A_791 : vector<1x256xf32> to vector<1x1x256xf32>
    tpu.vector_store %arg8[%swap3A_792, %swap3A_793, %swap3A_794], %swap3A_797 {strides = array<i32>} : memref<8x1x256xf32, #tpu.memory_space<vmem>>, vector<1x1x256xf32>,
    %slice3A_798 = vector.extract_strided_slice %dot_general3A_29 {offsets = [384, 0], sizes = [128, 512], strides = [1, 1]} : vector<1024x512xf32> to vector<128x512xf32>
    %slice3A_799 = vector.extract_strided_slice %slice3A_798 {offsets = [0, 448], sizes = [128, 64], strides = [1, 1]} : vector<128x512xf32> to vector<128x64xf32>
    %reduce_sum3A_800 = arith.constant dense<0.000000e+00> : vector<64xf32>
    %reduce_sum3A_801 = vector.multi_reduction <add>, %slice3A_799, %reduce_sum3A_800 [0] : vector<128x64xf32> to vector<64xf32>
    %broadcast_in_dim3A_802 = vector.shape_cast %reduce_sum3A_801 : vector<64xf32> to vector<64x1xf32>
    %iota3A_803 = tpu.iota {dimensions = array<i32: 0>} : vector<64x8xi32>
    %iota3A_804 = tpu.iota {dimensions = array<i32: 1>} : vector<64x8xi32>
    %jit3A_805 = arith.constant 8 : i32
    %eq3A_806 = arith.constant 0 : i32
    %eq3A_807 = arith.cmpi eq, %jit3A_805, %eq3A_806 : i32
    %jit3A_808 = arith.constant 1 : i32
    %select_n3A_809 = arith.select %eq3A_807, %jit3A_808, %jit3A_805 : i32
    %rem3A_810 = vector.broadcast %select_n3A_809 : i32 to vector<64x8xi32>
    %rem3A_811 = arith.remsi %iota3A_803, %rem3A_810 : vector<64x8xi32>
    %ne3A_812 = arith.constant 0 : i32
    %ne3A_813 = vector.broadcast %ne3A_812 : i32 to vector<64x8xi32>
    %ne3A_814 = arith.cmpi ne, %rem3A_811, %ne3A_813 : vector<64x8xi32>
    %lt3A_815 = arith.constant 0 : i32
    %lt3A_816 = vector.broadcast %lt3A_815 : i32 to vector<64x8xi32>
    %lt3A_817 = arith.cmpi slt, %rem3A_811, %lt3A_816 : vector<64x8xi32>
    %lt3A_818 = arith.constant 0 : i32
    %lt3A_819 = arith.cmpi slt, %select_n3A_809, %lt3A_818 : i32
    %ne3A_820 = vector.broadcast %lt3A_819 : i1 to vector<64x8xi1>
    %ne3A_821 = vector.broadcast %ne3A_820 : vector<64x8xi1> to vector<64x8xi1>
    %ne3A_822 = arith.xori %lt3A_817, %ne3A_821 : vector<64x8xi1>
    %and3A_823 = arith.andi %ne3A_822, %ne3A_814 : vector<64x8xi1>
    %add3A_824 = vector.broadcast %select_n3A_809 : i32 to vector<64x8xi32>
    %add3A_825 = arith.addi %rem3A_811, %add3A_824 : vector<64x8xi32>
    %select_n3A_826 = arith.select %and3A_823, %add3A_825, %rem3A_811 : vector<64x8xi1>, vector<64x8xi32>
    %eq3A_827 = arith.cmpi eq, %select_n3A_826, %iota3A_804 : vector<64x8xi32>
    %jit3A_828 = arith.constant -3.000000e+38 : f32
    %broadcast_in_dim3A_829 = vector.shape_cast %broadcast_in_dim3A_802 : vector<64x1xf32> to vector<64x1xf32>
    %broadcast_in_dim3A_830 = vector.broadcast %broadcast_in_dim3A_829 : vector<64x1xf32> to vector<64x8xf32>
    %broadcast_in_dim3A_831 = vector.broadcast %jit3A_828 : f32 to vector<64x8xf32>
    %select_n3A_832 = arith.select %eq3A_827, %broadcast_in_dim3A_830, %broadcast_in_dim3A_831 : vector<64x8xi1>, vector<64x8xf32>
    %reduce_max3A_833 = arith.constant dense<0xFF800000> : vector<8xf32>
    %reduce_max3A_834 = vector.multi_reduction <maximumf>, %select_n3A_832, %reduce_max3A_833 [0] : vector<64x8xf32> to vector<8xf32>
    %broadcast_in_dim3A_835 = vector.shape_cast %reduce_max3A_834 : vector<8xf32> to vector<1x8xf32>
    %eq3A_836 = vector.broadcast %broadcast_in_dim3A_835 : vector<1x8xf32> to vector<64x8xf32>
    %eq3A_837 = arith.cmpf oeq, %select_n3A_832, %eq3A_836 : vector<64x8xf32>
    %jit3A_838 = arith.constant 8 : i32
    %div3A_839 = vector.broadcast %jit3A_838 : i32 to vector<64x8xi32>
    %div3A_840 = arith.divsi %iota3A_803, %div3A_839 : vector<64x8xi32>
    %sign3A_841 = arith.constant 0 : i32
    %sign3A_842 = vector.broadcast %sign3A_841 : i32 to vector<64x8xi32>
    %sign3A_843 = arith.cmpi sgt, %iota3A_803, %sign3A_842 : vector<64x8xi32>
    %sign3A_844 = arith.extui %sign3A_843 : vector<64x8xi1> to vector<64x8xi32>
    %sign3A_845 = arith.constant 0 : i32
    %sign3A_846 = vector.broadcast %sign3A_845 : i32 to vector<64x8xi32>
    %sign3A_847 = arith.cmpi slt, %iota3A_803, %sign3A_846 : vector<64x8xi32>
    %sign3A_848 = arith.extui %sign3A_847 : vector<64x8xi1> to vector<64x8xi32>
    %sign3A_849 = arith.subi %sign3A_844, %sign3A_848 : vector<64x8xi32>
    %sign3A_850 = arith.constant 0 : i32
    %sign3A_851 = arith.cmpi sgt, %jit3A_838, %sign3A_850 : i32
    %sign3A_852 = arith.extui %sign3A_851 : i1 to i32
    %sign3A_853 = arith.constant 0 : i32
    %sign3A_854 = arith.cmpi slt, %jit3A_838, %sign3A_853 : i32
    %sign3A_855 = arith.extui %sign3A_854 : i1 to i32
    %sign3A_856 = arith.subi %sign3A_852, %sign3A_855 : i32
    %ne3A_857 = vector.broadcast %sign3A_856 : i32 to vector<64x8xi32>
    %ne3A_858 = arith.cmpi ne, %sign3A_849, %ne3A_857 : vector<64x8xi32>
    %rem3A_859 = vector.broadcast %jit3A_838 : i32 to vector<64x8xi32>
    %rem3A_860 = arith.remsi %iota3A_803, %rem3A_859 : vector<64x8xi32>
    %ne3A_861 = arith.constant 0 : i32
    %ne3A_862 = vector.broadcast %ne3A_861 : i32 to vector<64x8xi32>
    %ne3A_863 = arith.cmpi ne, %rem3A_860, %ne3A_862 : vector<64x8xi32>
    %and3A_864 = arith.andi %ne3A_858, %ne3A_863 : vector<64x8xi1>
    %sub3A_865 = arith.constant 1 : i32
    %sub3A_866 = vector.broadcast %sub3A_865 : i32 to vector<64x8xi32>
    %sub3A_867 = arith.subi %div3A_840, %sub3A_866 : vector<64x8xi32>
    %select_n3A_868 = arith.select %and3A_864, %sub3A_867, %div3A_840 : vector<64x8xi1>, vector<64x8xi32>
    %jit3A_869 = arith.constant 127 : i32
    %broadcast_in_dim3A_870 = vector.broadcast %jit3A_869 : i32 to vector<64x8xi32>
    %select_n3A_871 = arith.select %eq3A_837, %select_n3A_868, %broadcast_in_dim3A_870 : vector<64x8xi1>, vector<64x8xi32>
    %reduce_min3A_872 = arith.constant dense<2147483647> : vector<8xi32>
    %reduce_min3A_873 = vector.multi_reduction <minsi>, %select_n3A_871, %reduce_min3A_872 [0] : vector<64x8xi32> to vector<8xi32>
    %jit3A_874 = arith.constant 8 : i32
    %div3A_875 = vector.broadcast %jit3A_874 : i32 to vector<64x8xi32>
    %div3A_876 = arith.divsi %iota3A_803, %div3A_875 : vector<64x8xi32>
    %sign3A_877 = arith.constant 0 : i32
    %sign3A_878 = vector.broadcast %sign3A_877 : i32 to vector<64x8xi32>
    %sign3A_879 = arith.cmpi sgt, %iota3A_803, %sign3A_878 : vector<64x8xi32>
    %sign3A_880 = arith.extui %sign3A_879 : vector<64x8xi1> to vector<64x8xi32>
    %sign3A_881 = arith.constant 0 : i32
    %sign3A_882 = vector.broadcast %sign3A_881 : i32 to vector<64x8xi32>
    %sign3A_883 = arith.cmpi slt, %iota3A_803, %sign3A_882 : vector<64x8xi32>
    %sign3A_884 = arith.extui %sign3A_883 : vector<64x8xi1> to vector<64x8xi32>
    %sign3A_885 = arith.subi %sign3A_880, %sign3A_884 : vector<64x8xi32>
    %sign3A_886 = arith.constant 0 : i32
    %sign3A_887 = arith.cmpi sgt, %jit3A_874, %sign3A_886 : i32
    %sign3A_888 = arith.extui %sign3A_887 : i1 to i32
    %sign3A_889 = arith.constant 0 : i32
    %sign3A_890 = arith.cmpi slt, %jit3A_874, %sign3A_889 : i32
    %sign3A_891 = arith.extui %sign3A_890 : i1 to i32
    %sign3A_892 = arith.subi %sign3A_888, %sign3A_891 : i32
    %ne3A_893 = vector.broadcast %sign3A_892 : i32 to vector<64x8xi32>
    %ne3A_894 = arith.cmpi ne, %sign3A_885, %ne3A_893 : vector<64x8xi32>
    %rem3A_895 = vector.broadcast %jit3A_874 : i32 to vector<64x8xi32>
    %rem3A_896 = arith.remsi %iota3A_803, %rem3A_895 : vector<64x8xi32>
    %ne3A_897 = arith.constant 0 : i32
    %ne3A_898 = vector.broadcast %ne3A_897 : i32 to vector<64x8xi32>
    %ne3A_899 = arith.cmpi ne, %rem3A_896, %ne3A_898 : vector<64x8xi32>
    %and3A_900 = arith.andi %ne3A_894, %ne3A_899 : vector<64x8xi1>
    %sub3A_901 = arith.constant 1 : i32
    %sub3A_902 = vector.broadcast %sub3A_901 : i32 to vector<64x8xi32>
    %sub3A_903 = arith.subi %div3A_876, %sub3A_902 : vector<64x8xi32>
    %select_n3A_904 = arith.select %and3A_900, %sub3A_903, %div3A_876 : vector<64x8xi1>, vector<64x8xi32>
    %eq3A_905 = arith.cmpi eq, %select_n3A_904, %iota3A_804 : vector<64x8xi32>
    %jit3A_906 = arith.constant -3.000000e+38 : f32
    %broadcast_in_dim3A_907 = vector.shape_cast %broadcast_in_dim3A_802 : vector<64x1xf32> to vector<64x1xf32>
    %broadcast_in_dim3A_908 = vector.broadcast %broadcast_in_dim3A_907 : vector<64x1xf32> to vector<64x8xf32>
    %broadcast_in_dim3A_909 = vector.broadcast %jit3A_906 : f32 to vector<64x8xf32>
    %select_n3A_910 = arith.select %eq3A_905, %broadcast_in_dim3A_908, %broadcast_in_dim3A_909 : vector<64x8xi1>, vector<64x8xf32>
    %reduce_max3A_911 = arith.constant dense<0xFF800000> : vector<8xf32>
    %reduce_max3A_912 = vector.multi_reduction <maximumf>, %select_n3A_910, %reduce_max3A_911 [0] : vector<64x8xf32> to vector<8xf32>
    %broadcast_in_dim3A_913 = vector.shape_cast %reduce_max3A_912 : vector<8xf32> to vector<1x8xf32>
    %eq3A_914 = vector.broadcast %broadcast_in_dim3A_913 : vector<1x8xf32> to vector<64x8xf32>
    %eq3A_915 = arith.cmpf oeq, %select_n3A_910, %eq3A_914 : vector<64x8xf32>
    %jit3A_916 = arith.constant 8 : i32
    %eq3A_917 = arith.constant 0 : i32
    %eq3A_918 = arith.cmpi eq, %jit3A_916, %eq3A_917 : i32
    %jit3A_919 = arith.constant 1 : i32
    %select_n3A_920 = arith.select %eq3A_918, %jit3A_919, %jit3A_916 : i32
    %rem3A_921 = vector.broadcast %select_n3A_920 : i32 to vector<64x8xi32>
    %rem3A_922 = arith.remsi %iota3A_803, %rem3A_921 : vector<64x8xi32>
    %ne3A_923 = arith.constant 0 : i32
    %ne3A_924 = vector.broadcast %ne3A_923 : i32 to vector<64x8xi32>
    %ne3A_925 = arith.cmpi ne, %rem3A_922, %ne3A_924 : vector<64x8xi32>
    %lt3A_926 = arith.constant 0 : i32
    %lt3A_927 = vector.broadcast %lt3A_926 : i32 to vector<64x8xi32>
    %lt3A_928 = arith.cmpi slt, %rem3A_922, %lt3A_927 : vector<64x8xi32>
    %lt3A_929 = arith.constant 0 : i32
    %lt3A_930 = arith.cmpi slt, %select_n3A_920, %lt3A_929 : i32
    %ne3A_931 = vector.broadcast %lt3A_930 : i1 to vector<64x8xi1>
    %ne3A_932 = vector.broadcast %ne3A_931 : vector<64x8xi1> to vector<64x8xi1>
    %ne3A_933 = arith.xori %lt3A_928, %ne3A_932 : vector<64x8xi1>
    %and3A_934 = arith.andi %ne3A_933, %ne3A_925 : vector<64x8xi1>
    %add3A_935 = vector.broadcast %select_n3A_920 : i32 to vector<64x8xi32>
    %add3A_936 = arith.addi %rem3A_922, %add3A_935 : vector<64x8xi32>
    %select_n3A_937 = arith.select %and3A_934, %add3A_936, %rem3A_922 : vector<64x8xi1>, vector<64x8xi32>
    %jit3A_938 = arith.constant 127 : i32
    %broadcast_in_dim3A_939 = vector.broadcast %jit3A_938 : i32 to vector<64x8xi32>
    %select_n3A_940 = arith.select %eq3A_915, %select_n3A_937, %broadcast_in_dim3A_939 : vector<64x8xi1>, vector<64x8xi32>
    %reduce_min3A_941 = arith.constant dense<2147483647> : vector<8xi32>
    %reduce_min3A_942 = vector.multi_reduction <minsi>, %select_n3A_940, %reduce_min3A_941 [0] : vector<64x8xi32> to vector<8xi32>
    %slice3A_943 = vector.extract_strided_slice %slice3A_798 {offsets = [0, 0], sizes = [8, 512], strides = [1, 1]} : vector<128x512xf32> to vector<8x512xf32>
    %iota3A_944 = tpu.iota {dimensions = array<i32: 1>} : vector<8x512xi32>
    %broadcast_in_dim3A_945 = vector.shape_cast %reduce_min3A_873 : vector<8xi32> to vector<8x1xi32>
    %jit3A_946 = arith.constant 64 : i32
    %div3A_947 = vector.broadcast %jit3A_946 : i32 to vector<8x512xi32>
    %div3A_948 = arith.divsi %iota3A_944, %div3A_947 : vector<8x512xi32>
    %sign3A_949 = arith.constant 0 : i32
    %sign3A_950 = vector.broadcast %sign3A_949 : i32 to vector<8x512xi32>
    %sign3A_951 = arith.cmpi sgt, %iota3A_944, %sign3A_950 : vector<8x512xi32>
    %sign3A_952 = arith.extui %sign3A_951 : vector<8x512xi1> to vector<8x512xi32>
    %sign3A_953 = arith.constant 0 : i32
    %sign3A_954 = vector.broadcast %sign3A_953 : i32 to vector<8x512xi32>
    %sign3A_955 = arith.cmpi slt, %iota3A_944, %sign3A_954 : vector<8x512xi32>
    %sign3A_956 = arith.extui %sign3A_955 : vector<8x512xi1> to vector<8x512xi32>
    %sign3A_957 = arith.subi %sign3A_952, %sign3A_956 : vector<8x512xi32>
    %sign3A_958 = arith.constant 0 : i32
    %sign3A_959 = arith.cmpi sgt, %jit3A_946, %sign3A_958 : i32
    %sign3A_960 = arith.extui %sign3A_959 : i1 to i32
    %sign3A_961 = arith.constant 0 : i32
    %sign3A_962 = arith.cmpi slt, %jit3A_946, %sign3A_961 : i32
    %sign3A_963 = arith.extui %sign3A_962 : i1 to i32
    %sign3A_964 = arith.subi %sign3A_960, %sign3A_963 : i32
    %ne3A_965 = vector.broadcast %sign3A_964 : i32 to vector<8x512xi32>
    %ne3A_966 = arith.cmpi ne, %sign3A_957, %ne3A_965 : vector<8x512xi32>
    %rem3A_967 = vector.broadcast %jit3A_946 : i32 to vector<8x512xi32>
    %rem3A_968 = arith.remsi %iota3A_944, %rem3A_967 : vector<8x512xi32>
    %ne3A_969 = arith.constant 0 : i32
    %ne3A_970 = vector.broadcast %ne3A_969 : i32 to vector<8x512xi32>
    %ne3A_971 = arith.cmpi ne, %rem3A_968, %ne3A_970 : vector<8x512xi32>
    %and3A_972 = arith.andi %ne3A_966, %ne3A_971 : vector<8x512xi1>
    %sub3A_973 = arith.constant 1 : i32
    %sub3A_974 = vector.broadcast %sub3A_973 : i32 to vector<8x512xi32>
    %sub3A_975 = arith.subi %div3A_948, %sub3A_974 : vector<8x512xi32>
    %select_n3A_976 = arith.select %and3A_972, %sub3A_975, %div3A_948 : vector<8x512xi1>, vector<8x512xi32>
    %eq3A_977 = vector.broadcast %broadcast_in_dim3A_945 : vector<8x1xi32> to vector<8x512xi32>
    %eq3A_978 = arith.cmpi eq, %eq3A_977, %select_n3A_976 : vector<8x512xi32>
    %jit3A_979 = arith.constant 1.000000e+00 : f32
    %jit3A_980 = arith.constant 0.000000e+00 : f32
    %broadcast_in_dim3A_981 = vector.broadcast %jit3A_979 : f32 to vector<8x512xf32>
    %broadcast_in_dim3A_982 = vector.broadcast %jit3A_980 : f32 to vector<8x512xf32>
    %select_n3A_983 = arith.select %eq3A_978, %broadcast_in_dim3A_981, %broadcast_in_dim3A_982 : vector<8x512xi1>, vector<8x512xf32>
    %reduce_max3A_984 = arith.constant dense<0xFF800000> : vector<512xf32>
    %reduce_max3A_985 = vector.multi_reduction <maximumf>, %select_n3A_983, %reduce_max3A_984 [0] : vector<8x512xf32> to vector<512xf32>
    %broadcast_in_dim3A_986 = vector.shape_cast %reduce_max3A_985 : vector<512xf32> to vector<1x512xf32>
    %iota3A_987 = tpu.iota {dimensions = array<i32: 0>} : vector<8x8xi32>
    %broadcast_in_dim3A_988 = vector.shape_cast %reduce_min3A_942 : vector<8xi32> to vector<1x8xi32>
    %eq3A_989 = vector.broadcast %broadcast_in_dim3A_988 : vector<1x8xi32> to vector<8x8xi32>
    %eq3A_990 = arith.cmpi eq, %eq3A_989, %iota3A_987 : vector<8x8xi32>
    %jit3A_991 = arith.constant 1.000000e+00 : f32
    %jit3A_992 = arith.constant 0.000000e+00 : f32
    %broadcast_in_dim3A_993 = vector.broadcast %jit3A_991 : f32 to vector<8x8xf32>
    %broadcast_in_dim3A_994 = vector.broadcast %jit3A_992 : f32 to vector<8x8xf32>
    %select_n3A_995 = arith.select %eq3A_990, %broadcast_in_dim3A_993, %broadcast_in_dim3A_994 : vector<8x8xi1>, vector<8x8xf32>
    %reduce_max3A_996 = arith.constant dense<0xFF800000> : vector<8xf32>
    %reduce_max3A_997 = vector.multi_reduction <maximumf>, %select_n3A_995, %reduce_max3A_996 [1] : vector<8x8xf32> to vector<8xf32>
    %broadcast_in_dim3A_998 = vector.shape_cast %reduce_max3A_997 : vector<8xf32> to vector<8x1xf32>
    %gt3A_999 = arith.constant 0.000000e+00 : f32
    %gt3A_1000 = vector.broadcast %gt3A_999 : f32 to vector<8x1xf32>
    %gt3A_1001 = arith.cmpf ogt, %broadcast_in_dim3A_998, %gt3A_1000 : vector<8x1xf32>
    %gt3A_1002 = arith.constant 0.000000e+00 : f32
    %gt3A_1003 = vector.broadcast %gt3A_1002 : f32 to vector<1x512xf32>
    %gt3A_1004 = arith.cmpf ogt, %broadcast_in_dim3A_986, %gt3A_1003 : vector<1x512xf32>
    %and3A_1005 = vector.broadcast %gt3A_1001 : vector<8x1xi1> to vector<8x512xi1>
    %and3A_1006 = vector.broadcast %gt3A_1004 : vector<1x512xi1> to vector<8x512xi1>
    %and3A_1007 = arith.andi %and3A_1005, %and3A_1006 : vector<8x512xi1>
    %jit3A_1008 = arith.constant -3.000000e+38 : f32
    %broadcast_in_dim3A_1009 = vector.broadcast %jit3A_1008 : f32 to vector<8x512xf32>
    %select_n3A_1010 = arith.select %and3A_1007, %slice3A_943, %broadcast_in_dim3A_1009 : vector<8x512xi1>, vector<8x512xf32>
    %reduce_max3A_1011 = arith.constant dense<0xFF800000> : vector<512xf32>
    %reduce_max3A_1012 = vector.multi_reduction <maximumf>, %select_n3A_1010, %reduce_max3A_1011 [0] : vector<8x512xf32> to vector<512xf32>
    %broadcast_in_dim3A_1013 = vector.shape_cast %reduce_max3A_1012 : vector<512xf32> to vector<1x512xf32>
    %slice3A_1014 = vector.extract_strided_slice %broadcast_in_dim3A_1013 {offsets = [0, 0], sizes = [1, 64], strides = [1, 1]} : vector<1x512xf32> to vector<1x64xf32>
    %slice3A_1015 = vector.extract_strided_slice %broadcast_in_dim3A_1013 {offsets = [0, 64], sizes = [1, 64], strides = [1, 1]} : vector<1x512xf32> to vector<1x64xf32>
    %max3A_1016 = arith.maximumf %slice3A_1014, %slice3A_1015 : vector<1x64xf32>
    %slice3A_1017 = vector.extract_strided_slice %broadcast_in_dim3A_1013 {offsets = [0, 128], sizes = [1, 64], strides = [1, 1]} : vector<1x512xf32> to vector<1x64xf32>
    %max3A_1018 = arith.maximumf %max3A_1016, %slice3A_1017 : vector<1x64xf32>
    %slice3A_1019 = vector.extract_strided_slice %broadcast_in_dim3A_1013 {offsets = [0, 192], sizes = [1, 64], strides = [1, 1]} : vector<1x512xf32> to vector<1x64xf32>
    %max3A_1020 = arith.maximumf %max3A_1018, %slice3A_1019 : vector<1x64xf32>
    %slice3A_1021 = vector.extract_strided_slice %broadcast_in_dim3A_1013 {offsets = [0, 256], sizes = [1, 64], strides = [1, 1]} : vector<1x512xf32> to vector<1x64xf32>
    %max3A_1022 = arith.maximumf %max3A_1020, %slice3A_1021 : vector<1x64xf32>
    %slice3A_1023 = vector.extract_strided_slice %broadcast_in_dim3A_1013 {offsets = [0, 320], sizes = [1, 64], strides = [1, 1]} : vector<1x512xf32> to vector<1x64xf32>
    %max3A_1024 = arith.maximumf %max3A_1022, %slice3A_1023 : vector<1x64xf32>
    %slice3A_1025 = vector.extract_strided_slice %broadcast_in_dim3A_1013 {offsets = [0, 384], sizes = [1, 64], strides = [1, 1]} : vector<1x512xf32> to vector<1x64xf32>
    %max3A_1026 = arith.maximumf %max3A_1024, %slice3A_1025 : vector<1x64xf32>
    %slice3A_1027 = vector.extract_strided_slice %broadcast_in_dim3A_1013 {offsets = [0, 448], sizes = [1, 64], strides = [1, 1]} : vector<1x512xf32> to vector<1x64xf32>
    %max3A_1028 = arith.maximumf %max3A_1026, %slice3A_1027 : vector<1x64xf32>
    %reduce_sum3A_1029 = vector.shape_cast %max3A_1028 : vector<1x64xf32> to vector<1x1x64xf32>
    %reduce_sum3A_1030 = arith.constant dense<0.000000e+00> : vector<1xf32>
    %reduce_sum3A_1031 = vector.multi_reduction <add>, %reduce_sum3A_1029, %reduce_sum3A_1030 [1, 2] : vector<1x1x64xf32> to vector<1xf32>
    %reduce_sum3A_1032 = vector.shape_cast %reduce_sum3A_1031 : vector<1xf32> to vector<1x1x1xf32>
    %reduce_sum3A_1033 = vector.extract %reduce_sum3A_1032[0, 0, 0] : f32 from vector<1x1x1xf32>
    %mul3A_1034 = arith.constant 1.562500e-02 : f32
    %mul3A_1035 = arith.mulf %reduce_sum3A_1033, %mul3A_1034 : f32
    %broadcast_in_dim3A_1036 = vector.broadcast %mul3A_1035 : f32 to vector<1x128xf32>
    %swap3A_1037 = arith.constant 3 : index
    %swap3A_1038 = arith.constant 0 : index
    %swap3A_1039 = arith.constant 0 : index
    %swap3A_1040 = vector.load %arg9[%swap3A_1037, %swap3A_1038, %swap3A_1039] : memref<8x1x128xf32, #tpu.memory_space<vmem>>, vector<1x1x128xf32>
    %swap3A_1041 = vector.shape_cast %swap3A_1040 : vector<1x1x128xf32> to vector<1x128xf32>
    %swap3A_1042 = vector.shape_cast %broadcast_in_dim3A_1036 : vector<1x128xf32> to vector<1x1x128xf32>
    tpu.vector_store %arg9[%swap3A_1037, %swap3A_1038, %swap3A_1039], %swap3A_1042 {strides = array<i32>} : memref<8x1x128xf32, #tpu.memory_space<vmem>>, vector<1x1x128xf32>,
    %slice3A_1043 = vector.extract_strided_slice %add3A_20 {offsets = [512, 0], sizes = [128, 256], strides = [1, 1]} : vector<1024x256xf32> to vector<128x256xf32>
    %reduce_sum3A_1044 = arith.constant dense<0.000000e+00> : vector<256xf32>
    %reduce_sum3A_1045 = vector.multi_reduction <add>, %slice3A_1043, %reduce_sum3A_1044 [0] : vector<128x256xf32> to vector<256xf32>
    %broadcast_in_dim3A_1046 = vector.shape_cast %reduce_sum3A_1045 : vector<256xf32> to vector<1x256xf32>
    %div3A_1047 = arith.constant 1.280000e+02 : f32
    %div3A_1048 = vector.broadcast %div3A_1047 : f32 to vector<1x256xf32>
    %div3A_1049 = arith.divf %broadcast_in_dim3A_1046, %div3A_1048 : vector<1x256xf32>
    %swap3A_1050 = arith.constant 4 : index
    %swap3A_1051 = arith.constant 0 : index
    %swap3A_1052 = arith.constant 0 : index
    %swap3A_1053 = vector.load %arg8[%swap3A_1050, %swap3A_1051, %swap3A_1052] : memref<8x1x256xf32, #tpu.memory_space<vmem>>, vector<1x1x256xf32>
    %swap3A_1054 = vector.shape_cast %swap3A_1053 : vector<1x1x256xf32> to vector<1x256xf32>
    %swap3A_1055 = vector.shape_cast %div3A_1049 : vector<1x256xf32> to vector<1x1x256xf32>
    tpu.vector_store %arg8[%swap3A_1050, %swap3A_1051, %swap3A_1052], %swap3A_1055 {strides = array<i32>} : memref<8x1x256xf32, #tpu.memory_space<vmem>>, vector<1x1x256xf32>,
    %slice3A_1056 = vector.extract_strided_slice %dot_general3A_29 {offsets = [512, 0], sizes = [128, 512], strides = [1, 1]} : vector<1024x512xf32> to vector<128x512xf32>
    %slice3A_1057 = vector.extract_strided_slice %slice3A_1056 {offsets = [0, 448], sizes = [128, 64], strides = [1, 1]} : vector<128x512xf32> to vector<128x64xf32>
    %reduce_sum3A_1058 = arith.constant dense<0.000000e+00> : vector<64xf32>
    %reduce_sum3A_1059 = vector.multi_reduction <add>, %slice3A_1057, %reduce_sum3A_1058 [0] : vector<128x64xf32> to vector<64xf32>
    %broadcast_in_dim3A_1060 = vector.shape_cast %reduce_sum3A_1059 : vector<64xf32> to vector<64x1xf32>
    %iota3A_1061 = tpu.iota {dimensions = array<i32: 0>} : vector<64x8xi32>
    %iota3A_1062 = tpu.iota {dimensions = array<i32: 1>} : vector<64x8xi32>
    %jit3A_1063 = arith.constant 8 : i32
    %eq3A_1064 = arith.constant 0 : i32
    %eq3A_1065 = arith.cmpi eq, %jit3A_1063, %eq3A_1064 : i32
    %jit3A_1066 = arith.constant 1 : i32
    %select_n3A_1067 = arith.select %eq3A_1065, %jit3A_1066, %jit3A_1063 : i32
    %rem3A_1068 = vector.broadcast %select_n3A_1067 : i32 to vector<64x8xi32>
    %rem3A_1069 = arith.remsi %iota3A_1061, %rem3A_1068 : vector<64x8xi32>
    %ne3A_1070 = arith.constant 0 : i32
    %ne3A_1071 = vector.broadcast %ne3A_1070 : i32 to vector<64x8xi32>
    %ne3A_1072 = arith.cmpi ne, %rem3A_1069, %ne3A_1071 : vector<64x8xi32>
    %lt3A_1073 = arith.constant 0 : i32
    %lt3A_1074 = vector.broadcast %lt3A_1073 : i32 to vector<64x8xi32>
    %lt3A_1075 = arith.cmpi slt, %rem3A_1069, %lt3A_1074 : vector<64x8xi32>
    %lt3A_1076 = arith.constant 0 : i32
    %lt3A_1077 = arith.cmpi slt, %select_n3A_1067, %lt3A_1076 : i32
    %ne3A_1078 = vector.broadcast %lt3A_1077 : i1 to vector<64x8xi1>
    %ne3A_1079 = vector.broadcast %ne3A_1078 : vector<64x8xi1> to vector<64x8xi1>
    %ne3A_1080 = arith.xori %lt3A_1075, %ne3A_1079 : vector<64x8xi1>
    %and3A_1081 = arith.andi %ne3A_1080, %ne3A_1072 : vector<64x8xi1>
    %add3A_1082 = vector.broadcast %select_n3A_1067 : i32 to vector<64x8xi32>
    %add3A_1083 = arith.addi %rem3A_1069, %add3A_1082 : vector<64x8xi32>
    %select_n3A_1084 = arith.select %and3A_1081, %add3A_1083, %rem3A_1069 : vector<64x8xi1>, vector<64x8xi32>
    %eq3A_1085 = arith.cmpi eq, %select_n3A_1084, %iota3A_1062 : vector<64x8xi32>
    %jit3A_1086 = arith.constant -3.000000e+38 : f32
    %broadcast_in_dim3A_1087 = vector.shape_cast %broadcast_in_dim3A_1060 : vector<64x1xf32> to vector<64x1xf32>
    %broadcast_in_dim3A_1088 = vector.broadcast %broadcast_in_dim3A_1087 : vector<64x1xf32> to vector<64x8xf32>
    %broadcast_in_dim3A_1089 = vector.broadcast %jit3A_1086 : f32 to vector<64x8xf32>
    %select_n3A_1090 = arith.select %eq3A_1085, %broadcast_in_dim3A_1088, %broadcast_in_dim3A_1089 : vector<64x8xi1>, vector<64x8xf32>
    %reduce_max3A_1091 = arith.constant dense<0xFF800000> : vector<8xf32>
    %reduce_max3A_1092 = vector.multi_reduction <maximumf>, %select_n3A_1090, %reduce_max3A_1091 [0] : vector<64x8xf32> to vector<8xf32>
    %broadcast_in_dim3A_1093 = vector.shape_cast %reduce_max3A_1092 : vector<8xf32> to vector<1x8xf32>
    %eq3A_1094 = vector.broadcast %broadcast_in_dim3A_1093 : vector<1x8xf32> to vector<64x8xf32>
    %eq3A_1095 = arith.cmpf oeq, %select_n3A_1090, %eq3A_1094 : vector<64x8xf32>
    %jit3A_1096 = arith.constant 8 : i32
    %div3A_1097 = vector.broadcast %jit3A_1096 : i32 to vector<64x8xi32>
    %div3A_1098 = arith.divsi %iota3A_1061, %div3A_1097 : vector<64x8xi32>
    %sign3A_1099 = arith.constant 0 : i32
    %sign3A_1100 = vector.broadcast %sign3A_1099 : i32 to vector<64x8xi32>
    %sign3A_1101 = arith.cmpi sgt, %iota3A_1061, %sign3A_1100 : vector<64x8xi32>
    %sign3A_1102 = arith.extui %sign3A_1101 : vector<64x8xi1> to vector<64x8xi32>
    %sign3A_1103 = arith.constant 0 : i32
    %sign3A_1104 = vector.broadcast %sign3A_1103 : i32 to vector<64x8xi32>
    %sign3A_1105 = arith.cmpi slt, %iota3A_1061, %sign3A_1104 : vector<64x8xi32>
    %sign3A_1106 = arith.extui %sign3A_1105 : vector<64x8xi1> to vector<64x8xi32>
    %sign3A_1107 = arith.subi %sign3A_1102, %sign3A_1106 : vector<64x8xi32>
    %sign3A_1108 = arith.constant 0 : i32
    %sign3A_1109 = arith.cmpi sgt, %jit3A_1096, %sign3A_1108 : i32
    %sign3A_1110 = arith.extui %sign3A_1109 : i1 to i32
    %sign3A_1111 = arith.constant 0 : i32
    %sign3A_1112 = arith.cmpi slt, %jit3A_1096, %sign3A_1111 : i32
    %sign3A_1113 = arith.extui %sign3A_1112 : i1 to i32
    %sign3A_1114 = arith.subi %sign3A_1110, %sign3A_1113 : i32
    %ne3A_1115 = vector.broadcast %sign3A_1114 : i32 to vector<64x8xi32>
    %ne3A_1116 = arith.cmpi ne, %sign3A_1107, %ne3A_1115 : vector<64x8xi32>
    %rem3A_1117 = vector.broadcast %jit3A_1096 : i32 to vector<64x8xi32>
    %rem3A_1118 = arith.remsi %iota3A_1061, %rem3A_1117 : vector<64x8xi32>
    %ne3A_1119 = arith.constant 0 : i32
    %ne3A_1120 = vector.broadcast %ne3A_1119 : i32 to vector<64x8xi32>
    %ne3A_1121 = arith.cmpi ne, %rem3A_1118, %ne3A_1120 : vector<64x8xi32>
    %and3A_1122 = arith.andi %ne3A_1116, %ne3A_1121 : vector<64x8xi1>
    %sub3A_1123 = arith.constant 1 : i32
    %sub3A_1124 = vector.broadcast %sub3A_1123 : i32 to vector<64x8xi32>
    %sub3A_1125 = arith.subi %div3A_1098, %sub3A_1124 : vector<64x8xi32>
    %select_n3A_1126 = arith.select %and3A_1122, %sub3A_1125, %div3A_1098 : vector<64x8xi1>, vector<64x8xi32>
    %jit3A_1127 = arith.constant 127 : i32
    %broadcast_in_dim3A_1128 = vector.broadcast %jit3A_1127 : i32 to vector<64x8xi32>
    %select_n3A_1129 = arith.select %eq3A_1095, %select_n3A_1126, %broadcast_in_dim3A_1128 : vector<64x8xi1>, vector<64x8xi32>
    %reduce_min3A_1130 = arith.constant dense<2147483647> : vector<8xi32>
    %reduce_min3A_1131 = vector.multi_reduction <minsi>, %select_n3A_1129, %reduce_min3A_1130 [0] : vector<64x8xi32> to vector<8xi32>
    %jit3A_1132 = arith.constant 8 : i32
    %div3A_1133 = vector.broadcast %jit3A_1132 : i32 to vector<64x8xi32>
    %div3A_1134 = arith.divsi %iota3A_1061, %div3A_1133 : vector<64x8xi32>
    %sign3A_1135 = arith.constant 0 : i32
    %sign3A_1136 = vector.broadcast %sign3A_1135 : i32 to vector<64x8xi32>
    %sign3A_1137 = arith.cmpi sgt, %iota3A_1061, %sign3A_1136 : vector<64x8xi32>
    %sign3A_1138 = arith.extui %sign3A_1137 : vector<64x8xi1> to vector<64x8xi32>
    %sign3A_1139 = arith.constant 0 : i32
    %sign3A_1140 = vector.broadcast %sign3A_1139 : i32 to vector<64x8xi32>
    %sign3A_1141 = arith.cmpi slt, %iota3A_1061, %sign3A_1140 : vector<64x8xi32>
    %sign3A_1142 = arith.extui %sign3A_1141 : vector<64x8xi1> to vector<64x8xi32>
    %sign3A_1143 = arith.subi %sign3A_1138, %sign3A_1142 : vector<64x8xi32>
    %sign3A_1144 = arith.constant 0 : i32
    %sign3A_1145 = arith.cmpi sgt, %jit3A_1132, %sign3A_1144 : i32
    %sign3A_1146 = arith.extui %sign3A_1145 : i1 to i32
    %sign3A_1147 = arith.constant 0 : i32
    %sign3A_1148 = arith.cmpi slt, %jit3A_1132, %sign3A_1147 : i32
    %sign3A_1149 = arith.extui %sign3A_1148 : i1 to i32
    %sign3A_1150 = arith.subi %sign3A_1146, %sign3A_1149 : i32
    %ne3A_1151 = vector.broadcast %sign3A_1150 : i32 to vector<64x8xi32>
    %ne3A_1152 = arith.cmpi ne, %sign3A_1143, %ne3A_1151 : vector<64x8xi32>
    %rem3A_1153 = vector.broadcast %jit3A_1132 : i32 to vector<64x8xi32>
    %rem3A_1154 = arith.remsi %iota3A_1061, %rem3A_1153 : vector<64x8xi32>
    %ne3A_1155 = arith.constant 0 : i32
    %ne3A_1156 = vector.broadcast %ne3A_1155 : i32 to vector<64x8xi32>
    %ne3A_1157 = arith.cmpi ne, %rem3A_1154, %ne3A_1156 : vector<64x8xi32>
    %and3A_1158 = arith.andi %ne3A_1152, %ne3A_1157 : vector<64x8xi1>
    %sub3A_1159 = arith.constant 1 : i32
    %sub3A_1160 = vector.broadcast %sub3A_1159 : i32 to vector<64x8xi32>
    %sub3A_1161 = arith.subi %div3A_1134, %sub3A_1160 : vector<64x8xi32>
    %select_n3A_1162 = arith.select %and3A_1158, %sub3A_1161, %div3A_1134 : vector<64x8xi1>, vector<64x8xi32>
    %eq3A_1163 = arith.cmpi eq, %select_n3A_1162, %iota3A_1062 : vector<64x8xi32>
    %jit3A_1164 = arith.constant -3.000000e+38 : f32
    %broadcast_in_dim3A_1165 = vector.shape_cast %broadcast_in_dim3A_1060 : vector<64x1xf32> to vector<64x1xf32>
    %broadcast_in_dim3A_1166 = vector.broadcast %broadcast_in_dim3A_1165 : vector<64x1xf32> to vector<64x8xf32>
    %broadcast_in_dim3A_1167 = vector.broadcast %jit3A_1164 : f32 to vector<64x8xf32>
    %select_n3A_1168 = arith.select %eq3A_1163, %broadcast_in_dim3A_1166, %broadcast_in_dim3A_1167 : vector<64x8xi1>, vector<64x8xf32>
    %reduce_max3A_1169 = arith.constant dense<0xFF800000> : vector<8xf32>
    %reduce_max3A_1170 = vector.multi_reduction <maximumf>, %select_n3A_1168, %reduce_max3A_1169 [0] : vector<64x8xf32> to vector<8xf32>
    %broadcast_in_dim3A_1171 = vector.shape_cast %reduce_max3A_1170 : vector<8xf32> to vector<1x8xf32>
    %eq3A_1172 = vector.broadcast %broadcast_in_dim3A_1171 : vector<1x8xf32> to vector<64x8xf32>
    %eq3A_1173 = arith.cmpf oeq, %select_n3A_1168, %eq3A_1172 : vector<64x8xf32>
    %jit3A_1174 = arith.constant 8 : i32
    %eq3A_1175 = arith.constant 0 : i32
    %eq3A_1176 = arith.cmpi eq, %jit3A_1174, %eq3A_1175 : i32
    %jit3A_1177 = arith.constant 1 : i32
    %select_n3A_1178 = arith.select %eq3A_1176, %jit3A_1177, %jit3A_1174 : i32
    %rem3A_1179 = vector.broadcast %select_n3A_1178 : i32 to vector<64x8xi32>
    %rem3A_1180 = arith.remsi %iota3A_1061, %rem3A_1179 : vector<64x8xi32>
    %ne3A_1181 = arith.constant 0 : i32
    %ne3A_1182 = vector.broadcast %ne3A_1181 : i32 to vector<64x8xi32>
    %ne3A_1183 = arith.cmpi ne, %rem3A_1180, %ne3A_1182 : vector<64x8xi32>
    %lt3A_1184 = arith.constant 0 : i32
    %lt3A_1185 = vector.broadcast %lt3A_1184 : i32 to vector<64x8xi32>
    %lt3A_1186 = arith.cmpi slt, %rem3A_1180, %lt3A_1185 : vector<64x8xi32>
    %lt3A_1187 = arith.constant 0 : i32
    %lt3A_1188 = arith.cmpi slt, %select_n3A_1178, %lt3A_1187 : i32
    %ne3A_1189 = vector.broadcast %lt3A_1188 : i1 to vector<64x8xi1>
    %ne3A_1190 = vector.broadcast %ne3A_1189 : vector<64x8xi1> to vector<64x8xi1>
    %ne3A_1191 = arith.xori %lt3A_1186, %ne3A_1190 : vector<64x8xi1>
    %and3A_1192 = arith.andi %ne3A_1191, %ne3A_1183 : vector<64x8xi1>
    %add3A_1193 = vector.broadcast %select_n3A_1178 : i32 to vector<64x8xi32>
    %add3A_1194 = arith.addi %rem3A_1180, %add3A_1193 : vector<64x8xi32>
    %select_n3A_1195 = arith.select %and3A_1192, %add3A_1194, %rem3A_1180 : vector<64x8xi1>, vector<64x8xi32>
    %jit3A_1196 = arith.constant 127 : i32
    %broadcast_in_dim3A_1197 = vector.broadcast %jit3A_1196 : i32 to vector<64x8xi32>
    %select_n3A_1198 = arith.select %eq3A_1173, %select_n3A_1195, %broadcast_in_dim3A_1197 : vector<64x8xi1>, vector<64x8xi32>
    %reduce_min3A_1199 = arith.constant dense<2147483647> : vector<8xi32>
    %reduce_min3A_1200 = vector.multi_reduction <minsi>, %select_n3A_1198, %reduce_min3A_1199 [0] : vector<64x8xi32> to vector<8xi32>
    %slice3A_1201 = vector.extract_strided_slice %slice3A_1056 {offsets = [0, 0], sizes = [8, 512], strides = [1, 1]} : vector<128x512xf32> to vector<8x512xf32>
    %iota3A_1202 = tpu.iota {dimensions = array<i32: 1>} : vector<8x512xi32>
    %broadcast_in_dim3A_1203 = vector.shape_cast %reduce_min3A_1131 : vector<8xi32> to vector<8x1xi32>
    %jit3A_1204 = arith.constant 64 : i32
    %div3A_1205 = vector.broadcast %jit3A_1204 : i32 to vector<8x512xi32>
    %div3A_1206 = arith.divsi %iota3A_1202, %div3A_1205 : vector<8x512xi32>
    %sign3A_1207 = arith.constant 0 : i32
    %sign3A_1208 = vector.broadcast %sign3A_1207 : i32 to vector<8x512xi32>
    %sign3A_1209 = arith.cmpi sgt, %iota3A_1202, %sign3A_1208 : vector<8x512xi32>
    %sign3A_1210 = arith.extui %sign3A_1209 : vector<8x512xi1> to vector<8x512xi32>
    %sign3A_1211 = arith.constant 0 : i32
    %sign3A_1212 = vector.broadcast %sign3A_1211 : i32 to vector<8x512xi32>
    %sign3A_1213 = arith.cmpi slt, %iota3A_1202, %sign3A_1212 : vector<8x512xi32>
    %sign3A_1214 = arith.extui %sign3A_1213 : vector<8x512xi1> to vector<8x512xi32>
    %sign3A_1215 = arith.subi %sign3A_1210, %sign3A_1214 : vector<8x512xi32>
    %sign3A_1216 = arith.constant 0 : i32
    %sign3A_1217 = arith.cmpi sgt, %jit3A_1204, %sign3A_1216 : i32
    %sign3A_1218 = arith.extui %sign3A_1217 : i1 to i32
    %sign3A_1219 = arith.constant 0 : i32
    %sign3A_1220 = arith.cmpi slt, %jit3A_1204, %sign3A_1219 : i32
    %sign3A_1221 = arith.extui %sign3A_1220 : i1 to i32
    %sign3A_1222 = arith.subi %sign3A_1218, %sign3A_1221 : i32
    %ne3A_1223 = vector.broadcast %sign3A_1222 : i32 to vector<8x512xi32>
    %ne3A_1224 = arith.cmpi ne, %sign3A_1215, %ne3A_1223 : vector<8x512xi32>
    %rem3A_1225 = vector.broadcast %jit3A_1204 : i32 to vector<8x512xi32>
    %rem3A_1226 = arith.remsi %iota3A_1202, %rem3A_1225 : vector<8x512xi32>
    %ne3A_1227 = arith.constant 0 : i32
    %ne3A_1228 = vector.broadcast %ne3A_1227 : i32 to vector<8x512xi32>
    %ne3A_1229 = arith.cmpi ne, %rem3A_1226, %ne3A_1228 : vector<8x512xi32>
    %and3A_1230 = arith.andi %ne3A_1224, %ne3A_1229 : vector<8x512xi1>
    %sub3A_1231 = arith.constant 1 : i32
    %sub3A_1232 = vector.broadcast %sub3A_1231 : i32 to vector<8x512xi32>
    %sub3A_1233 = arith.subi %div3A_1206, %sub3A_1232 : vector<8x512xi32>
    %select_n3A_1234 = arith.select %and3A_1230, %sub3A_1233, %div3A_1206 : vector<8x512xi1>, vector<8x512xi32>
    %eq3A_1235 = vector.broadcast %broadcast_in_dim3A_1203 : vector<8x1xi32> to vector<8x512xi32>
    %eq3A_1236 = arith.cmpi eq, %eq3A_1235, %select_n3A_1234 : vector<8x512xi32>
    %jit3A_1237 = arith.constant 1.000000e+00 : f32
    %jit3A_1238 = arith.constant 0.000000e+00 : f32
    %broadcast_in_dim3A_1239 = vector.broadcast %jit3A_1237 : f32 to vector<8x512xf32>
    %broadcast_in_dim3A_1240 = vector.broadcast %jit3A_1238 : f32 to vector<8x512xf32>
    %select_n3A_1241 = arith.select %eq3A_1236, %broadcast_in_dim3A_1239, %broadcast_in_dim3A_1240 : vector<8x512xi1>, vector<8x512xf32>
    %reduce_max3A_1242 = arith.constant dense<0xFF800000> : vector<512xf32>
    %reduce_max3A_1243 = vector.multi_reduction <maximumf>, %select_n3A_1241, %reduce_max3A_1242 [0] : vector<8x512xf32> to vector<512xf32>
    %broadcast_in_dim3A_1244 = vector.shape_cast %reduce_max3A_1243 : vector<512xf32> to vector<1x512xf32>
    %iota3A_1245 = tpu.iota {dimensions = array<i32: 0>} : vector<8x8xi32>
    %broadcast_in_dim3A_1246 = vector.shape_cast %reduce_min3A_1200 : vector<8xi32> to vector<1x8xi32>
    %eq3A_1247 = vector.broadcast %broadcast_in_dim3A_1246 : vector<1x8xi32> to vector<8x8xi32>
    %eq3A_1248 = arith.cmpi eq, %eq3A_1247, %iota3A_1245 : vector<8x8xi32>
    %jit3A_1249 = arith.constant 1.000000e+00 : f32
    %jit3A_1250 = arith.constant 0.000000e+00 : f32
    %broadcast_in_dim3A_1251 = vector.broadcast %jit3A_1249 : f32 to vector<8x8xf32>
    %broadcast_in_dim3A_1252 = vector.broadcast %jit3A_1250 : f32 to vector<8x8xf32>
    %select_n3A_1253 = arith.select %eq3A_1248, %broadcast_in_dim3A_1251, %broadcast_in_dim3A_1252 : vector<8x8xi1>, vector<8x8xf32>
    %reduce_max3A_1254 = arith.constant dense<0xFF800000> : vector<8xf32>
    %reduce_max3A_1255 = vector.multi_reduction <maximumf>, %select_n3A_1253, %reduce_max3A_1254 [1] : vector<8x8xf32> to vector<8xf32>
    %broadcast_in_dim3A_1256 = vector.shape_cast %reduce_max3A_1255 : vector<8xf32> to vector<8x1xf32>
    %gt3A_1257 = arith.constant 0.000000e+00 : f32
    %gt3A_1258 = vector.broadcast %gt3A_1257 : f32 to vector<8x1xf32>
    %gt3A_1259 = arith.cmpf ogt, %broadcast_in_dim3A_1256, %gt3A_1258 : vector<8x1xf32>
    %gt3A_1260 = arith.constant 0.000000e+00 : f32
    %gt3A_1261 = vector.broadcast %gt3A_1260 : f32 to vector<1x512xf32>
    %gt3A_1262 = arith.cmpf ogt, %broadcast_in_dim3A_1244, %gt3A_1261 : vector<1x512xf32>
    %and3A_1263 = vector.broadcast %gt3A_1259 : vector<8x1xi1> to vector<8x512xi1>
    %and3A_1264 = vector.broadcast %gt3A_1262 : vector<1x512xi1> to vector<8x512xi1>
    %and3A_1265 = arith.andi %and3A_1263, %and3A_1264 : vector<8x512xi1>
    %jit3A_1266 = arith.constant -3.000000e+38 : f32
    %broadcast_in_dim3A_1267 = vector.broadcast %jit3A_1266 : f32 to vector<8x512xf32>
    %select_n3A_1268 = arith.select %and3A_1265, %slice3A_1201, %broadcast_in_dim3A_1267 : vector<8x512xi1>, vector<8x512xf32>
    %reduce_max3A_1269 = arith.constant dense<0xFF800000> : vector<512xf32>
    %reduce_max3A_1270 = vector.multi_reduction <maximumf>, %select_n3A_1268, %reduce_max3A_1269 [0] : vector<8x512xf32> to vector<512xf32>
    %broadcast_in_dim3A_1271 = vector.shape_cast %reduce_max3A_1270 : vector<512xf32> to vector<1x512xf32>
    %slice3A_1272 = vector.extract_strided_slice %broadcast_in_dim3A_1271 {offsets = [0, 0], sizes = [1, 64], strides = [1, 1]} : vector<1x512xf32> to vector<1x64xf32>
    %slice3A_1273 = vector.extract_strided_slice %broadcast_in_dim3A_1271 {offsets = [0, 64], sizes = [1, 64], strides = [1, 1]} : vector<1x512xf32> to vector<1x64xf32>
    %max3A_1274 = arith.maximumf %slice3A_1272, %slice3A_1273 : vector<1x64xf32>
    %slice3A_1275 = vector.extract_strided_slice %broadcast_in_dim3A_1271 {offsets = [0, 128], sizes = [1, 64], strides = [1, 1]} : vector<1x512xf32> to vector<1x64xf32>
    %max3A_1276 = arith.maximumf %max3A_1274, %slice3A_1275 : vector<1x64xf32>
    %slice3A_1277 = vector.extract_strided_slice %broadcast_in_dim3A_1271 {offsets = [0, 192], sizes = [1, 64], strides = [1, 1]} : vector<1x512xf32> to vector<1x64xf32>
    %max3A_1278 = arith.maximumf %max3A_1276, %slice3A_1277 : vector<1x64xf32>
    %slice3A_1279 = vector.extract_strided_slice %broadcast_in_dim3A_1271 {offsets = [0, 256], sizes = [1, 64], strides = [1, 1]} : vector<1x512xf32> to vector<1x64xf32>
    %max3A_1280 = arith.maximumf %max3A_1278, %slice3A_1279 : vector<1x64xf32>
    %slice3A_1281 = vector.extract_strided_slice %broadcast_in_dim3A_1271 {offsets = [0, 320], sizes = [1, 64], strides = [1, 1]} : vector<1x512xf32> to vector<1x64xf32>
    %max3A_1282 = arith.maximumf %max3A_1280, %slice3A_1281 : vector<1x64xf32>
    %slice3A_1283 = vector.extract_strided_slice %broadcast_in_dim3A_1271 {offsets = [0, 384], sizes = [1, 64], strides = [1, 1]} : vector<1x512xf32> to vector<1x64xf32>
    %max3A_1284 = arith.maximumf %max3A_1282, %slice3A_1283 : vector<1x64xf32>
    %slice3A_1285 = vector.extract_strided_slice %broadcast_in_dim3A_1271 {offsets = [0, 448], sizes = [1, 64], strides = [1, 1]} : vector<1x512xf32> to vector<1x64xf32>
    %max3A_1286 = arith.maximumf %max3A_1284, %slice3A_1285 : vector<1x64xf32>
    %reduce_sum3A_1287 = vector.shape_cast %max3A_1286 : vector<1x64xf32> to vector<1x1x64xf32>
    %reduce_sum3A_1288 = arith.constant dense<0.000000e+00> : vector<1xf32>
    %reduce_sum3A_1289 = vector.multi_reduction <add>, %reduce_sum3A_1287, %reduce_sum3A_1288 [1, 2] : vector<1x1x64xf32> to vector<1xf32>
    %reduce_sum3A_1290 = vector.shape_cast %reduce_sum3A_1289 : vector<1xf32> to vector<1x1x1xf32>
    %reduce_sum3A_1291 = vector.extract %reduce_sum3A_1290[0, 0, 0] : f32 from vector<1x1x1xf32>
    %mul3A_1292 = arith.constant 1.562500e-02 : f32
    %mul3A_1293 = arith.mulf %reduce_sum3A_1291, %mul3A_1292 : f32
    %broadcast_in_dim3A_1294 = vector.broadcast %mul3A_1293 : f32 to vector<1x128xf32>
    %swap3A_1295 = arith.constant 4 : index
    %swap3A_1296 = arith.constant 0 : index
    %swap3A_1297 = arith.constant 0 : index
    %swap3A_1298 = vector.load %arg9[%swap3A_1295, %swap3A_1296, %swap3A_1297] : memref<8x1x128xf32, #tpu.memory_space<vmem>>, vector<1x1x128xf32>
    %swap3A_1299 = vector.shape_cast %swap3A_1298 : vector<1x1x128xf32> to vector<1x128xf32>
    %swap3A_1300 = vector.shape_cast %broadcast_in_dim3A_1294 : vector<1x128xf32> to vector<1x1x128xf32>
    tpu.vector_store %arg9[%swap3A_1295, %swap3A_1296, %swap3A_1297], %swap3A_1300 {strides = array<i32>} : memref<8x1x128xf32, #tpu.memory_space<vmem>>, vector<1x1x128xf32>,
    %slice3A_1301 = vector.extract_strided_slice %add3A_20 {offsets = [640, 0], sizes = [128, 256], strides = [1, 1]} : vector<1024x256xf32> to vector<128x256xf32>
    %reduce_sum3A_1302 = arith.constant dense<0.000000e+00> : vector<256xf32>
    %reduce_sum3A_1303 = vector.multi_reduction <add>, %slice3A_1301, %reduce_sum3A_1302 [0] : vector<128x256xf32> to vector<256xf32>
    %broadcast_in_dim3A_1304 = vector.shape_cast %reduce_sum3A_1303 : vector<256xf32> to vector<1x256xf32>
    %div3A_1305 = arith.constant 1.280000e+02 : f32
    %div3A_1306 = vector.broadcast %div3A_1305 : f32 to vector<1x256xf32>
    %div3A_1307 = arith.divf %broadcast_in_dim3A_1304, %div3A_1306 : vector<1x256xf32>
    %swap3A_1308 = arith.constant 5 : index
    %swap3A_1309 = arith.constant 0 : index
    %swap3A_1310 = arith.constant 0 : index
    %swap3A_1311 = vector.load %arg8[%swap3A_1308, %swap3A_1309, %swap3A_1310] : memref<8x1x256xf32, #tpu.memory_space<vmem>>, vector<1x1x256xf32>
    %swap3A_1312 = vector.shape_cast %swap3A_1311 : vector<1x1x256xf32> to vector<1x256xf32>
    %swap3A_1313 = vector.shape_cast %div3A_1307 : vector<1x256xf32> to vector<1x1x256xf32>
    tpu.vector_store %arg8[%swap3A_1308, %swap3A_1309, %swap3A_1310], %swap3A_1313 {strides = array<i32>} : memref<8x1x256xf32, #tpu.memory_space<vmem>>, vector<1x1x256xf32>,
    %slice3A_1314 = vector.extract_strided_slice %dot_general3A_29 {offsets = [640, 0], sizes = [128, 512], strides = [1, 1]} : vector<1024x512xf32> to vector<128x512xf32>
    %slice3A_1315 = vector.extract_strided_slice %slice3A_1314 {offsets = [0, 448], sizes = [128, 64], strides = [1, 1]} : vector<128x512xf32> to vector<128x64xf32>
    %reduce_sum3A_1316 = arith.constant dense<0.000000e+00> : vector<64xf32>
    %reduce_sum3A_1317 = vector.multi_reduction <add>, %slice3A_1315, %reduce_sum3A_1316 [0] : vector<128x64xf32> to vector<64xf32>
    %broadcast_in_dim3A_1318 = vector.shape_cast %reduce_sum3A_1317 : vector<64xf32> to vector<64x1xf32>
    %iota3A_1319 = tpu.iota {dimensions = array<i32: 0>} : vector<64x8xi32>
    %iota3A_1320 = tpu.iota {dimensions = array<i32: 1>} : vector<64x8xi32>
    %jit3A_1321 = arith.constant 8 : i32
    %eq3A_1322 = arith.constant 0 : i32
    %eq3A_1323 = arith.cmpi eq, %jit3A_1321, %eq3A_1322 : i32
    %jit3A_1324 = arith.constant 1 : i32
    %select_n3A_1325 = arith.select %eq3A_1323, %jit3A_1324, %jit3A_1321 : i32
    %rem3A_1326 = vector.broadcast %select_n3A_1325 : i32 to vector<64x8xi32>
    %rem3A_1327 = arith.remsi %iota3A_1319, %rem3A_1326 : vector<64x8xi32>
    %ne3A_1328 = arith.constant 0 : i32
    %ne3A_1329 = vector.broadcast %ne3A_1328 : i32 to vector<64x8xi32>
    %ne3A_1330 = arith.cmpi ne, %rem3A_1327, %ne3A_1329 : vector<64x8xi32>
    %lt3A_1331 = arith.constant 0 : i32
    %lt3A_1332 = vector.broadcast %lt3A_1331 : i32 to vector<64x8xi32>
    %lt3A_1333 = arith.cmpi slt, %rem3A_1327, %lt3A_1332 : vector<64x8xi32>
    %lt3A_1334 = arith.constant 0 : i32
    %lt3A_1335 = arith.cmpi slt, %select_n3A_1325, %lt3A_1334 : i32
    %ne3A_1336 = vector.broadcast %lt3A_1335 : i1 to vector<64x8xi1>
    %ne3A_1337 = vector.broadcast %ne3A_1336 : vector<64x8xi1> to vector<64x8xi1>
    %ne3A_1338 = arith.xori %lt3A_1333, %ne3A_1337 : vector<64x8xi1>
    %and3A_1339 = arith.andi %ne3A_1338, %ne3A_1330 : vector<64x8xi1>
    %add3A_1340 = vector.broadcast %select_n3A_1325 : i32 to vector<64x8xi32>
    %add3A_1341 = arith.addi %rem3A_1327, %add3A_1340 : vector<64x8xi32>
    %select_n3A_1342 = arith.select %and3A_1339, %add3A_1341, %rem3A_1327 : vector<64x8xi1>, vector<64x8xi32>
    %eq3A_1343 = arith.cmpi eq, %select_n3A_1342, %iota3A_1320 : vector<64x8xi32>
    %jit3A_1344 = arith.constant -3.000000e+38 : f32
    %broadcast_in_dim3A_1345 = vector.shape_cast %broadcast_in_dim3A_1318 : vector<64x1xf32> to vector<64x1xf32>
    %broadcast_in_dim3A_1346 = vector.broadcast %broadcast_in_dim3A_1345 : vector<64x1xf32> to vector<64x8xf32>
    %broadcast_in_dim3A_1347 = vector.broadcast %jit3A_1344 : f32 to vector<64x8xf32>
    %select_n3A_1348 = arith.select %eq3A_1343, %broadcast_in_dim3A_1346, %broadcast_in_dim3A_1347 : vector<64x8xi1>, vector<64x8xf32>
    %reduce_max3A_1349 = arith.constant dense<0xFF800000> : vector<8xf32>
    %reduce_max3A_1350 = vector.multi_reduction <maximumf>, %select_n3A_1348, %reduce_max3A_1349 [0] : vector<64x8xf32> to vector<8xf32>
    %broadcast_in_dim3A_1351 = vector.shape_cast %reduce_max3A_1350 : vector<8xf32> to vector<1x8xf32>
    %eq3A_1352 = vector.broadcast %broadcast_in_dim3A_1351 : vector<1x8xf32> to vector<64x8xf32>
    %eq3A_1353 = arith.cmpf oeq, %select_n3A_1348, %eq3A_1352 : vector<64x8xf32>
    %jit3A_1354 = arith.constant 8 : i32
    %div3A_1355 = vector.broadcast %jit3A_1354 : i32 to vector<64x8xi32>
    %div3A_1356 = arith.divsi %iota3A_1319, %div3A_1355 : vector<64x8xi32>
    %sign3A_1357 = arith.constant 0 : i32
    %sign3A_1358 = vector.broadcast %sign3A_1357 : i32 to vector<64x8xi32>
    %sign3A_1359 = arith.cmpi sgt, %iota3A_1319, %sign3A_1358 : vector<64x8xi32>
    %sign3A_1360 = arith.extui %sign3A_1359 : vector<64x8xi1> to vector<64x8xi32>
    %sign3A_1361 = arith.constant 0 : i32
    %sign3A_1362 = vector.broadcast %sign3A_1361 : i32 to vector<64x8xi32>
    %sign3A_1363 = arith.cmpi slt, %iota3A_1319, %sign3A_1362 : vector<64x8xi32>
    %sign3A_1364 = arith.extui %sign3A_1363 : vector<64x8xi1> to vector<64x8xi32>
    %sign3A_1365 = arith.subi %sign3A_1360, %sign3A_1364 : vector<64x8xi32>
    %sign3A_1366 = arith.constant 0 : i32
    %sign3A_1367 = arith.cmpi sgt, %jit3A_1354, %sign3A_1366 : i32
    %sign3A_1368 = arith.extui %sign3A_1367 : i1 to i32
    %sign3A_1369 = arith.constant 0 : i32
    %sign3A_1370 = arith.cmpi slt, %jit3A_1354, %sign3A_1369 : i32
    %sign3A_1371 = arith.extui %sign3A_1370 : i1 to i32
    %sign3A_1372 = arith.subi %sign3A_1368, %sign3A_1371 : i32
    %ne3A_1373 = vector.broadcast %sign3A_1372 : i32 to vector<64x8xi32>
    %ne3A_1374 = arith.cmpi ne, %sign3A_1365, %ne3A_1373 : vector<64x8xi32>
    %rem3A_1375 = vector.broadcast %jit3A_1354 : i32 to vector<64x8xi32>
    %rem3A_1376 = arith.remsi %iota3A_1319, %rem3A_1375 : vector<64x8xi32>
    %ne3A_1377 = arith.constant 0 : i32
    %ne3A_1378 = vector.broadcast %ne3A_1377 : i32 to vector<64x8xi32>
    %ne3A_1379 = arith.cmpi ne, %rem3A_1376, %ne3A_1378 : vector<64x8xi32>
    %and3A_1380 = arith.andi %ne3A_1374, %ne3A_1379 : vector<64x8xi1>
    %sub3A_1381 = arith.constant 1 : i32
    %sub3A_1382 = vector.broadcast %sub3A_1381 : i32 to vector<64x8xi32>
    %sub3A_1383 = arith.subi %div3A_1356, %sub3A_1382 : vector<64x8xi32>
    %select_n3A_1384 = arith.select %and3A_1380, %sub3A_1383, %div3A_1356 : vector<64x8xi1>, vector<64x8xi32>
    %jit3A_1385 = arith.constant 127 : i32
    %broadcast_in_dim3A_1386 = vector.broadcast %jit3A_1385 : i32 to vector<64x8xi32>
    %select_n3A_1387 = arith.select %eq3A_1353, %select_n3A_1384, %broadcast_in_dim3A_1386 : vector<64x8xi1>, vector<64x8xi32>
    %reduce_min3A_1388 = arith.constant dense<2147483647> : vector<8xi32>
    %reduce_min3A_1389 = vector.multi_reduction <minsi>, %select_n3A_1387, %reduce_min3A_1388 [0] : vector<64x8xi32> to vector<8xi32>
    %jit3A_1390 = arith.constant 8 : i32
    %div3A_1391 = vector.broadcast %jit3A_1390 : i32 to vector<64x8xi32>
    %div3A_1392 = arith.divsi %iota3A_1319, %div3A_1391 : vector<64x8xi32>
    %sign3A_1393 = arith.constant 0 : i32
    %sign3A_1394 = vector.broadcast %sign3A_1393 : i32 to vector<64x8xi32>
    %sign3A_1395 = arith.cmpi sgt, %iota3A_1319, %sign3A_1394 : vector<64x8xi32>
    %sign3A_1396 = arith.extui %sign3A_1395 : vector<64x8xi1> to vector<64x8xi32>
    %sign3A_1397 = arith.constant 0 : i32
    %sign3A_1398 = vector.broadcast %sign3A_1397 : i32 to vector<64x8xi32>
    %sign3A_1399 = arith.cmpi slt, %iota3A_1319, %sign3A_1398 : vector<64x8xi32>
    %sign3A_1400 = arith.extui %sign3A_1399 : vector<64x8xi1> to vector<64x8xi32>
    %sign3A_1401 = arith.subi %sign3A_1396, %sign3A_1400 : vector<64x8xi32>
    %sign3A_1402 = arith.constant 0 : i32
    %sign3A_1403 = arith.cmpi sgt, %jit3A_1390, %sign3A_1402 : i32
    %sign3A_1404 = arith.extui %sign3A_1403 : i1 to i32
    %sign3A_1405 = arith.constant 0 : i32
    %sign3A_1406 = arith.cmpi slt, %jit3A_1390, %sign3A_1405 : i32
    %sign3A_1407 = arith.extui %sign3A_1406 : i1 to i32
    %sign3A_1408 = arith.subi %sign3A_1404, %sign3A_1407 : i32
    %ne3A_1409 = vector.broadcast %sign3A_1408 : i32 to vector<64x8xi32>
    %ne3A_1410 = arith.cmpi ne, %sign3A_1401, %ne3A_1409 : vector<64x8xi32>
    %rem3A_1411 = vector.broadcast %jit3A_1390 : i32 to vector<64x8xi32>
    %rem3A_1412 = arith.remsi %iota3A_1319, %rem3A_1411 : vector<64x8xi32>
    %ne3A_1413 = arith.constant 0 : i32
    %ne3A_1414 = vector.broadcast %ne3A_1413 : i32 to vector<64x8xi32>
    %ne3A_1415 = arith.cmpi ne, %rem3A_1412, %ne3A_1414 : vector<64x8xi32>
    %and3A_1416 = arith.andi %ne3A_1410, %ne3A_1415 : vector<64x8xi1>
    %sub3A_1417 = arith.constant 1 : i32
    %sub3A_1418 = vector.broadcast %sub3A_1417 : i32 to vector<64x8xi32>
    %sub3A_1419 = arith.subi %div3A_1392, %sub3A_1418 : vector<64x8xi32>
    %select_n3A_1420 = arith.select %and3A_1416, %sub3A_1419, %div3A_1392 : vector<64x8xi1>, vector<64x8xi32>
    %eq3A_1421 = arith.cmpi eq, %select_n3A_1420, %iota3A_1320 : vector<64x8xi32>
    %jit3A_1422 = arith.constant -3.000000e+38 : f32
    %broadcast_in_dim3A_1423 = vector.shape_cast %broadcast_in_dim3A_1318 : vector<64x1xf32> to vector<64x1xf32>
    %broadcast_in_dim3A_1424 = vector.broadcast %broadcast_in_dim3A_1423 : vector<64x1xf32> to vector<64x8xf32>
    %broadcast_in_dim3A_1425 = vector.broadcast %jit3A_1422 : f32 to vector<64x8xf32>
    %select_n3A_1426 = arith.select %eq3A_1421, %broadcast_in_dim3A_1424, %broadcast_in_dim3A_1425 : vector<64x8xi1>, vector<64x8xf32>
    %reduce_max3A_1427 = arith.constant dense<0xFF800000> : vector<8xf32>
    %reduce_max3A_1428 = vector.multi_reduction <maximumf>, %select_n3A_1426, %reduce_max3A_1427 [0] : vector<64x8xf32> to vector<8xf32>
    %broadcast_in_dim3A_1429 = vector.shape_cast %reduce_max3A_1428 : vector<8xf32> to vector<1x8xf32>
    %eq3A_1430 = vector.broadcast %broadcast_in_dim3A_1429 : vector<1x8xf32> to vector<64x8xf32>
    %eq3A_1431 = arith.cmpf oeq, %select_n3A_1426, %eq3A_1430 : vector<64x8xf32>
    %jit3A_1432 = arith.constant 8 : i32
    %eq3A_1433 = arith.constant 0 : i32
    %eq3A_1434 = arith.cmpi eq, %jit3A_1432, %eq3A_1433 : i32
    %jit3A_1435 = arith.constant 1 : i32
    %select_n3A_1436 = arith.select %eq3A_1434, %jit3A_1435, %jit3A_1432 : i32
    %rem3A_1437 = vector.broadcast %select_n3A_1436 : i32 to vector<64x8xi32>
    %rem3A_1438 = arith.remsi %iota3A_1319, %rem3A_1437 : vector<64x8xi32>
    %ne3A_1439 = arith.constant 0 : i32
    %ne3A_1440 = vector.broadcast %ne3A_1439 : i32 to vector<64x8xi32>
    %ne3A_1441 = arith.cmpi ne, %rem3A_1438, %ne3A_1440 : vector<64x8xi32>
    %lt3A_1442 = arith.constant 0 : i32
    %lt3A_1443 = vector.broadcast %lt3A_1442 : i32 to vector<64x8xi32>
    %lt3A_1444 = arith.cmpi slt, %rem3A_1438, %lt3A_1443 : vector<64x8xi32>
    %lt3A_1445 = arith.constant 0 : i32
    %lt3A_1446 = arith.cmpi slt, %select_n3A_1436, %lt3A_1445 : i32
    %ne3A_1447 = vector.broadcast %lt3A_1446 : i1 to vector<64x8xi1>
    %ne3A_1448 = vector.broadcast %ne3A_1447 : vector<64x8xi1> to vector<64x8xi1>
    %ne3A_1449 = arith.xori %lt3A_1444, %ne3A_1448 : vector<64x8xi1>
    %and3A_1450 = arith.andi %ne3A_1449, %ne3A_1441 : vector<64x8xi1>
    %add3A_1451 = vector.broadcast %select_n3A_1436 : i32 to vector<64x8xi32>
    %add3A_1452 = arith.addi %rem3A_1438, %add3A_1451 : vector<64x8xi32>
    %select_n3A_1453 = arith.select %and3A_1450, %add3A_1452, %rem3A_1438 : vector<64x8xi1>, vector<64x8xi32>
    %jit3A_1454 = arith.constant 127 : i32
    %broadcast_in_dim3A_1455 = vector.broadcast %jit3A_1454 : i32 to vector<64x8xi32>
    %select_n3A_1456 = arith.select %eq3A_1431, %select_n3A_1453, %broadcast_in_dim3A_1455 : vector<64x8xi1>, vector<64x8xi32>
    %reduce_min3A_1457 = arith.constant dense<2147483647> : vector<8xi32>
    %reduce_min3A_1458 = vector.multi_reduction <minsi>, %select_n3A_1456, %reduce_min3A_1457 [0] : vector<64x8xi32> to vector<8xi32>
    %slice3A_1459 = vector.extract_strided_slice %slice3A_1314 {offsets = [0, 0], sizes = [8, 512], strides = [1, 1]} : vector<128x512xf32> to vector<8x512xf32>
    %iota3A_1460 = tpu.iota {dimensions = array<i32: 1>} : vector<8x512xi32>
    %broadcast_in_dim3A_1461 = vector.shape_cast %reduce_min3A_1389 : vector<8xi32> to vector<8x1xi32>
    %jit3A_1462 = arith.constant 64 : i32
    %div3A_1463 = vector.broadcast %jit3A_1462 : i32 to vector<8x512xi32>
    %div3A_1464 = arith.divsi %iota3A_1460, %div3A_1463 : vector<8x512xi32>
    %sign3A_1465 = arith.constant 0 : i32
    %sign3A_1466 = vector.broadcast %sign3A_1465 : i32 to vector<8x512xi32>
    %sign3A_1467 = arith.cmpi sgt, %iota3A_1460, %sign3A_1466 : vector<8x512xi32>
    %sign3A_1468 = arith.extui %sign3A_1467 : vector<8x512xi1> to vector<8x512xi32>
    %sign3A_1469 = arith.constant 0 : i32
    %sign3A_1470 = vector.broadcast %sign3A_1469 : i32 to vector<8x512xi32>
    %sign3A_1471 = arith.cmpi slt, %iota3A_1460, %sign3A_1470 : vector<8x512xi32>
    %sign3A_1472 = arith.extui %sign3A_1471 : vector<8x512xi1> to vector<8x512xi32>
    %sign3A_1473 = arith.subi %sign3A_1468, %sign3A_1472 : vector<8x512xi32>
    %sign3A_1474 = arith.constant 0 : i32
    %sign3A_1475 = arith.cmpi sgt, %jit3A_1462, %sign3A_1474 : i32
    %sign3A_1476 = arith.extui %sign3A_1475 : i1 to i32
    %sign3A_1477 = arith.constant 0 : i32
    %sign3A_1478 = arith.cmpi slt, %jit3A_1462, %sign3A_1477 : i32
    %sign3A_1479 = arith.extui %sign3A_1478 : i1 to i32
    %sign3A_1480 = arith.subi %sign3A_1476, %sign3A_1479 : i32
    %ne3A_1481 = vector.broadcast %sign3A_1480 : i32 to vector<8x512xi32>
    %ne3A_1482 = arith.cmpi ne, %sign3A_1473, %ne3A_1481 : vector<8x512xi32>
    %rem3A_1483 = vector.broadcast %jit3A_1462 : i32 to vector<8x512xi32>
    %rem3A_1484 = arith.remsi %iota3A_1460, %rem3A_1483 : vector<8x512xi32>
    %ne3A_1485 = arith.constant 0 : i32
    %ne3A_1486 = vector.broadcast %ne3A_1485 : i32 to vector<8x512xi32>
    %ne3A_1487 = arith.cmpi ne, %rem3A_1484, %ne3A_1486 : vector<8x512xi32>
    %and3A_1488 = arith.andi %ne3A_1482, %ne3A_1487 : vector<8x512xi1>
    %sub3A_1489 = arith.constant 1 : i32
    %sub3A_1490 = vector.broadcast %sub3A_1489 : i32 to vector<8x512xi32>
    %sub3A_1491 = arith.subi %div3A_1464, %sub3A_1490 : vector<8x512xi32>
    %select_n3A_1492 = arith.select %and3A_1488, %sub3A_1491, %div3A_1464 : vector<8x512xi1>, vector<8x512xi32>
    %eq3A_1493 = vector.broadcast %broadcast_in_dim3A_1461 : vector<8x1xi32> to vector<8x512xi32>
    %eq3A_1494 = arith.cmpi eq, %eq3A_1493, %select_n3A_1492 : vector<8x512xi32>
    %jit3A_1495 = arith.constant 1.000000e+00 : f32
    %jit3A_1496 = arith.constant 0.000000e+00 : f32
    %broadcast_in_dim3A_1497 = vector.broadcast %jit3A_1495 : f32 to vector<8x512xf32>
    %broadcast_in_dim3A_1498 = vector.broadcast %jit3A_1496 : f32 to vector<8x512xf32>
    %select_n3A_1499 = arith.select %eq3A_1494, %broadcast_in_dim3A_1497, %broadcast_in_dim3A_1498 : vector<8x512xi1>, vector<8x512xf32>
    %reduce_max3A_1500 = arith.constant dense<0xFF800000> : vector<512xf32>
    %reduce_max3A_1501 = vector.multi_reduction <maximumf>, %select_n3A_1499, %reduce_max3A_1500 [0] : vector<8x512xf32> to vector<512xf32>
    %broadcast_in_dim3A_1502 = vector.shape_cast %reduce_max3A_1501 : vector<512xf32> to vector<1x512xf32>
    %iota3A_1503 = tpu.iota {dimensions = array<i32: 0>} : vector<8x8xi32>
    %broadcast_in_dim3A_1504 = vector.shape_cast %reduce_min3A_1458 : vector<8xi32> to vector<1x8xi32>
    %eq3A_1505 = vector.broadcast %broadcast_in_dim3A_1504 : vector<1x8xi32> to vector<8x8xi32>
    %eq3A_1506 = arith.cmpi eq, %eq3A_1505, %iota3A_1503 : vector<8x8xi32>
    %jit3A_1507 = arith.constant 1.000000e+00 : f32
    %jit3A_1508 = arith.constant 0.000000e+00 : f32
    %broadcast_in_dim3A_1509 = vector.broadcast %jit3A_1507 : f32 to vector<8x8xf32>
    %broadcast_in_dim3A_1510 = vector.broadcast %jit3A_1508 : f32 to vector<8x8xf32>
    %select_n3A_1511 = arith.select %eq3A_1506, %broadcast_in_dim3A_1509, %broadcast_in_dim3A_1510 : vector<8x8xi1>, vector<8x8xf32>
    %reduce_max3A_1512 = arith.constant dense<0xFF800000> : vector<8xf32>
    %reduce_max3A_1513 = vector.multi_reduction <maximumf>, %select_n3A_1511, %reduce_max3A_1512 [1] : vector<8x8xf32> to vector<8xf32>
    %broadcast_in_dim3A_1514 = vector.shape_cast %reduce_max3A_1513 : vector<8xf32> to vector<8x1xf32>
    %gt3A_1515 = arith.constant 0.000000e+00 : f32
    %gt3A_1516 = vector.broadcast %gt3A_1515 : f32 to vector<8x1xf32>
    %gt3A_1517 = arith.cmpf ogt, %broadcast_in_dim3A_1514, %gt3A_1516 : vector<8x1xf32>
    %gt3A_1518 = arith.constant 0.000000e+00 : f32
    %gt3A_1519 = vector.broadcast %gt3A_1518 : f32 to vector<1x512xf32>
    %gt3A_1520 = arith.cmpf ogt, %broadcast_in_dim3A_1502, %gt3A_1519 : vector<1x512xf32>
    %and3A_1521 = vector.broadcast %gt3A_1517 : vector<8x1xi1> to vector<8x512xi1>
    %and3A_1522 = vector.broadcast %gt3A_1520 : vector<1x512xi1> to vector<8x512xi1>
    %and3A_1523 = arith.andi %and3A_1521, %and3A_1522 : vector<8x512xi1>
    %jit3A_1524 = arith.constant -3.000000e+38 : f32
    %broadcast_in_dim3A_1525 = vector.broadcast %jit3A_1524 : f32 to vector<8x512xf32>
    %select_n3A_1526 = arith.select %and3A_1523, %slice3A_1459, %broadcast_in_dim3A_1525 : vector<8x512xi1>, vector<8x512xf32>
    %reduce_max3A_1527 = arith.constant dense<0xFF800000> : vector<512xf32>
    %reduce_max3A_1528 = vector.multi_reduction <maximumf>, %select_n3A_1526, %reduce_max3A_1527 [0] : vector<8x512xf32> to vector<512xf32>
    %broadcast_in_dim3A_1529 = vector.shape_cast %reduce_max3A_1528 : vector<512xf32> to vector<1x512xf32>
    %slice3A_1530 = vector.extract_strided_slice %broadcast_in_dim3A_1529 {offsets = [0, 0], sizes = [1, 64], strides = [1, 1]} : vector<1x512xf32> to vector<1x64xf32>
    %slice3A_1531 = vector.extract_strided_slice %broadcast_in_dim3A_1529 {offsets = [0, 64], sizes = [1, 64], strides = [1, 1]} : vector<1x512xf32> to vector<1x64xf32>
    %max3A_1532 = arith.maximumf %slice3A_1530, %slice3A_1531 : vector<1x64xf32>
    %slice3A_1533 = vector.extract_strided_slice %broadcast_in_dim3A_1529 {offsets = [0, 128], sizes = [1, 64], strides = [1, 1]} : vector<1x512xf32> to vector<1x64xf32>
    %max3A_1534 = arith.maximumf %max3A_1532, %slice3A_1533 : vector<1x64xf32>
    %slice3A_1535 = vector.extract_strided_slice %broadcast_in_dim3A_1529 {offsets = [0, 192], sizes = [1, 64], strides = [1, 1]} : vector<1x512xf32> to vector<1x64xf32>
    %max3A_1536 = arith.maximumf %max3A_1534, %slice3A_1535 : vector<1x64xf32>
    %slice3A_1537 = vector.extract_strided_slice %broadcast_in_dim3A_1529 {offsets = [0, 256], sizes = [1, 64], strides = [1, 1]} : vector<1x512xf32> to vector<1x64xf32>
    %max3A_1538 = arith.maximumf %max3A_1536, %slice3A_1537 : vector<1x64xf32>
    %slice3A_1539 = vector.extract_strided_slice %broadcast_in_dim3A_1529 {offsets = [0, 320], sizes = [1, 64], strides = [1, 1]} : vector<1x512xf32> to vector<1x64xf32>
    %max3A_1540 = arith.maximumf %max3A_1538, %slice3A_1539 : vector<1x64xf32>
    %slice3A_1541 = vector.extract_strided_slice %broadcast_in_dim3A_1529 {offsets = [0, 384], sizes = [1, 64], strides = [1, 1]} : vector<1x512xf32> to vector<1x64xf32>
    %max3A_1542 = arith.maximumf %max3A_1540, %slice3A_1541 : vector<1x64xf32>
    %slice3A_1543 = vector.extract_strided_slice %broadcast_in_dim3A_1529 {offsets = [0, 448], sizes = [1, 64], strides = [1, 1]} : vector<1x512xf32> to vector<1x64xf32>
    %max3A_1544 = arith.maximumf %max3A_1542, %slice3A_1543 : vector<1x64xf32>
    %reduce_sum3A_1545 = vector.shape_cast %max3A_1544 : vector<1x64xf32> to vector<1x1x64xf32>
    %reduce_sum3A_1546 = arith.constant dense<0.000000e+00> : vector<1xf32>
    %reduce_sum3A_1547 = vector.multi_reduction <add>, %reduce_sum3A_1545, %reduce_sum3A_1546 [1, 2] : vector<1x1x64xf32> to vector<1xf32>
    %reduce_sum3A_1548 = vector.shape_cast %reduce_sum3A_1547 : vector<1xf32> to vector<1x1x1xf32>
    %reduce_sum3A_1549 = vector.extract %reduce_sum3A_1548[0, 0, 0] : f32 from vector<1x1x1xf32>
    %mul3A_1550 = arith.constant 1.562500e-02 : f32
    %mul3A_1551 = arith.mulf %reduce_sum3A_1549, %mul3A_1550 : f32
    %broadcast_in_dim3A_1552 = vector.broadcast %mul3A_1551 : f32 to vector<1x128xf32>
    %swap3A_1553 = arith.constant 5 : index
    %swap3A_1554 = arith.constant 0 : index
    %swap3A_1555 = arith.constant 0 : index
    %swap3A_1556 = vector.load %arg9[%swap3A_1553, %swap3A_1554, %swap3A_1555] : memref<8x1x128xf32, #tpu.memory_space<vmem>>, vector<1x1x128xf32>
    %swap3A_1557 = vector.shape_cast %swap3A_1556 : vector<1x1x128xf32> to vector<1x128xf32>
    %swap3A_1558 = vector.shape_cast %broadcast_in_dim3A_1552 : vector<1x128xf32> to vector<1x1x128xf32>
    tpu.vector_store %arg9[%swap3A_1553, %swap3A_1554, %swap3A_1555], %swap3A_1558 {strides = array<i32>} : memref<8x1x128xf32, #tpu.memory_space<vmem>>, vector<1x1x128xf32>,
    %slice3A_1559 = vector.extract_strided_slice %add3A_20 {offsets = [768, 0], sizes = [128, 256], strides = [1, 1]} : vector<1024x256xf32> to vector<128x256xf32>
    %reduce_sum3A_1560 = arith.constant dense<0.000000e+00> : vector<256xf32>
    %reduce_sum3A_1561 = vector.multi_reduction <add>, %slice3A_1559, %reduce_sum3A_1560 [0] : vector<128x256xf32> to vector<256xf32>
    %broadcast_in_dim3A_1562 = vector.shape_cast %reduce_sum3A_1561 : vector<256xf32> to vector<1x256xf32>
    %div3A_1563 = arith.constant 1.280000e+02 : f32
    %div3A_1564 = vector.broadcast %div3A_1563 : f32 to vector<1x256xf32>
    %div3A_1565 = arith.divf %broadcast_in_dim3A_1562, %div3A_1564 : vector<1x256xf32>
    %swap3A_1566 = arith.constant 6 : index
    %swap3A_1567 = arith.constant 0 : index
    %swap3A_1568 = arith.constant 0 : index
    %swap3A_1569 = vector.load %arg8[%swap3A_1566, %swap3A_1567, %swap3A_1568] : memref<8x1x256xf32, #tpu.memory_space<vmem>>, vector<1x1x256xf32>
    %swap3A_1570 = vector.shape_cast %swap3A_1569 : vector<1x1x256xf32> to vector<1x256xf32>
    %swap3A_1571 = vector.shape_cast %div3A_1565 : vector<1x256xf32> to vector<1x1x256xf32>
    tpu.vector_store %arg8[%swap3A_1566, %swap3A_1567, %swap3A_1568], %swap3A_1571 {strides = array<i32>} : memref<8x1x256xf32, #tpu.memory_space<vmem>>, vector<1x1x256xf32>,
    %slice3A_1572 = vector.extract_strided_slice %dot_general3A_29 {offsets = [768, 0], sizes = [128, 512], strides = [1, 1]} : vector<1024x512xf32> to vector<128x512xf32>
    %slice3A_1573 = vector.extract_strided_slice %slice3A_1572 {offsets = [0, 448], sizes = [128, 64], strides = [1, 1]} : vector<128x512xf32> to vector<128x64xf32>
    %reduce_sum3A_1574 = arith.constant dense<0.000000e+00> : vector<64xf32>
    %reduce_sum3A_1575 = vector.multi_reduction <add>, %slice3A_1573, %reduce_sum3A_1574 [0] : vector<128x64xf32> to vector<64xf32>
    %broadcast_in_dim3A_1576 = vector.shape_cast %reduce_sum3A_1575 : vector<64xf32> to vector<64x1xf32>
    %iota3A_1577 = tpu.iota {dimensions = array<i32: 0>} : vector<64x8xi32>
    %iota3A_1578 = tpu.iota {dimensions = array<i32: 1>} : vector<64x8xi32>
    %jit3A_1579 = arith.constant 8 : i32
    %eq3A_1580 = arith.constant 0 : i32
    %eq3A_1581 = arith.cmpi eq, %jit3A_1579, %eq3A_1580 : i32
    %jit3A_1582 = arith.constant 1 : i32
    %select_n3A_1583 = arith.select %eq3A_1581, %jit3A_1582, %jit3A_1579 : i32
    %rem3A_1584 = vector.broadcast %select_n3A_1583 : i32 to vector<64x8xi32>
    %rem3A_1585 = arith.remsi %iota3A_1577, %rem3A_1584 : vector<64x8xi32>
    %ne3A_1586 = arith.constant 0 : i32
    %ne3A_1587 = vector.broadcast %ne3A_1586 : i32 to vector<64x8xi32>
    %ne3A_1588 = arith.cmpi ne, %rem3A_1585, %ne3A_1587 : vector<64x8xi32>
    %lt3A_1589 = arith.constant 0 : i32
    %lt3A_1590 = vector.broadcast %lt3A_1589 : i32 to vector<64x8xi32>
    %lt3A_1591 = arith.cmpi slt, %rem3A_1585, %lt3A_1590 : vector<64x8xi32>
    %lt3A_1592 = arith.constant 0 : i32
    %lt3A_1593 = arith.cmpi slt, %select_n3A_1583, %lt3A_1592 : i32
    %ne3A_1594 = vector.broadcast %lt3A_1593 : i1 to vector<64x8xi1>
    %ne3A_1595 = vector.broadcast %ne3A_1594 : vector<64x8xi1> to vector<64x8xi1>
    %ne3A_1596 = arith.xori %lt3A_1591, %ne3A_1595 : vector<64x8xi1>
    %and3A_1597 = arith.andi %ne3A_1596, %ne3A_1588 : vector<64x8xi1>
    %add3A_1598 = vector.broadcast %select_n3A_1583 : i32 to vector<64x8xi32>
    %add3A_1599 = arith.addi %rem3A_1585, %add3A_1598 : vector<64x8xi32>
    %select_n3A_1600 = arith.select %and3A_1597, %add3A_1599, %rem3A_1585 : vector<64x8xi1>, vector<64x8xi32>
    %eq3A_1601 = arith.cmpi eq, %select_n3A_1600, %iota3A_1578 : vector<64x8xi32>
    %jit3A_1602 = arith.constant -3.000000e+38 : f32
    %broadcast_in_dim3A_1603 = vector.shape_cast %broadcast_in_dim3A_1576 : vector<64x1xf32> to vector<64x1xf32>
    %broadcast_in_dim3A_1604 = vector.broadcast %broadcast_in_dim3A_1603 : vector<64x1xf32> to vector<64x8xf32>
    %broadcast_in_dim3A_1605 = vector.broadcast %jit3A_1602 : f32 to vector<64x8xf32>
    %select_n3A_1606 = arith.select %eq3A_1601, %broadcast_in_dim3A_1604, %broadcast_in_dim3A_1605 : vector<64x8xi1>, vector<64x8xf32>
    %reduce_max3A_1607 = arith.constant dense<0xFF800000> : vector<8xf32>
    %reduce_max3A_1608 = vector.multi_reduction <maximumf>, %select_n3A_1606, %reduce_max3A_1607 [0] : vector<64x8xf32> to vector<8xf32>
    %broadcast_in_dim3A_1609 = vector.shape_cast %reduce_max3A_1608 : vector<8xf32> to vector<1x8xf32>
    %eq3A_1610 = vector.broadcast %broadcast_in_dim3A_1609 : vector<1x8xf32> to vector<64x8xf32>
    %eq3A_1611 = arith.cmpf oeq, %select_n3A_1606, %eq3A_1610 : vector<64x8xf32>
    %jit3A_1612 = arith.constant 8 : i32
    %div3A_1613 = vector.broadcast %jit3A_1612 : i32 to vector<64x8xi32>
    %div3A_1614 = arith.divsi %iota3A_1577, %div3A_1613 : vector<64x8xi32>
    %sign3A_1615 = arith.constant 0 : i32
    %sign3A_1616 = vector.broadcast %sign3A_1615 : i32 to vector<64x8xi32>
    %sign3A_1617 = arith.cmpi sgt, %iota3A_1577, %sign3A_1616 : vector<64x8xi32>
    %sign3A_1618 = arith.extui %sign3A_1617 : vector<64x8xi1> to vector<64x8xi32>
    %sign3A_1619 = arith.constant 0 : i32
    %sign3A_1620 = vector.broadcast %sign3A_1619 : i32 to vector<64x8xi32>
    %sign3A_1621 = arith.cmpi slt, %iota3A_1577, %sign3A_1620 : vector<64x8xi32>
    %sign3A_1622 = arith.extui %sign3A_1621 : vector<64x8xi1> to vector<64x8xi32>
    %sign3A_1623 = arith.subi %sign3A_1618, %sign3A_1622 : vector<64x8xi32>
    %sign3A_1624 = arith.constant 0 : i32
    %sign3A_1625 = arith.cmpi sgt, %jit3A_1612, %sign3A_1624 : i32
    %sign3A_1626 = arith.extui %sign3A_1625 : i1 to i32
    %sign3A_1627 = arith.constant 0 : i32
    %sign3A_1628 = arith.cmpi slt, %jit3A_1612, %sign3A_1627 : i32
    %sign3A_1629 = arith.extui %sign3A_1628 : i1 to i32
    %sign3A_1630 = arith.subi %sign3A_1626, %sign3A_1629 : i32
    %ne3A_1631 = vector.broadcast %sign3A_1630 : i32 to vector<64x8xi32>
    %ne3A_1632 = arith.cmpi ne, %sign3A_1623, %ne3A_1631 : vector<64x8xi32>
    %rem3A_1633 = vector.broadcast %jit3A_1612 : i32 to vector<64x8xi32>
    %rem3A_1634 = arith.remsi %iota3A_1577, %rem3A_1633 : vector<64x8xi32>
    %ne3A_1635 = arith.constant 0 : i32
    %ne3A_1636 = vector.broadcast %ne3A_1635 : i32 to vector<64x8xi32>
    %ne3A_1637 = arith.cmpi ne, %rem3A_1634, %ne3A_1636 : vector<64x8xi32>
    %and3A_1638 = arith.andi %ne3A_1632, %ne3A_1637 : vector<64x8xi1>
    %sub3A_1639 = arith.constant 1 : i32
    %sub3A_1640 = vector.broadcast %sub3A_1639 : i32 to vector<64x8xi32>
    %sub3A_1641 = arith.subi %div3A_1614, %sub3A_1640 : vector<64x8xi32>
    %select_n3A_1642 = arith.select %and3A_1638, %sub3A_1641, %div3A_1614 : vector<64x8xi1>, vector<64x8xi32>
    %jit3A_1643 = arith.constant 127 : i32
    %broadcast_in_dim3A_1644 = vector.broadcast %jit3A_1643 : i32 to vector<64x8xi32>
    %select_n3A_1645 = arith.select %eq3A_1611, %select_n3A_1642, %broadcast_in_dim3A_1644 : vector<64x8xi1>, vector<64x8xi32>
    %reduce_min3A_1646 = arith.constant dense<2147483647> : vector<8xi32>
    %reduce_min3A_1647 = vector.multi_reduction <minsi>, %select_n3A_1645, %reduce_min3A_1646 [0] : vector<64x8xi32> to vector<8xi32>
    %jit3A_1648 = arith.constant 8 : i32
    %div3A_1649 = vector.broadcast %jit3A_1648 : i32 to vector<64x8xi32>
    %div3A_1650 = arith.divsi %iota3A_1577, %div3A_1649 : vector<64x8xi32>
    %sign3A_1651 = arith.constant 0 : i32
    %sign3A_1652 = vector.broadcast %sign3A_1651 : i32 to vector<64x8xi32>
    %sign3A_1653 = arith.cmpi sgt, %iota3A_1577, %sign3A_1652 : vector<64x8xi32>
    %sign3A_1654 = arith.extui %sign3A_1653 : vector<64x8xi1> to vector<64x8xi32>
    %sign3A_1655 = arith.constant 0 : i32
    %sign3A_1656 = vector.broadcast %sign3A_1655 : i32 to vector<64x8xi32>
    %sign3A_1657 = arith.cmpi slt, %iota3A_1577, %sign3A_1656 : vector<64x8xi32>
    %sign3A_1658 = arith.extui %sign3A_1657 : vector<64x8xi1> to vector<64x8xi32>
    %sign3A_1659 = arith.subi %sign3A_1654, %sign3A_1658 : vector<64x8xi32>
    %sign3A_1660 = arith.constant 0 : i32
    %sign3A_1661 = arith.cmpi sgt, %jit3A_1648, %sign3A_1660 : i32
    %sign3A_1662 = arith.extui %sign3A_1661 : i1 to i32
    %sign3A_1663 = arith.constant 0 : i32
    %sign3A_1664 = arith.cmpi slt, %jit3A_1648, %sign3A_1663 : i32
    %sign3A_1665 = arith.extui %sign3A_1664 : i1 to i32
    %sign3A_1666 = arith.subi %sign3A_1662, %sign3A_1665 : i32
    %ne3A_1667 = vector.broadcast %sign3A_1666 : i32 to vector<64x8xi32>
    %ne3A_1668 = arith.cmpi ne, %sign3A_1659, %ne3A_1667 : vector<64x8xi32>
    %rem3A_1669 = vector.broadcast %jit3A_1648 : i32 to vector<64x8xi32>
    %rem3A_1670 = arith.remsi %iota3A_1577, %rem3A_1669 : vector<64x8xi32>
    %ne3A_1671 = arith.constant 0 : i32
    %ne3A_1672 = vector.broadcast %ne3A_1671 : i32 to vector<64x8xi32>
    %ne3A_1673 = arith.cmpi ne, %rem3A_1670, %ne3A_1672 : vector<64x8xi32>
    %and3A_1674 = arith.andi %ne3A_1668, %ne3A_1673 : vector<64x8xi1>
    %sub3A_1675 = arith.constant 1 : i32
    %sub3A_1676 = vector.broadcast %sub3A_1675 : i32 to vector<64x8xi32>
    %sub3A_1677 = arith.subi %div3A_1650, %sub3A_1676 : vector<64x8xi32>
    %select_n3A_1678 = arith.select %and3A_1674, %sub3A_1677, %div3A_1650 : vector<64x8xi1>, vector<64x8xi32>
    %eq3A_1679 = arith.cmpi eq, %select_n3A_1678, %iota3A_1578 : vector<64x8xi32>
    %jit3A_1680 = arith.constant -3.000000e+38 : f32
    %broadcast_in_dim3A_1681 = vector.shape_cast %broadcast_in_dim3A_1576 : vector<64x1xf32> to vector<64x1xf32>
    %broadcast_in_dim3A_1682 = vector.broadcast %broadcast_in_dim3A_1681 : vector<64x1xf32> to vector<64x8xf32>
    %broadcast_in_dim3A_1683 = vector.broadcast %jit3A_1680 : f32 to vector<64x8xf32>
    %select_n3A_1684 = arith.select %eq3A_1679, %broadcast_in_dim3A_1682, %broadcast_in_dim3A_1683 : vector<64x8xi1>, vector<64x8xf32>
    %reduce_max3A_1685 = arith.constant dense<0xFF800000> : vector<8xf32>
    %reduce_max3A_1686 = vector.multi_reduction <maximumf>, %select_n3A_1684, %reduce_max3A_1685 [0] : vector<64x8xf32> to vector<8xf32>
    %broadcast_in_dim3A_1687 = vector.shape_cast %reduce_max3A_1686 : vector<8xf32> to vector<1x8xf32>
    %eq3A_1688 = vector.broadcast %broadcast_in_dim3A_1687 : vector<1x8xf32> to vector<64x8xf32>
    %eq3A_1689 = arith.cmpf oeq, %select_n3A_1684, %eq3A_1688 : vector<64x8xf32>
    %jit3A_1690 = arith.constant 8 : i32
    %eq3A_1691 = arith.constant 0 : i32
    %eq3A_1692 = arith.cmpi eq, %jit3A_1690, %eq3A_1691 : i32
    %jit3A_1693 = arith.constant 1 : i32
    %select_n3A_1694 = arith.select %eq3A_1692, %jit3A_1693, %jit3A_1690 : i32
    %rem3A_1695 = vector.broadcast %select_n3A_1694 : i32 to vector<64x8xi32>
    %rem3A_1696 = arith.remsi %iota3A_1577, %rem3A_1695 : vector<64x8xi32>
    %ne3A_1697 = arith.constant 0 : i32
    %ne3A_1698 = vector.broadcast %ne3A_1697 : i32 to vector<64x8xi32>
    %ne3A_1699 = arith.cmpi ne, %rem3A_1696, %ne3A_1698 : vector<64x8xi32>
    %lt3A_1700 = arith.constant 0 : i32
    %lt3A_1701 = vector.broadcast %lt3A_1700 : i32 to vector<64x8xi32>
    %lt3A_1702 = arith.cmpi slt, %rem3A_1696, %lt3A_1701 : vector<64x8xi32>
    %lt3A_1703 = arith.constant 0 : i32
    %lt3A_1704 = arith.cmpi slt, %select_n3A_1694, %lt3A_1703 : i32
    %ne3A_1705 = vector.broadcast %lt3A_1704 : i1 to vector<64x8xi1>
    %ne3A_1706 = vector.broadcast %ne3A_1705 : vector<64x8xi1> to vector<64x8xi1>
    %ne3A_1707 = arith.xori %lt3A_1702, %ne3A_1706 : vector<64x8xi1>
    %and3A_1708 = arith.andi %ne3A_1707, %ne3A_1699 : vector<64x8xi1>
    %add3A_1709 = vector.broadcast %select_n3A_1694 : i32 to vector<64x8xi32>
    %add3A_1710 = arith.addi %rem3A_1696, %add3A_1709 : vector<64x8xi32>
    %select_n3A_1711 = arith.select %and3A_1708, %add3A_1710, %rem3A_1696 : vector<64x8xi1>, vector<64x8xi32>
    %jit3A_1712 = arith.constant 127 : i32
    %broadcast_in_dim3A_1713 = vector.broadcast %jit3A_1712 : i32 to vector<64x8xi32>
    %select_n3A_1714 = arith.select %eq3A_1689, %select_n3A_1711, %broadcast_in_dim3A_1713 : vector<64x8xi1>, vector<64x8xi32>
    %reduce_min3A_1715 = arith.constant dense<2147483647> : vector<8xi32>
    %reduce_min3A_1716 = vector.multi_reduction <minsi>, %select_n3A_1714, %reduce_min3A_1715 [0] : vector<64x8xi32> to vector<8xi32>
    %slice3A_1717 = vector.extract_strided_slice %slice3A_1572 {offsets = [0, 0], sizes = [8, 512], strides = [1, 1]} : vector<128x512xf32> to vector<8x512xf32>
    %iota3A_1718 = tpu.iota {dimensions = array<i32: 1>} : vector<8x512xi32>
    %broadcast_in_dim3A_1719 = vector.shape_cast %reduce_min3A_1647 : vector<8xi32> to vector<8x1xi32>
    %jit3A_1720 = arith.constant 64 : i32
    %div3A_1721 = vector.broadcast %jit3A_1720 : i32 to vector<8x512xi32>
    %div3A_1722 = arith.divsi %iota3A_1718, %div3A_1721 : vector<8x512xi32>
    %sign3A_1723 = arith.constant 0 : i32
    %sign3A_1724 = vector.broadcast %sign3A_1723 : i32 to vector<8x512xi32>
    %sign3A_1725 = arith.cmpi sgt, %iota3A_1718, %sign3A_1724 : vector<8x512xi32>
    %sign3A_1726 = arith.extui %sign3A_1725 : vector<8x512xi1> to vector<8x512xi32>
    %sign3A_1727 = arith.constant 0 : i32
    %sign3A_1728 = vector.broadcast %sign3A_1727 : i32 to vector<8x512xi32>
    %sign3A_1729 = arith.cmpi slt, %iota3A_1718, %sign3A_1728 : vector<8x512xi32>
    %sign3A_1730 = arith.extui %sign3A_1729 : vector<8x512xi1> to vector<8x512xi32>
    %sign3A_1731 = arith.subi %sign3A_1726, %sign3A_1730 : vector<8x512xi32>
    %sign3A_1732 = arith.constant 0 : i32
    %sign3A_1733 = arith.cmpi sgt, %jit3A_1720, %sign3A_1732 : i32
    %sign3A_1734 = arith.extui %sign3A_1733 : i1 to i32
    %sign3A_1735 = arith.constant 0 : i32
    %sign3A_1736 = arith.cmpi slt, %jit3A_1720, %sign3A_1735 : i32
    %sign3A_1737 = arith.extui %sign3A_1736 : i1 to i32
    %sign3A_1738 = arith.subi %sign3A_1734, %sign3A_1737 : i32
    %ne3A_1739 = vector.broadcast %sign3A_1738 : i32 to vector<8x512xi32>
    %ne3A_1740 = arith.cmpi ne, %sign3A_1731, %ne3A_1739 : vector<8x512xi32>
    %rem3A_1741 = vector.broadcast %jit3A_1720 : i32 to vector<8x512xi32>
    %rem3A_1742 = arith.remsi %iota3A_1718, %rem3A_1741 : vector<8x512xi32>
    %ne3A_1743 = arith.constant 0 : i32
    %ne3A_1744 = vector.broadcast %ne3A_1743 : i32 to vector<8x512xi32>
    %ne3A_1745 = arith.cmpi ne, %rem3A_1742, %ne3A_1744 : vector<8x512xi32>
    %and3A_1746 = arith.andi %ne3A_1740, %ne3A_1745 : vector<8x512xi1>
    %sub3A_1747 = arith.constant 1 : i32
    %sub3A_1748 = vector.broadcast %sub3A_1747 : i32 to vector<8x512xi32>
    %sub3A_1749 = arith.subi %div3A_1722, %sub3A_1748 : vector<8x512xi32>
    %select_n3A_1750 = arith.select %and3A_1746, %sub3A_1749, %div3A_1722 : vector<8x512xi1>, vector<8x512xi32>
    %eq3A_1751 = vector.broadcast %broadcast_in_dim3A_1719 : vector<8x1xi32> to vector<8x512xi32>
    %eq3A_1752 = arith.cmpi eq, %eq3A_1751, %select_n3A_1750 : vector<8x512xi32>
    %jit3A_1753 = arith.constant 1.000000e+00 : f32
    %jit3A_1754 = arith.constant 0.000000e+00 : f32
    %broadcast_in_dim3A_1755 = vector.broadcast %jit3A_1753 : f32 to vector<8x512xf32>
    %broadcast_in_dim3A_1756 = vector.broadcast %jit3A_1754 : f32 to vector<8x512xf32>
    %select_n3A_1757 = arith.select %eq3A_1752, %broadcast_in_dim3A_1755, %broadcast_in_dim3A_1756 : vector<8x512xi1>, vector<8x512xf32>
    %reduce_max3A_1758 = arith.constant dense<0xFF800000> : vector<512xf32>
    %reduce_max3A_1759 = vector.multi_reduction <maximumf>, %select_n3A_1757, %reduce_max3A_1758 [0] : vector<8x512xf32> to vector<512xf32>
    %broadcast_in_dim3A_1760 = vector.shape_cast %reduce_max3A_1759 : vector<512xf32> to vector<1x512xf32>
    %iota3A_1761 = tpu.iota {dimensions = array<i32: 0>} : vector<8x8xi32>
    %broadcast_in_dim3A_1762 = vector.shape_cast %reduce_min3A_1716 : vector<8xi32> to vector<1x8xi32>
    %eq3A_1763 = vector.broadcast %broadcast_in_dim3A_1762 : vector<1x8xi32> to vector<8x8xi32>
    %eq3A_1764 = arith.cmpi eq, %eq3A_1763, %iota3A_1761 : vector<8x8xi32>
    %jit3A_1765 = arith.constant 1.000000e+00 : f32
    %jit3A_1766 = arith.constant 0.000000e+00 : f32
    %broadcast_in_dim3A_1767 = vector.broadcast %jit3A_1765 : f32 to vector<8x8xf32>
    %broadcast_in_dim3A_1768 = vector.broadcast %jit3A_1766 : f32 to vector<8x8xf32>
    %select_n3A_1769 = arith.select %eq3A_1764, %broadcast_in_dim3A_1767, %broadcast_in_dim3A_1768 : vector<8x8xi1>, vector<8x8xf32>
    %reduce_max3A_1770 = arith.constant dense<0xFF800000> : vector<8xf32>
    %reduce_max3A_1771 = vector.multi_reduction <maximumf>, %select_n3A_1769, %reduce_max3A_1770 [1] : vector<8x8xf32> to vector<8xf32>
    %broadcast_in_dim3A_1772 = vector.shape_cast %reduce_max3A_1771 : vector<8xf32> to vector<8x1xf32>
    %gt3A_1773 = arith.constant 0.000000e+00 : f32
    %gt3A_1774 = vector.broadcast %gt3A_1773 : f32 to vector<8x1xf32>
    %gt3A_1775 = arith.cmpf ogt, %broadcast_in_dim3A_1772, %gt3A_1774 : vector<8x1xf32>
    %gt3A_1776 = arith.constant 0.000000e+00 : f32
    %gt3A_1777 = vector.broadcast %gt3A_1776 : f32 to vector<1x512xf32>
    %gt3A_1778 = arith.cmpf ogt, %broadcast_in_dim3A_1760, %gt3A_1777 : vector<1x512xf32>
    %and3A_1779 = vector.broadcast %gt3A_1775 : vector<8x1xi1> to vector<8x512xi1>
    %and3A_1780 = vector.broadcast %gt3A_1778 : vector<1x512xi1> to vector<8x512xi1>
    %and3A_1781 = arith.andi %and3A_1779, %and3A_1780 : vector<8x512xi1>
    %jit3A_1782 = arith.constant -3.000000e+38 : f32
    %broadcast_in_dim3A_1783 = vector.broadcast %jit3A_1782 : f32 to vector<8x512xf32>
    %select_n3A_1784 = arith.select %and3A_1781, %slice3A_1717, %broadcast_in_dim3A_1783 : vector<8x512xi1>, vector<8x512xf32>
    %reduce_max3A_1785 = arith.constant dense<0xFF800000> : vector<512xf32>
    %reduce_max3A_1786 = vector.multi_reduction <maximumf>, %select_n3A_1784, %reduce_max3A_1785 [0] : vector<8x512xf32> to vector<512xf32>
    %broadcast_in_dim3A_1787 = vector.shape_cast %reduce_max3A_1786 : vector<512xf32> to vector<1x512xf32>
    %slice3A_1788 = vector.extract_strided_slice %broadcast_in_dim3A_1787 {offsets = [0, 0], sizes = [1, 64], strides = [1, 1]} : vector<1x512xf32> to vector<1x64xf32>
    %slice3A_1789 = vector.extract_strided_slice %broadcast_in_dim3A_1787 {offsets = [0, 64], sizes = [1, 64], strides = [1, 1]} : vector<1x512xf32> to vector<1x64xf32>
    %max3A_1790 = arith.maximumf %slice3A_1788, %slice3A_1789 : vector<1x64xf32>
    %slice3A_1791 = vector.extract_strided_slice %broadcast_in_dim3A_1787 {offsets = [0, 128], sizes = [1, 64], strides = [1, 1]} : vector<1x512xf32> to vector<1x64xf32>
    %max3A_1792 = arith.maximumf %max3A_1790, %slice3A_1791 : vector<1x64xf32>
    %slice3A_1793 = vector.extract_strided_slice %broadcast_in_dim3A_1787 {offsets = [0, 192], sizes = [1, 64], strides = [1, 1]} : vector<1x512xf32> to vector<1x64xf32>
    %max3A_1794 = arith.maximumf %max3A_1792, %slice3A_1793 : vector<1x64xf32>
    %slice3A_1795 = vector.extract_strided_slice %broadcast_in_dim3A_1787 {offsets = [0, 256], sizes = [1, 64], strides = [1, 1]} : vector<1x512xf32> to vector<1x64xf32>
    %max3A_1796 = arith.maximumf %max3A_1794, %slice3A_1795 : vector<1x64xf32>
    %slice3A_1797 = vector.extract_strided_slice %broadcast_in_dim3A_1787 {offsets = [0, 320], sizes = [1, 64], strides = [1, 1]} : vector<1x512xf32> to vector<1x64xf32>
    %max3A_1798 = arith.maximumf %max3A_1796, %slice3A_1797 : vector<1x64xf32>
    %slice3A_1799 = vector.extract_strided_slice %broadcast_in_dim3A_1787 {offsets = [0, 384], sizes = [1, 64], strides = [1, 1]} : vector<1x512xf32> to vector<1x64xf32>
    %max3A_1800 = arith.maximumf %max3A_1798, %slice3A_1799 : vector<1x64xf32>
    %slice3A_1801 = vector.extract_strided_slice %broadcast_in_dim3A_1787 {offsets = [0, 448], sizes = [1, 64], strides = [1, 1]} : vector<1x512xf32> to vector<1x64xf32>
    %max3A_1802 = arith.maximumf %max3A_1800, %slice3A_1801 : vector<1x64xf32>
    %reduce_sum3A_1803 = vector.shape_cast %max3A_1802 : vector<1x64xf32> to vector<1x1x64xf32>
    %reduce_sum3A_1804 = arith.constant dense<0.000000e+00> : vector<1xf32>
    %reduce_sum3A_1805 = vector.multi_reduction <add>, %reduce_sum3A_1803, %reduce_sum3A_1804 [1, 2] : vector<1x1x64xf32> to vector<1xf32>
    %reduce_sum3A_1806 = vector.shape_cast %reduce_sum3A_1805 : vector<1xf32> to vector<1x1x1xf32>
    %reduce_sum3A_1807 = vector.extract %reduce_sum3A_1806[0, 0, 0] : f32 from vector<1x1x1xf32>
    %mul3A_1808 = arith.constant 1.562500e-02 : f32
    %mul3A_1809 = arith.mulf %reduce_sum3A_1807, %mul3A_1808 : f32
    %broadcast_in_dim3A_1810 = vector.broadcast %mul3A_1809 : f32 to vector<1x128xf32>
    %swap3A_1811 = arith.constant 6 : index
    %swap3A_1812 = arith.constant 0 : index
    %swap3A_1813 = arith.constant 0 : index
    %swap3A_1814 = vector.load %arg9[%swap3A_1811, %swap3A_1812, %swap3A_1813] : memref<8x1x128xf32, #tpu.memory_space<vmem>>, vector<1x1x128xf32>
    %swap3A_1815 = vector.shape_cast %swap3A_1814 : vector<1x1x128xf32> to vector<1x128xf32>
    %swap3A_1816 = vector.shape_cast %broadcast_in_dim3A_1810 : vector<1x128xf32> to vector<1x1x128xf32>
    tpu.vector_store %arg9[%swap3A_1811, %swap3A_1812, %swap3A_1813], %swap3A_1816 {strides = array<i32>} : memref<8x1x128xf32, #tpu.memory_space<vmem>>, vector<1x1x128xf32>,
    %slice3A_1817 = vector.extract_strided_slice %add3A_20 {offsets = [896, 0], sizes = [128, 256], strides = [1, 1]} : vector<1024x256xf32> to vector<128x256xf32>
    %reduce_sum3A_1818 = arith.constant dense<0.000000e+00> : vector<256xf32>
    %reduce_sum3A_1819 = vector.multi_reduction <add>, %slice3A_1817, %reduce_sum3A_1818 [0] : vector<128x256xf32> to vector<256xf32>
    %broadcast_in_dim3A_1820 = vector.shape_cast %reduce_sum3A_1819 : vector<256xf32> to vector<1x256xf32>
    %div3A_1821 = arith.constant 1.280000e+02 : f32
    %div3A_1822 = vector.broadcast %div3A_1821 : f32 to vector<1x256xf32>
    %div3A_1823 = arith.divf %broadcast_in_dim3A_1820, %div3A_1822 : vector<1x256xf32>
    %swap3A_1824 = arith.constant 7 : index
    %swap3A_1825 = arith.constant 0 : index
    %swap3A_1826 = arith.constant 0 : index
    %swap3A_1827 = vector.load %arg8[%swap3A_1824, %swap3A_1825, %swap3A_1826] : memref<8x1x256xf32, #tpu.memory_space<vmem>>, vector<1x1x256xf32>
    %swap3A_1828 = vector.shape_cast %swap3A_1827 : vector<1x1x256xf32> to vector<1x256xf32>
    %swap3A_1829 = vector.shape_cast %div3A_1823 : vector<1x256xf32> to vector<1x1x256xf32>
    tpu.vector_store %arg8[%swap3A_1824, %swap3A_1825, %swap3A_1826], %swap3A_1829 {strides = array<i32>} : memref<8x1x256xf32, #tpu.memory_space<vmem>>, vector<1x1x256xf32>,
    %slice3A_1830 = vector.extract_strided_slice %dot_general3A_29 {offsets = [896, 0], sizes = [128, 512], strides = [1, 1]} : vector<1024x512xf32> to vector<128x512xf32>
    %slice3A_1831 = vector.extract_strided_slice %slice3A_1830 {offsets = [0, 448], sizes = [128, 64], strides = [1, 1]} : vector<128x512xf32> to vector<128x64xf32>
    %reduce_sum3A_1832 = arith.constant dense<0.000000e+00> : vector<64xf32>
    %reduce_sum3A_1833 = vector.multi_reduction <add>, %slice3A_1831, %reduce_sum3A_1832 [0] : vector<128x64xf32> to vector<64xf32>
    %broadcast_in_dim3A_1834 = vector.shape_cast %reduce_sum3A_1833 : vector<64xf32> to vector<64x1xf32>
    %iota3A_1835 = tpu.iota {dimensions = array<i32: 0>} : vector<64x8xi32>
    %iota3A_1836 = tpu.iota {dimensions = array<i32: 1>} : vector<64x8xi32>
    %jit3A_1837 = arith.constant 8 : i32
    %eq3A_1838 = arith.constant 0 : i32
    %eq3A_1839 = arith.cmpi eq, %jit3A_1837, %eq3A_1838 : i32
    %jit3A_1840 = arith.constant 1 : i32
    %select_n3A_1841 = arith.select %eq3A_1839, %jit3A_1840, %jit3A_1837 : i32
    %rem3A_1842 = vector.broadcast %select_n3A_1841 : i32 to vector<64x8xi32>
    %rem3A_1843 = arith.remsi %iota3A_1835, %rem3A_1842 : vector<64x8xi32>
    %ne3A_1844 = arith.constant 0 : i32
    %ne3A_1845 = vector.broadcast %ne3A_1844 : i32 to vector<64x8xi32>
    %ne3A_1846 = arith.cmpi ne, %rem3A_1843, %ne3A_1845 : vector<64x8xi32>
    %lt3A_1847 = arith.constant 0 : i32
    %lt3A_1848 = vector.broadcast %lt3A_1847 : i32 to vector<64x8xi32>
    %lt3A_1849 = arith.cmpi slt, %rem3A_1843, %lt3A_1848 : vector<64x8xi32>
    %lt3A_1850 = arith.constant 0 : i32
    %lt3A_1851 = arith.cmpi slt, %select_n3A_1841, %lt3A_1850 : i32
    %ne3A_1852 = vector.broadcast %lt3A_1851 : i1 to vector<64x8xi1>
    %ne3A_1853 = vector.broadcast %ne3A_1852 : vector<64x8xi1> to vector<64x8xi1>
    %ne3A_1854 = arith.xori %lt3A_1849, %ne3A_1853 : vector<64x8xi1>
    %and3A_1855 = arith.andi %ne3A_1854, %ne3A_1846 : vector<64x8xi1>
    %add3A_1856 = vector.broadcast %select_n3A_1841 : i32 to vector<64x8xi32>
    %add3A_1857 = arith.addi %rem3A_1843, %add3A_1856 : vector<64x8xi32>
    %select_n3A_1858 = arith.select %and3A_1855, %add3A_1857, %rem3A_1843 : vector<64x8xi1>, vector<64x8xi32>
    %eq3A_1859 = arith.cmpi eq, %select_n3A_1858, %iota3A_1836 : vector<64x8xi32>
    %jit3A_1860 = arith.constant -3.000000e+38 : f32
    %broadcast_in_dim3A_1861 = vector.shape_cast %broadcast_in_dim3A_1834 : vector<64x1xf32> to vector<64x1xf32>
    %broadcast_in_dim3A_1862 = vector.broadcast %broadcast_in_dim3A_1861 : vector<64x1xf32> to vector<64x8xf32>
    %broadcast_in_dim3A_1863 = vector.broadcast %jit3A_1860 : f32 to vector<64x8xf32>
    %select_n3A_1864 = arith.select %eq3A_1859, %broadcast_in_dim3A_1862, %broadcast_in_dim3A_1863 : vector<64x8xi1>, vector<64x8xf32>
    %reduce_max3A_1865 = arith.constant dense<0xFF800000> : vector<8xf32>
    %reduce_max3A_1866 = vector.multi_reduction <maximumf>, %select_n3A_1864, %reduce_max3A_1865 [0] : vector<64x8xf32> to vector<8xf32>
    %broadcast_in_dim3A_1867 = vector.shape_cast %reduce_max3A_1866 : vector<8xf32> to vector<1x8xf32>
    %eq3A_1868 = vector.broadcast %broadcast_in_dim3A_1867 : vector<1x8xf32> to vector<64x8xf32>
    %eq3A_1869 = arith.cmpf oeq, %select_n3A_1864, %eq3A_1868 : vector<64x8xf32>
    %jit3A_1870 = arith.constant 8 : i32
    %div3A_1871 = vector.broadcast %jit3A_1870 : i32 to vector<64x8xi32>
    %div3A_1872 = arith.divsi %iota3A_1835, %div3A_1871 : vector<64x8xi32>
    %sign3A_1873 = arith.constant 0 : i32
    %sign3A_1874 = vector.broadcast %sign3A_1873 : i32 to vector<64x8xi32>
    %sign3A_1875 = arith.cmpi sgt, %iota3A_1835, %sign3A_1874 : vector<64x8xi32>
    %sign3A_1876 = arith.extui %sign3A_1875 : vector<64x8xi1> to vector<64x8xi32>
    %sign3A_1877 = arith.constant 0 : i32
    %sign3A_1878 = vector.broadcast %sign3A_1877 : i32 to vector<64x8xi32>
    %sign3A_1879 = arith.cmpi slt, %iota3A_1835, %sign3A_1878 : vector<64x8xi32>
    %sign3A_1880 = arith.extui %sign3A_1879 : vector<64x8xi1> to vector<64x8xi32>
    %sign3A_1881 = arith.subi %sign3A_1876, %sign3A_1880 : vector<64x8xi32>
    %sign3A_1882 = arith.constant 0 : i32
    %sign3A_1883 = arith.cmpi sgt, %jit3A_1870, %sign3A_1882 : i32
    %sign3A_1884 = arith.extui %sign3A_1883 : i1 to i32
    %sign3A_1885 = arith.constant 0 : i32
    %sign3A_1886 = arith.cmpi slt, %jit3A_1870, %sign3A_1885 : i32
    %sign3A_1887 = arith.extui %sign3A_1886 : i1 to i32
    %sign3A_1888 = arith.subi %sign3A_1884, %sign3A_1887 : i32
    %ne3A_1889 = vector.broadcast %sign3A_1888 : i32 to vector<64x8xi32>
    %ne3A_1890 = arith.cmpi ne, %sign3A_1881, %ne3A_1889 : vector<64x8xi32>
    %rem3A_1891 = vector.broadcast %jit3A_1870 : i32 to vector<64x8xi32>
    %rem3A_1892 = arith.remsi %iota3A_1835, %rem3A_1891 : vector<64x8xi32>
    %ne3A_1893 = arith.constant 0 : i32
    %ne3A_1894 = vector.broadcast %ne3A_1893 : i32 to vector<64x8xi32>
    %ne3A_1895 = arith.cmpi ne, %rem3A_1892, %ne3A_1894 : vector<64x8xi32>
    %and3A_1896 = arith.andi %ne3A_1890, %ne3A_1895 : vector<64x8xi1>
    %sub3A_1897 = arith.constant 1 : i32
    %sub3A_1898 = vector.broadcast %sub3A_1897 : i32 to vector<64x8xi32>
    %sub3A_1899 = arith.subi %div3A_1872, %sub3A_1898 : vector<64x8xi32>
    %select_n3A_1900 = arith.select %and3A_1896, %sub3A_1899, %div3A_1872 : vector<64x8xi1>, vector<64x8xi32>
    %jit3A_1901 = arith.constant 127 : i32
    %broadcast_in_dim3A_1902 = vector.broadcast %jit3A_1901 : i32 to vector<64x8xi32>
    %select_n3A_1903 = arith.select %eq3A_1869, %select_n3A_1900, %broadcast_in_dim3A_1902 : vector<64x8xi1>, vector<64x8xi32>
    %reduce_min3A_1904 = arith.constant dense<2147483647> : vector<8xi32>
    %reduce_min3A_1905 = vector.multi_reduction <minsi>, %select_n3A_1903, %reduce_min3A_1904 [0] : vector<64x8xi32> to vector<8xi32>
    %jit3A_1906 = arith.constant 8 : i32
    %div3A_1907 = vector.broadcast %jit3A_1906 : i32 to vector<64x8xi32>
    %div3A_1908 = arith.divsi %iota3A_1835, %div3A_1907 : vector<64x8xi32>
    %sign3A_1909 = arith.constant 0 : i32
    %sign3A_1910 = vector.broadcast %sign3A_1909 : i32 to vector<64x8xi32>
    %sign3A_1911 = arith.cmpi sgt, %iota3A_1835, %sign3A_1910 : vector<64x8xi32>
    %sign3A_1912 = arith.extui %sign3A_1911 : vector<64x8xi1> to vector<64x8xi32>
    %sign3A_1913 = arith.constant 0 : i32
    %sign3A_1914 = vector.broadcast %sign3A_1913 : i32 to vector<64x8xi32>
    %sign3A_1915 = arith.cmpi slt, %iota3A_1835, %sign3A_1914 : vector<64x8xi32>
    %sign3A_1916 = arith.extui %sign3A_1915 : vector<64x8xi1> to vector<64x8xi32>
    %sign3A_1917 = arith.subi %sign3A_1912, %sign3A_1916 : vector<64x8xi32>
    %sign3A_1918 = arith.constant 0 : i32
    %sign3A_1919 = arith.cmpi sgt, %jit3A_1906, %sign3A_1918 : i32
    %sign3A_1920 = arith.extui %sign3A_1919 : i1 to i32
    %sign3A_1921 = arith.constant 0 : i32
    %sign3A_1922 = arith.cmpi slt, %jit3A_1906, %sign3A_1921 : i32
    %sign3A_1923 = arith.extui %sign3A_1922 : i1 to i32
    %sign3A_1924 = arith.subi %sign3A_1920, %sign3A_1923 : i32
    %ne3A_1925 = vector.broadcast %sign3A_1924 : i32 to vector<64x8xi32>
    %ne3A_1926 = arith.cmpi ne, %sign3A_1917, %ne3A_1925 : vector<64x8xi32>
    %rem3A_1927 = vector.broadcast %jit3A_1906 : i32 to vector<64x8xi32>
    %rem3A_1928 = arith.remsi %iota3A_1835, %rem3A_1927 : vector<64x8xi32>
    %ne3A_1929 = arith.constant 0 : i32
    %ne3A_1930 = vector.broadcast %ne3A_1929 : i32 to vector<64x8xi32>
    %ne3A_1931 = arith.cmpi ne, %rem3A_1928, %ne3A_1930 : vector<64x8xi32>
    %and3A_1932 = arith.andi %ne3A_1926, %ne3A_1931 : vector<64x8xi1>
    %sub3A_1933 = arith.constant 1 : i32
    %sub3A_1934 = vector.broadcast %sub3A_1933 : i32 to vector<64x8xi32>
    %sub3A_1935 = arith.subi %div3A_1908, %sub3A_1934 : vector<64x8xi32>
    %select_n3A_1936 = arith.select %and3A_1932, %sub3A_1935, %div3A_1908 : vector<64x8xi1>, vector<64x8xi32>
    %eq3A_1937 = arith.cmpi eq, %select_n3A_1936, %iota3A_1836 : vector<64x8xi32>
    %jit3A_1938 = arith.constant -3.000000e+38 : f32
    %broadcast_in_dim3A_1939 = vector.shape_cast %broadcast_in_dim3A_1834 : vector<64x1xf32> to vector<64x1xf32>
    %broadcast_in_dim3A_1940 = vector.broadcast %broadcast_in_dim3A_1939 : vector<64x1xf32> to vector<64x8xf32>
    %broadcast_in_dim3A_1941 = vector.broadcast %jit3A_1938 : f32 to vector<64x8xf32>
    %select_n3A_1942 = arith.select %eq3A_1937, %broadcast_in_dim3A_1940, %broadcast_in_dim3A_1941 : vector<64x8xi1>, vector<64x8xf32>
    %reduce_max3A_1943 = arith.constant dense<0xFF800000> : vector<8xf32>
    %reduce_max3A_1944 = vector.multi_reduction <maximumf>, %select_n3A_1942, %reduce_max3A_1943 [0] : vector<64x8xf32> to vector<8xf32>
    %broadcast_in_dim3A_1945 = vector.shape_cast %reduce_max3A_1944 : vector<8xf32> to vector<1x8xf32>
    %eq3A_1946 = vector.broadcast %broadcast_in_dim3A_1945 : vector<1x8xf32> to vector<64x8xf32>
    %eq3A_1947 = arith.cmpf oeq, %select_n3A_1942, %eq3A_1946 : vector<64x8xf32>
    %jit3A_1948 = arith.constant 8 : i32
    %eq3A_1949 = arith.constant 0 : i32
    %eq3A_1950 = arith.cmpi eq, %jit3A_1948, %eq3A_1949 : i32
    %jit3A_1951 = arith.constant 1 : i32
    %select_n3A_1952 = arith.select %eq3A_1950, %jit3A_1951, %jit3A_1948 : i32
    %rem3A_1953 = vector.broadcast %select_n3A_1952 : i32 to vector<64x8xi32>
    %rem3A_1954 = arith.remsi %iota3A_1835, %rem3A_1953 : vector<64x8xi32>
    %ne3A_1955 = arith.constant 0 : i32
    %ne3A_1956 = vector.broadcast %ne3A_1955 : i32 to vector<64x8xi32>
    %ne3A_1957 = arith.cmpi ne, %rem3A_1954, %ne3A_1956 : vector<64x8xi32>
    %lt3A_1958 = arith.constant 0 : i32
    %lt3A_1959 = vector.broadcast %lt3A_1958 : i32 to vector<64x8xi32>
    %lt3A_1960 = arith.cmpi slt, %rem3A_1954, %lt3A_1959 : vector<64x8xi32>
    %lt3A_1961 = arith.constant 0 : i32
    %lt3A_1962 = arith.cmpi slt, %select_n3A_1952, %lt3A_1961 : i32
    %ne3A_1963 = vector.broadcast %lt3A_1962 : i1 to vector<64x8xi1>
    %ne3A_1964 = vector.broadcast %ne3A_1963 : vector<64x8xi1> to vector<64x8xi1>
    %ne3A_1965 = arith.xori %lt3A_1960, %ne3A_1964 : vector<64x8xi1>
    %and3A_1966 = arith.andi %ne3A_1965, %ne3A_1957 : vector<64x8xi1>
    %add3A_1967 = vector.broadcast %select_n3A_1952 : i32 to vector<64x8xi32>
    %add3A_1968 = arith.addi %rem3A_1954, %add3A_1967 : vector<64x8xi32>
    %select_n3A_1969 = arith.select %and3A_1966, %add3A_1968, %rem3A_1954 : vector<64x8xi1>, vector<64x8xi32>
    %jit3A_1970 = arith.constant 127 : i32
    %broadcast_in_dim3A_1971 = vector.broadcast %jit3A_1970 : i32 to vector<64x8xi32>
    %select_n3A_1972 = arith.select %eq3A_1947, %select_n3A_1969, %broadcast_in_dim3A_1971 : vector<64x8xi1>, vector<64x8xi32>
    %reduce_min3A_1973 = arith.constant dense<2147483647> : vector<8xi32>
    %reduce_min3A_1974 = vector.multi_reduction <minsi>, %select_n3A_1972, %reduce_min3A_1973 [0] : vector<64x8xi32> to vector<8xi32>
    %slice3A_1975 = vector.extract_strided_slice %slice3A_1830 {offsets = [0, 0], sizes = [8, 512], strides = [1, 1]} : vector<128x512xf32> to vector<8x512xf32>
    %iota3A_1976 = tpu.iota {dimensions = array<i32: 1>} : vector<8x512xi32>
    %broadcast_in_dim3A_1977 = vector.shape_cast %reduce_min3A_1905 : vector<8xi32> to vector<8x1xi32>
    %jit3A_1978 = arith.constant 64 : i32
    %div3A_1979 = vector.broadcast %jit3A_1978 : i32 to vector<8x512xi32>
    %div3A_1980 = arith.divsi %iota3A_1976, %div3A_1979 : vector<8x512xi32>
    %sign3A_1981 = arith.constant 0 : i32
    %sign3A_1982 = vector.broadcast %sign3A_1981 : i32 to vector<8x512xi32>
    %sign3A_1983 = arith.cmpi sgt, %iota3A_1976, %sign3A_1982 : vector<8x512xi32>
    %sign3A_1984 = arith.extui %sign3A_1983 : vector<8x512xi1> to vector<8x512xi32>
    %sign3A_1985 = arith.constant 0 : i32
    %sign3A_1986 = vector.broadcast %sign3A_1985 : i32 to vector<8x512xi32>
    %sign3A_1987 = arith.cmpi slt, %iota3A_1976, %sign3A_1986 : vector<8x512xi32>
    %sign3A_1988 = arith.extui %sign3A_1987 : vector<8x512xi1> to vector<8x512xi32>
    %sign3A_1989 = arith.subi %sign3A_1984, %sign3A_1988 : vector<8x512xi32>
    %sign3A_1990 = arith.constant 0 : i32
    %sign3A_1991 = arith.cmpi sgt, %jit3A_1978, %sign3A_1990 : i32
    %sign3A_1992 = arith.extui %sign3A_1991 : i1 to i32
    %sign3A_1993 = arith.constant 0 : i32
    %sign3A_1994 = arith.cmpi slt, %jit3A_1978, %sign3A_1993 : i32
    %sign3A_1995 = arith.extui %sign3A_1994 : i1 to i32
    %sign3A_1996 = arith.subi %sign3A_1992, %sign3A_1995 : i32
    %ne3A_1997 = vector.broadcast %sign3A_1996 : i32 to vector<8x512xi32>
    %ne3A_1998 = arith.cmpi ne, %sign3A_1989, %ne3A_1997 : vector<8x512xi32>
    %rem3A_1999 = vector.broadcast %jit3A_1978 : i32 to vector<8x512xi32>
    %rem3A_2000 = arith.remsi %iota3A_1976, %rem3A_1999 : vector<8x512xi32>
    %ne3A_2001 = arith.constant 0 : i32
    %ne3A_2002 = vector.broadcast %ne3A_2001 : i32 to vector<8x512xi32>
    %ne3A_2003 = arith.cmpi ne, %rem3A_2000, %ne3A_2002 : vector<8x512xi32>
    %and3A_2004 = arith.andi %ne3A_1998, %ne3A_2003 : vector<8x512xi1>
    %sub3A_2005 = arith.constant 1 : i32
    %sub3A_2006 = vector.broadcast %sub3A_2005 : i32 to vector<8x512xi32>
    %sub3A_2007 = arith.subi %div3A_1980, %sub3A_2006 : vector<8x512xi32>
    %select_n3A_2008 = arith.select %and3A_2004, %sub3A_2007, %div3A_1980 : vector<8x512xi1>, vector<8x512xi32>
    %eq3A_2009 = vector.broadcast %broadcast_in_dim3A_1977 : vector<8x1xi32> to vector<8x512xi32>
    %eq3A_2010 = arith.cmpi eq, %eq3A_2009, %select_n3A_2008 : vector<8x512xi32>
    %jit3A_2011 = arith.constant 1.000000e+00 : f32
    %jit3A_2012 = arith.constant 0.000000e+00 : f32
    %broadcast_in_dim3A_2013 = vector.broadcast %jit3A_2011 : f32 to vector<8x512xf32>
    %broadcast_in_dim3A_2014 = vector.broadcast %jit3A_2012 : f32 to vector<8x512xf32>
    %select_n3A_2015 = arith.select %eq3A_2010, %broadcast_in_dim3A_2013, %broadcast_in_dim3A_2014 : vector<8x512xi1>, vector<8x512xf32>
    %reduce_max3A_2016 = arith.constant dense<0xFF800000> : vector<512xf32>
    %reduce_max3A_2017 = vector.multi_reduction <maximumf>, %select_n3A_2015, %reduce_max3A_2016 [0] : vector<8x512xf32> to vector<512xf32>
    %broadcast_in_dim3A_2018 = vector.shape_cast %reduce_max3A_2017 : vector<512xf32> to vector<1x512xf32>
    %iota3A_2019 = tpu.iota {dimensions = array<i32: 0>} : vector<8x8xi32>
    %broadcast_in_dim3A_2020 = vector.shape_cast %reduce_min3A_1974 : vector<8xi32> to vector<1x8xi32>
    %eq3A_2021 = vector.broadcast %broadcast_in_dim3A_2020 : vector<1x8xi32> to vector<8x8xi32>
    %eq3A_2022 = arith.cmpi eq, %eq3A_2021, %iota3A_2019 : vector<8x8xi32>
    %jit3A_2023 = arith.constant 1.000000e+00 : f32
    %jit3A_2024 = arith.constant 0.000000e+00 : f32
    %broadcast_in_dim3A_2025 = vector.broadcast %jit3A_2023 : f32 to vector<8x8xf32>
    %broadcast_in_dim3A_2026 = vector.broadcast %jit3A_2024 : f32 to vector<8x8xf32>
    %select_n3A_2027 = arith.select %eq3A_2022, %broadcast_in_dim3A_2025, %broadcast_in_dim3A_2026 : vector<8x8xi1>, vector<8x8xf32>
    %reduce_max3A_2028 = arith.constant dense<0xFF800000> : vector<8xf32>
    %reduce_max3A_2029 = vector.multi_reduction <maximumf>, %select_n3A_2027, %reduce_max3A_2028 [1] : vector<8x8xf32> to vector<8xf32>
    %broadcast_in_dim3A_2030 = vector.shape_cast %reduce_max3A_2029 : vector<8xf32> to vector<8x1xf32>
    %gt3A_2031 = arith.constant 0.000000e+00 : f32
    %gt3A_2032 = vector.broadcast %gt3A_2031 : f32 to vector<8x1xf32>
    %gt3A_2033 = arith.cmpf ogt, %broadcast_in_dim3A_2030, %gt3A_2032 : vector<8x1xf32>
    %gt3A_2034 = arith.constant 0.000000e+00 : f32
    %gt3A_2035 = vector.broadcast %gt3A_2034 : f32 to vector<1x512xf32>
    %gt3A_2036 = arith.cmpf ogt, %broadcast_in_dim3A_2018, %gt3A_2035 : vector<1x512xf32>
    %and3A_2037 = vector.broadcast %gt3A_2033 : vector<8x1xi1> to vector<8x512xi1>
    %and3A_2038 = vector.broadcast %gt3A_2036 : vector<1x512xi1> to vector<8x512xi1>
    %and3A_2039 = arith.andi %and3A_2037, %and3A_2038 : vector<8x512xi1>
    %jit3A_2040 = arith.constant -3.000000e+38 : f32
    %broadcast_in_dim3A_2041 = vector.broadcast %jit3A_2040 : f32 to vector<8x512xf32>
    %select_n3A_2042 = arith.select %and3A_2039, %slice3A_1975, %broadcast_in_dim3A_2041 : vector<8x512xi1>, vector<8x512xf32>
    %reduce_max3A_2043 = arith.constant dense<0xFF800000> : vector<512xf32>
    %reduce_max3A_2044 = vector.multi_reduction <maximumf>, %select_n3A_2042, %reduce_max3A_2043 [0] : vector<8x512xf32> to vector<512xf32>
    %broadcast_in_dim3A_2045 = vector.shape_cast %reduce_max3A_2044 : vector<512xf32> to vector<1x512xf32>
    %slice3A_2046 = vector.extract_strided_slice %broadcast_in_dim3A_2045 {offsets = [0, 0], sizes = [1, 64], strides = [1, 1]} : vector<1x512xf32> to vector<1x64xf32>
    %slice3A_2047 = vector.extract_strided_slice %broadcast_in_dim3A_2045 {offsets = [0, 64], sizes = [1, 64], strides = [1, 1]} : vector<1x512xf32> to vector<1x64xf32>
    %max3A_2048 = arith.maximumf %slice3A_2046, %slice3A_2047 : vector<1x64xf32>
    %slice3A_2049 = vector.extract_strided_slice %broadcast_in_dim3A_2045 {offsets = [0, 128], sizes = [1, 64], strides = [1, 1]} : vector<1x512xf32> to vector<1x64xf32>
    %max3A_2050 = arith.maximumf %max3A_2048, %slice3A_2049 : vector<1x64xf32>
    %slice3A_2051 = vector.extract_strided_slice %broadcast_in_dim3A_2045 {offsets = [0, 192], sizes = [1, 64], strides = [1, 1]} : vector<1x512xf32> to vector<1x64xf32>
    %max3A_2052 = arith.maximumf %max3A_2050, %slice3A_2051 : vector<1x64xf32>
    %slice3A_2053 = vector.extract_strided_slice %broadcast_in_dim3A_2045 {offsets = [0, 256], sizes = [1, 64], strides = [1, 1]} : vector<1x512xf32> to vector<1x64xf32>
    %max3A_2054 = arith.maximumf %max3A_2052, %slice3A_2053 : vector<1x64xf32>
    %slice3A_2055 = vector.extract_strided_slice %broadcast_in_dim3A_2045 {offsets = [0, 320], sizes = [1, 64], strides = [1, 1]} : vector<1x512xf32> to vector<1x64xf32>
    %max3A_2056 = arith.maximumf %max3A_2054, %slice3A_2055 : vector<1x64xf32>
    %slice3A_2057 = vector.extract_strided_slice %broadcast_in_dim3A_2045 {offsets = [0, 384], sizes = [1, 64], strides = [1, 1]} : vector<1x512xf32> to vector<1x64xf32>
    %max3A_2058 = arith.maximumf %max3A_2056, %slice3A_2057 : vector<1x64xf32>
    %slice3A_2059 = vector.extract_strided_slice %broadcast_in_dim3A_2045 {offsets = [0, 448], sizes = [1, 64], strides = [1, 1]} : vector<1x512xf32> to vector<1x64xf32>
    %max3A_2060 = arith.maximumf %max3A_2058, %slice3A_2059 : vector<1x64xf32>
    %reduce_sum3A_2061 = vector.shape_cast %max3A_2060 : vector<1x64xf32> to vector<1x1x64xf32>
    %reduce_sum3A_2062 = arith.constant dense<0.000000e+00> : vector<1xf32>
    %reduce_sum3A_2063 = vector.multi_reduction <add>, %reduce_sum3A_2061, %reduce_sum3A_2062 [1, 2] : vector<1x1x64xf32> to vector<1xf32>
    %reduce_sum3A_2064 = vector.shape_cast %reduce_sum3A_2063 : vector<1xf32> to vector<1x1x1xf32>
    %reduce_sum3A_2065 = vector.extract %reduce_sum3A_2064[0, 0, 0] : f32 from vector<1x1x1xf32>
    %mul3A_2066 = arith.constant 1.562500e-02 : f32
    %mul3A_2067 = arith.mulf %reduce_sum3A_2065, %mul3A_2066 : f32
    %broadcast_in_dim3A_2068 = vector.broadcast %mul3A_2067 : f32 to vector<1x128xf32>
    %swap3A_2069 = arith.constant 7 : index
    %swap3A_2070 = arith.constant 0 : index
    %swap3A_2071 = arith.constant 0 : index
    %swap3A_2072 = vector.load %arg9[%swap3A_2069, %swap3A_2070, %swap3A_2071] : memref<8x1x128xf32, #tpu.memory_space<vmem>>, vector<1x1x128xf32>
    %swap3A_2073 = vector.shape_cast %swap3A_2072 : vector<1x1x128xf32> to vector<1x128xf32>
    %swap3A_2074 = vector.shape_cast %broadcast_in_dim3A_2068 : vector<1x128xf32> to vector<1x1x128xf32>
    tpu.vector_store %arg9[%swap3A_2069, %swap3A_2070, %swap3A_2071], %swap3A_2074 {strides = array<i32>} : memref<8x1x128xf32, #tpu.memory_space<vmem>>, vector<1x1x128xf32>,
    return
  }
  func.func @transform_0(%arg0: i32) -> (i32, i32, i32) {
    %c0_i32 = arith.constant 0 : i32
    %c0_i32_0 = arith.constant 0 : i32
    %c0_i32_1 = arith.constant 0 : i32
    return %arg0, %c0_i32, %c0_i32_0 : i32, i32, i32
  }
  func.func @transform_1(%arg0: i32) -> (i32, i32) {
    %c0_i32 = arith.constant 0 : i32
    %c0_i32_0 = arith.constant 0 : i32
    %c0_i32_1 = arith.constant 0 : i32
    return %c0_i32, %c0_i32_0 : i32, i32
  }
  func.func @transform_2(%arg0: i32) -> (i32, i32) {
    %c0_i32 = arith.constant 0 : i32
    %c0_i32_0 = arith.constant 0 : i32
    %c0_i32_1 = arith.constant 0 : i32
    return %c0_i32, %c0_i32_0 : i32, i32
  }
  func.func @transform_3(%arg0: i32) -> (i32, i32) {
    %c0_i32 = arith.constant 0 : i32
    %c0_i32_0 = arith.constant 0 : i32
    %c0_i32_1 = arith.constant 0 : i32
    return %c0_i32, %c0_i32_0 : i32, i32
  }
  func.func @transform_4(%arg0: i32) -> (i32, i32) {
    %c0_i32 = arith.constant 0 : i32
    %c0_i32_0 = arith.constant 0 : i32
    %c0_i32_1 = arith.constant 0 : i32
    return %c0_i32, %c0_i32_0 : i32, i32
  }
  func.func @transform_5(%arg0: i32) -> (i32, i32) {
    %c0_i32 = arith.constant 0 : i32
    %c0_i32_0 = arith.constant 0 : i32
    %c0_i32_1 = arith.constant 0 : i32
    return %c0_i32, %c0_i32_0 : i32, i32
  }
  func.func @transform_6(%arg0: i32) -> (i32, i32, i32) {
    %c0_i32 = arith.constant 0 : i32
    %c0_i32_0 = arith.constant 0 : i32
    %c0_i32_1 = arith.constant 0 : i32
    return %arg0, %c0_i32, %c0_i32_0 : i32, i32, i32
  }
  func.func @transform_7(%arg0: i32) -> (i32, i32, i32) {
    %c0_i32 = arith.constant 0 : i32
    %c0_i32_0 = arith.constant 0 : i32
    %c0_i32_1 = arith.constant 0 : i32
    return %arg0, %c0_i32, %c0_i32_0 : i32, i32, i32
  }
  func.func @transform_8(%arg0: i32) -> (i32, i32, i32) {
    %c0_i32 = arith.constant 0 : i32
    %c0_i32_0 = arith.constant 0 : i32
    %c0_i32_1 = arith.constant 0 : i32
    return %arg0, %c0_i32, %c0_i32_0 : i32, i32, i32
  }
}

module attributes {stable_mosaic.version = 14 : i64} {
  func.func @_k3_body(%arg0: i32, %arg1: memref<64x256xf32, #tpu.memory_space<vmem>>, %arg2: memref<8192x256xf32, #tpu.memory_space<vmem>>, %arg3: memref<1x1x8192xf32, #tpu.memory_space<vmem>>, %arg4: memref<512x128xf32, #tpu.memory_space<vmem>>, %arg5: memref<1x64xf32, #tpu.memory_space<vmem>>, %arg6: memref<64x1xi32, #tpu.memory_space<vmem>>, %arg7: memref<64x1xf32, #tpu.memory_space<vmem>>, %arg8: memref<64x1xi32, #tpu.memory_space<vmem>>, %arg9: memref<64x128xf32, #tpu.memory_space<vmem>>, %arg10: memref<64x128xf32, #tpu.memory_space<vmem>>, %arg11: memref<64x128xi32, #tpu.memory_space<vmem>>, %arg12: memref<512x128xf32, #tpu.memory_space<vmem>>, %arg13: memref<64x1xi32, #tpu.memory_space<vmem>>) attributes {dimension_semantics = [#tpu.dimension_semantics<arbitrary>], iteration_bounds = array<i64: 8>, scalar_prefetch = 0 : i64, scratch_operands = 5 : i64, tpu.core_type = #tpu.core_type<tc>, window_params = [{pipeline_mode = #tpu.pipeline_mode<synchronous>, transform_indices = @transform_0, window_bounds = array<i64: 64, 256>}, {transform_indices = @transform_1, window_bounds = array<i64: 8192, 256>}, {transform_indices = @transform_2, window_bounds = array<i64: 1, 1, 8192>}, {pipeline_mode = #tpu.pipeline_mode<synchronous>, transform_indices = @transform_3, window_bounds = array<i64: 512, 128>}, {pipeline_mode = #tpu.pipeline_mode<synchronous>, transform_indices = @transform_4, window_bounds = array<i64: 1, 64>}, {pipeline_mode = #tpu.pipeline_mode<synchronous>, transform_indices = @transform_5, window_bounds = array<i64: 64, 1>}, {pipeline_mode = #tpu.pipeline_mode<synchronous>, transform_indices = @transform_6, window_bounds = array<i64: 64, 1>}, {pipeline_mode = #tpu.pipeline_mode<synchronous>, transform_indices = @transform_7, window_bounds = array<i64: 64, 1>}]} {
    %mul3A = arith.constant 8192 : i32
    %mul3A_0 = arith.muli %arg0, %mul3A : i32
    %eq3A = arith.constant 0 : i32
    %eq3A_1 = arith.cmpi eq, %arg0, %eq3A : i32
    %convert_element_type3A = arith.extui %eq3A_1 : i1 to i32
    %cond3A = arith.constant 0 : i32
    %cond3A_2 = arith.cmpi ne, %convert_element_type3A, %cond3A : i32
    scf.if %cond3A_2 {
      %get3A_95 = arith.constant 0 : index
      %get3A_96 = arith.constant 0 : index
      %get3A_97 = vector.load %arg4[%get3A_95, %get3A_96] : memref<512x128xf32, #tpu.memory_space<vmem>>, vector<512x128xf32>
      %swap3A_98 = arith.constant 0 : index
      %swap3A_99 = arith.constant 0 : index
      %swap3A_100 = vector.load %arg12[%swap3A_98, %swap3A_99] : memref<512x128xf32, #tpu.memory_space<vmem>>, vector<512x128xf32>
      tpu.vector_store %arg12[%swap3A_98, %swap3A_99], %get3A_97 {strides = array<i32>} : memref<512x128xf32, #tpu.memory_space<vmem>>, vector<512x128xf32>,
      %iota3A_101 = tpu.iota {dimensions = array<i32: 0>} : vector<512x128xi32>
      %iota3A_102 = tpu.iota {dimensions = array<i32: 1>} : vector<512x128xi32>
      %mul3A_103 = arith.constant 128 : i32
      %mul3A_104 = vector.broadcast %mul3A_103 : i32 to vector<512x128xi32>
      %mul3A_105 = arith.muli %iota3A_101, %mul3A_104 : vector<512x128xi32>
      %add3A_106 = arith.addi %mul3A_105, %iota3A_102 : vector<512x128xi32>
      %iota3A_107 = tpu.iota {dimensions = array<i32: 0>} : vector<64x1xi32>
      %broadcast_in_dim3A_108 = arith.constant 0 : i32
      %broadcast_in_dim3A_109 = vector.broadcast %broadcast_in_dim3A_108 : i32 to vector<64x1xi32>
      %scan3A = arith.constant 1073741824 : i32
      %scan3A_110 = arith.constant 3.000000e+38 : f32
      %scan3A_111 = arith.constant 0 : i32
      %scan3A_112 = arith.constant 64 : i32
      %scan3A_113 = arith.addi %scan3A_111, %scan3A_112 : i32
      %scan3A_114 = arith.constant 1 : i32
      %scan3A_115 = scf.for %scan3A_123 = %scan3A_111 to %scan3A_113 step %scan3A_114 iter_args(%scan3A_124 = %broadcast_in_dim3A_109) -> (vector<64x1xi32>)  : i32 {
        %get3A_125 = arith.constant 0 : index
        %get3A_126 = arith.constant 0 : index
        %get3A_127 = vector.load %arg12[%get3A_125, %get3A_126] : memref<512x128xf32, #tpu.memory_space<vmem>>, vector<512x128xf32>
        %reduce_min3A_128 = arith.constant dense<0x7F800000> : vector<512xf32>
        %reduce_min3A_129 = vector.multi_reduction <minimumf>, %get3A_127, %reduce_min3A_128 [1] : vector<512x128xf32> to vector<512xf32>
        %broadcast_in_dim3A_130 = vector.shape_cast %reduce_min3A_129 : vector<512xf32> to vector<512x1xf32>
        %reduce_min3A_131 = arith.constant dense<0x7F800000> : vector<1xf32>
        %reduce_min3A_132 = vector.multi_reduction <minimumf>, %broadcast_in_dim3A_130, %reduce_min3A_131 [0] : vector<512x1xf32> to vector<1xf32>
        %broadcast_in_dim3A_133 = vector.shape_cast %reduce_min3A_132 : vector<1xf32> to vector<1x1xf32>
        %eq3A_134 = vector.broadcast %broadcast_in_dim3A_133 : vector<1x1xf32> to vector<512x128xf32>
        %eq3A_135 = arith.cmpf oeq, %get3A_127, %eq3A_134 : vector<512x128xf32>
        %broadcast_in_dim3A_136 = vector.broadcast %scan3A : i32 to vector<512x128xi32>
        %select_n3A_137 = arith.select %eq3A_135, %add3A_106, %broadcast_in_dim3A_136 : vector<512x128xi1>, vector<512x128xi32>
        %reduce_min3A_138 = arith.constant dense<2147483647> : vector<512xi32>
        %reduce_min3A_139 = vector.multi_reduction <minsi>, %select_n3A_137, %reduce_min3A_138 [1] : vector<512x128xi32> to vector<512xi32>
        %broadcast_in_dim3A_140 = vector.shape_cast %reduce_min3A_139 : vector<512xi32> to vector<512x1xi32>
        %reduce_min3A_141 = arith.constant dense<2147483647> : vector<1xi32>
        %reduce_min3A_142 = vector.multi_reduction <minsi>, %broadcast_in_dim3A_140, %reduce_min3A_141 [0] : vector<512x1xi32> to vector<1xi32>
        %broadcast_in_dim3A_143 = vector.shape_cast %reduce_min3A_142 : vector<1xi32> to vector<1x1xi32>
        %eq3A_144 = vector.broadcast %broadcast_in_dim3A_143 : vector<1x1xi32> to vector<512x128xi32>
        %eq3A_145 = arith.cmpi eq, %add3A_106, %eq3A_144 : vector<512x128xi32>
        %broadcast_in_dim3A_146 = vector.broadcast %scan3A_110 : f32 to vector<512x128xf32>
        %select_n3A_147 = arith.select %eq3A_145, %broadcast_in_dim3A_146, %get3A_127 : vector<512x128xi1>, vector<512x128xf32>
        %swap3A_148 = arith.constant 0 : index
        %swap3A_149 = arith.constant 0 : index
        %swap3A_150 = vector.load %arg12[%swap3A_148, %swap3A_149] : memref<512x128xf32, #tpu.memory_space<vmem>>, vector<512x128xf32>
        tpu.vector_store %arg12[%swap3A_148, %swap3A_149], %select_n3A_147 {strides = array<i32>} : memref<512x128xf32, #tpu.memory_space<vmem>>, vector<512x128xf32>,
        %eq3A_151 = vector.broadcast %scan3A_123 : i32 to vector<64x1xi32>
        %eq3A_152 = arith.cmpi eq, %iota3A_107, %eq3A_151 : vector<64x1xi32>
        %broadcast_in_dim3A_153 = vector.shape_cast %broadcast_in_dim3A_143 : vector<1x1xi32> to vector<1x1xi32>
        %broadcast_in_dim3A_154 = vector.broadcast %broadcast_in_dim3A_153 : vector<1x1xi32> to vector<64x1xi32>
        %select_n3A_155 = arith.select %eq3A_152, %broadcast_in_dim3A_154, %scan3A_124 : vector<64x1xi1>, vector<64x1xi32>
        scf.yield %select_n3A_155 : vector<64x1xi32>
      }
      %scan3A_116 = arith.constant 64 : i32
      %swap3A_117 = arith.constant 0 : index
      %swap3A_118 = arith.constant 0 : index
      %swap3A_119 = vector.load %arg13[%swap3A_117, %swap3A_118] : memref<64x1xi32, #tpu.memory_space<vmem>>, vector<64x1xi32>
      tpu.vector_store %arg13[%swap3A_117, %swap3A_118], %scan3A_115 {strides = array<i32>} : memref<64x1xi32, #tpu.memory_space<vmem>>, vector<64x1xi32>,
      %swap3A_120 = arith.constant 0 : index
      %swap3A_121 = arith.constant 0 : index
      %swap3A_122 = vector.load %arg8[%swap3A_120, %swap3A_121] : memref<64x1xi32, #tpu.memory_space<vmem>>, vector<64x1xi32>
      tpu.vector_store %arg8[%swap3A_120, %swap3A_121], %scan3A_115 {strides = array<i32>} : memref<64x1xi32, #tpu.memory_space<vmem>>, vector<64x1xi32>,
    } else {
    }
    %get3A = arith.constant 0 : index
    %get3A_3 = arith.constant 0 : index
    %get3A_4 = vector.load %arg13[%get3A, %get3A_3] : memref<64x1xi32, #tpu.memory_space<vmem>>, vector<64x1xi32>
    %get3A_5 = arith.constant 0 : index
    %get3A_6 = arith.constant 0 : index
    %get3A_7 = vector.load %arg1[%get3A_5, %get3A_6] : memref<64x256xf32, #tpu.memory_space<vmem>>, vector<64x256xf32>
    %get3A_8 = arith.constant 0 : index
    %get3A_9 = arith.constant 0 : index
    %get3A_10 = vector.load %arg2[%get3A_8, %get3A_9] : memref<8192x256xf32, #tpu.memory_space<vmem>>, vector<8192x256xf32>
    %dot_general3A = arith.constant dense<0.000000e+00> : vector<64x8192xf32>
    %dot_general3A_11 = tpu.matmul %get3A_7, %get3A_10, %dot_general3A {dimension_numbers = #tpu.dot_dimension_numbers<[1], [1], [0], [0], [0, 0, 1, 0], [], []>, transpose_lhs_hint = false} : vector<64x256xf32>, vector<8192x256xf32>, vector<64x8192xf32> -> vector<64x8192xf32>
    %get3A_12 = arith.constant 0 : index
    %get3A_13 = arith.constant 0 : index
    %get3A_14 = arith.constant 0 : index
    %get3A_15 = vector.load %arg3[%get3A_12, %get3A_13, %get3A_14] : memref<1x1x8192xf32, #tpu.memory_space<vmem>>, vector<1x1x8192xf32>
    %get3A_16 = vector.shape_cast %get3A_15 : vector<1x1x8192xf32> to vector<1x8192xf32>
    %add3A = vector.broadcast %get3A_16 : vector<1x8192xf32> to vector<64x8192xf32>
    %add3A_17 = arith.addf %dot_general3A_11, %add3A : vector<64x8192xf32>
    %iota3A = tpu.iota {dimensions = array<i32: 1>} : vector<64x8192xi32>
    %add3A_18 = vector.broadcast %mul3A_0 : i32 to vector<64x8192xi32>
    %add3A_19 = arith.addi %iota3A, %add3A_18 : vector<64x8192xi32>
    %eq3A_20 = vector.broadcast %get3A_4 : vector<64x1xi32> to vector<64x8192xi32>
    %eq3A_21 = arith.cmpi eq, %eq3A_20, %add3A_19 : vector<64x8192xi32>
    %jit3A = arith.constant 1.000000e+00 : f32
    %jit3A_22 = arith.constant 0.000000e+00 : f32
    %broadcast_in_dim3A = vector.broadcast %jit3A : f32 to vector<64x8192xf32>
    %broadcast_in_dim3A_23 = vector.broadcast %jit3A_22 : f32 to vector<64x8192xf32>
    %select_n3A = arith.select %eq3A_21, %broadcast_in_dim3A, %broadcast_in_dim3A_23 : vector<64x8192xi1>, vector<64x8192xf32>
    %reduce_max3A = arith.constant dense<0xFF800000> : vector<8192xf32>
    %reduce_max3A_24 = vector.multi_reduction <maximumf>, %select_n3A, %reduce_max3A [0] : vector<64x8192xf32> to vector<8192xf32>
    %broadcast_in_dim3A_25 = vector.shape_cast %reduce_max3A_24 : vector<8192xf32> to vector<1x8192xf32>
    %dot_general3A_26 = arith.constant dense<0.000000e+00> : vector<64x64xf32>
    %dot_general3A_27 = tpu.matmul %get3A_7, %get3A_7, %dot_general3A_26 {dimension_numbers = #tpu.dot_dimension_numbers<[1], [1], [0], [0], [0, 0, 1, 0], [], []>, transpose_lhs_hint = false} : vector<64x256xf32>, vector<64x256xf32>, vector<64x64xf32> -> vector<64x64xf32>
    %get3A_28 = arith.constant 0 : index
    %get3A_29 = arith.constant 0 : index
    %get3A_30 = vector.load %arg5[%get3A_28, %get3A_29] : memref<1x64xf32, #tpu.memory_space<vmem>>, vector<1x64xf32>
    %add3A_31 = vector.broadcast %get3A_30 : vector<1x64xf32> to vector<64x64xf32>
    %add3A_32 = arith.addf %dot_general3A_27, %add3A_31 : vector<64x64xf32>
    %dot_general3A_33 = arith.constant dense<0.000000e+00> : vector<64x8192xf32>
    %dot_general3A_34 = tpu.matmul %add3A_32, %select_n3A, %dot_general3A_33 {dimension_numbers = #tpu.dot_dimension_numbers<[1], [0], [0], [1], [0, 0, 1, 1], [], []>, transpose_lhs_hint = false} : vector<64x64xf32>, vector<64x8192xf32>, vector<64x8192xf32> -> vector<64x8192xf32>
    %gt3A = arith.constant 0.000000e+00 : f32
    %gt3A_35 = vector.broadcast %gt3A : f32 to vector<1x8192xf32>
    %gt3A_36 = arith.cmpf ogt, %broadcast_in_dim3A_25, %gt3A_35 : vector<1x8192xf32>
    %broadcast_in_dim3A_37 = vector.shape_cast %gt3A_36 : vector<1x8192xi1> to vector<1x8192xi1>
    %broadcast_in_dim3A_38 = vector.broadcast %broadcast_in_dim3A_37 : vector<1x8192xi1> to vector<64x8192xi1>
    %select_n3A_39 = arith.select %broadcast_in_dim3A_38, %dot_general3A_34, %add3A_17 : vector<64x8192xi1>, vector<64x8192xf32>
    %reduce_max3A_40 = arith.constant dense<0xFF800000> : vector<64xf32>
    %reduce_max3A_41 = vector.multi_reduction <maximumf>, %select_n3A_39, %reduce_max3A_40 [1] : vector<64x8192xf32> to vector<64xf32>
    %broadcast_in_dim3A_42 = vector.shape_cast %reduce_max3A_41 : vector<64xf32> to vector<64x1xf32>
    %iota3A_43 = tpu.iota {dimensions = array<i32: 1>} : vector<64x8192xi32>
    %add3A_44 = vector.broadcast %mul3A_0 : i32 to vector<64x8192xi32>
    %add3A_45 = arith.addi %iota3A_43, %add3A_44 : vector<64x8192xi32>
    %eq3A_46 = vector.broadcast %broadcast_in_dim3A_42 : vector<64x1xf32> to vector<64x8192xf32>
    %eq3A_47 = arith.cmpf oeq, %select_n3A_39, %eq3A_46 : vector<64x8192xf32>
    %jit3A_48 = arith.constant 1073741824 : i32
    %broadcast_in_dim3A_49 = vector.broadcast %jit3A_48 : i32 to vector<64x8192xi32>
    %select_n3A_50 = arith.select %eq3A_47, %add3A_45, %broadcast_in_dim3A_49 : vector<64x8192xi1>, vector<64x8192xi32>
    %reduce_min3A = arith.constant dense<2147483647> : vector<64xi32>
    %reduce_min3A_51 = vector.multi_reduction <minsi>, %select_n3A_50, %reduce_min3A [1] : vector<64x8192xi32> to vector<64xi32>
    %broadcast_in_dim3A_52 = vector.shape_cast %reduce_min3A_51 : vector<64xi32> to vector<64x1xi32>
    %eq3A_53 = arith.constant 0 : i32
    %eq3A_54 = arith.cmpi eq, %arg0, %eq3A_53 : i32
    %convert_element_type3A_55 = arith.extui %eq3A_54 : i1 to i32
    %cond3A_56 = arith.constant 0 : i32
    %cond3A_57 = arith.cmpi ne, %convert_element_type3A_55, %cond3A_56 : i32
    scf.if %cond3A_57 {
      %broadcast_in_dim3A_95 = arith.constant -3.000000e+38 : f32
      %broadcast_in_dim3A_96 = vector.broadcast %broadcast_in_dim3A_95 : f32 to vector<64x128xf32>
      %swap3A_97 = arith.constant 0 : index
      %swap3A_98 = arith.constant 0 : index
      %swap3A_99 = vector.load %arg9[%swap3A_97, %swap3A_98] : memref<64x128xf32, #tpu.memory_space<vmem>>, vector<64x128xf32>
      tpu.vector_store %arg9[%swap3A_97, %swap3A_98], %broadcast_in_dim3A_96 {strides = array<i32>} : memref<64x128xf32, #tpu.memory_space<vmem>>, vector<64x128xf32>,
      %broadcast_in_dim3A_100 = arith.constant 0.000000e+00 : f32
      %broadcast_in_dim3A_101 = vector.broadcast %broadcast_in_dim3A_100 : f32 to vector<64x128xf32>
      %swap3A_102 = arith.constant 0 : index
      %swap3A_103 = arith.constant 0 : index
      %swap3A_104 = vector.load %arg10[%swap3A_102, %swap3A_103] : memref<64x128xf32, #tpu.memory_space<vmem>>, vector<64x128xf32>
      tpu.vector_store %arg10[%swap3A_102, %swap3A_103], %broadcast_in_dim3A_101 {strides = array<i32>} : memref<64x128xf32, #tpu.memory_space<vmem>>, vector<64x128xf32>,
      %broadcast_in_dim3A_105 = arith.constant 0 : i32
      %broadcast_in_dim3A_106 = vector.broadcast %broadcast_in_dim3A_105 : i32 to vector<64x128xi32>
      %swap3A_107 = arith.constant 0 : index
      %swap3A_108 = arith.constant 0 : index
      %swap3A_109 = vector.load %arg11[%swap3A_107, %swap3A_108] : memref<64x128xi32, #tpu.memory_space<vmem>>, vector<64x128xi32>
      tpu.vector_store %arg11[%swap3A_107, %swap3A_108], %broadcast_in_dim3A_106 {strides = array<i32>} : memref<64x128xi32, #tpu.memory_space<vmem>>, vector<64x128xi32>,
    } else {
    }
    %get3A_58 = arith.constant 0 : index
    %get3A_59 = arith.constant 0 : index
    %get3A_60 = vector.load %arg9[%get3A_58, %get3A_59] : memref<64x128xf32, #tpu.memory_space<vmem>>, vector<64x1xf32>
    %max3A = arith.maximumf %get3A_60, %broadcast_in_dim3A_42 : vector<64x1xf32>
    %sub3A = vector.broadcast %max3A : vector<64x1xf32> to vector<64x8192xf32>
    %sub3A_61 = arith.subf %select_n3A_39, %sub3A : vector<64x8192xf32>
    %exp3A = math.exp %sub3A_61 : vector<64x8192xf32>
    %reduce_sum3A = arith.constant dense<0.000000e+00> : vector<64xf32>
    %reduce_sum3A_62 = vector.multi_reduction <add>, %exp3A, %reduce_sum3A [1] : vector<64x8192xf32> to vector<64xf32>
    %broadcast_in_dim3A_63 = vector.shape_cast %reduce_sum3A_62 : vector<64xf32> to vector<64x1xf32>
    %get3A_64 = arith.constant 0 : index
    %get3A_65 = arith.constant 0 : index
    %get3A_66 = vector.load %arg10[%get3A_64, %get3A_65] : memref<64x128xf32, #tpu.memory_space<vmem>>, vector<64x1xf32>
    %sub3A_67 = arith.subf %get3A_60, %max3A : vector<64x1xf32>
    %exp3A_68 = math.exp %sub3A_67 : vector<64x1xf32>
    %mul3A_69 = arith.mulf %get3A_66, %exp3A_68 : vector<64x1xf32>
    %add3A_70 = arith.addf %mul3A_69, %broadcast_in_dim3A_63 : vector<64x1xf32>
    %gt3A_71 = arith.cmpf ogt, %broadcast_in_dim3A_42, %get3A_60 : vector<64x1xf32>
    %get3A_72 = arith.constant 0 : index
    %get3A_73 = arith.constant 0 : index
    %get3A_74 = vector.load %arg11[%get3A_72, %get3A_73] : memref<64x128xi32, #tpu.memory_space<vmem>>, vector<64x1xi32>
    %select_n3A_75 = arith.select %gt3A_71, %broadcast_in_dim3A_52, %get3A_74 : vector<64x1xi1>, vector<64x1xi32>
    %broadcast_in_dim3A_76 = vector.shape_cast %max3A : vector<64x1xf32> to vector<64x1xf32>
    %broadcast_in_dim3A_77 = vector.broadcast %broadcast_in_dim3A_76 : vector<64x1xf32> to vector<64x128xf32>
    %swap3A = arith.constant 0 : index
    %swap3A_78 = arith.constant 0 : index
    %swap3A_79 = vector.load %arg9[%swap3A, %swap3A_78] : memref<64x128xf32, #tpu.memory_space<vmem>>, vector<64x128xf32>
    tpu.vector_store %arg9[%swap3A, %swap3A_78], %broadcast_in_dim3A_77 {strides = array<i32>} : memref<64x128xf32, #tpu.memory_space<vmem>>, vector<64x128xf32>,
    %broadcast_in_dim3A_80 = vector.shape_cast %add3A_70 : vector<64x1xf32> to vector<64x1xf32>
    %broadcast_in_dim3A_81 = vector.broadcast %broadcast_in_dim3A_80 : vector<64x1xf32> to vector<64x128xf32>
    %swap3A_82 = arith.constant 0 : index
    %swap3A_83 = arith.constant 0 : index
    %swap3A_84 = vector.load %arg10[%swap3A_82, %swap3A_83] : memref<64x128xf32, #tpu.memory_space<vmem>>, vector<64x128xf32>
    tpu.vector_store %arg10[%swap3A_82, %swap3A_83], %broadcast_in_dim3A_81 {strides = array<i32>} : memref<64x128xf32, #tpu.memory_space<vmem>>, vector<64x128xf32>,
    %broadcast_in_dim3A_85 = vector.shape_cast %select_n3A_75 : vector<64x1xi32> to vector<64x1xi32>
    %broadcast_in_dim3A_86 = vector.broadcast %broadcast_in_dim3A_85 : vector<64x1xi32> to vector<64x128xi32>
    %swap3A_87 = arith.constant 0 : index
    %swap3A_88 = arith.constant 0 : index
    %swap3A_89 = vector.load %arg11[%swap3A_87, %swap3A_88] : memref<64x128xi32, #tpu.memory_space<vmem>>, vector<64x128xi32>
    tpu.vector_store %arg11[%swap3A_87, %swap3A_88], %broadcast_in_dim3A_86 {strides = array<i32>} : memref<64x128xi32, #tpu.memory_space<vmem>>, vector<64x128xi32>,
    %eq3A_90 = arith.constant 7 : i32
    %eq3A_91 = arith.cmpi eq, %arg0, %eq3A_90 : i32
    %convert_element_type3A_92 = arith.extui %eq3A_91 : i1 to i32
    %cond3A_93 = arith.constant 0 : i32
    %cond3A_94 = arith.cmpi ne, %convert_element_type3A_92, %cond3A_93 : i32
    scf.if %cond3A_94 {
      %get3A_95 = arith.constant 0 : index
      %get3A_96 = arith.constant 0 : index
      %get3A_97 = vector.load %arg11[%get3A_95, %get3A_96] : memref<64x128xi32, #tpu.memory_space<vmem>>, vector<64x1xi32>
      %swap3A_98 = arith.constant 0 : index
      %swap3A_99 = arith.constant 0 : index
      %swap3A_100 = vector.load %arg6[%swap3A_98, %swap3A_99] : memref<64x1xi32, #tpu.memory_space<vmem>>, vector<64x1xi32>
      tpu.vector_store %arg6[%swap3A_98, %swap3A_99], %get3A_97 {strides = array<i32>} : memref<64x1xi32, #tpu.memory_space<vmem>>, vector<64x1xi32>,
      %get3A_101 = arith.constant 0 : index
      %get3A_102 = arith.constant 0 : index
      %get3A_103 = vector.load %arg10[%get3A_101, %get3A_102] : memref<64x128xf32, #tpu.memory_space<vmem>>, vector<64x1xf32>
      %div3A = arith.constant 1.000000e+00 : f32
      %div3A_104 = vector.broadcast %div3A : f32 to vector<64x1xf32>
      %div3A_105 = arith.divf %div3A_104, %get3A_103 : vector<64x1xf32>
      %swap3A_106 = arith.constant 0 : index
      %swap3A_107 = arith.constant 0 : index
      %swap3A_108 = vector.load %arg7[%swap3A_106, %swap3A_107] : memref<64x1xf32, #tpu.memory_space<vmem>>, vector<64x1xf32>
      tpu.vector_store %arg7[%swap3A_106, %swap3A_107], %div3A_105 {strides = array<i32>} : memref<64x1xf32, #tpu.memory_space<vmem>>, vector<64x1xf32>,
    } else {
    }
    return
  }
  func.func @transform_0(%arg0: i32) -> (i32, i32) {
    %c0_i32 = arith.constant 0 : i32
    %c0_i32_0 = arith.constant 0 : i32
    %c0_i32_1 = arith.constant 0 : i32
    return %c0_i32, %c0_i32_0 : i32, i32
  }
  func.func @transform_1(%arg0: i32) -> (i32, i32) {
    %c0_i32 = arith.constant 0 : i32
    %c0_i32_0 = arith.constant 0 : i32
    return %arg0, %c0_i32 : i32, i32
  }
  func.func @transform_2(%arg0: i32) -> (i32, i32, i32) {
    %c0_i32 = arith.constant 0 : i32
    %c0_i32_0 = arith.constant 0 : i32
    %c0_i32_1 = arith.constant 0 : i32
    return %c0_i32, %c0_i32_0, %arg0 : i32, i32, i32
  }
  func.func @transform_3(%arg0: i32) -> (i32, i32) {
    %c0_i32 = arith.constant 0 : i32
    %c0_i32_0 = arith.constant 0 : i32
    %c0_i32_1 = arith.constant 0 : i32
    return %c0_i32, %c0_i32_0 : i32, i32
  }
  func.func @transform_4(%arg0: i32) -> (i32, i32) {
    %c0_i32 = arith.constant 0 : i32
    %c0_i32_0 = arith.constant 0 : i32
    %c0_i32_1 = arith.constant 0 : i32
    return %c0_i32, %c0_i32_0 : i32, i32
  }
  func.func @transform_5(%arg0: i32) -> (i32, i32) {
    %c0_i32 = arith.constant 0 : i32
    %c0_i32_0 = arith.constant 0 : i32
    %c0_i32_1 = arith.constant 0 : i32
    return %c0_i32, %c0_i32_0 : i32, i32
  }
  func.func @transform_6(%arg0: i32) -> (i32, i32) {
    %c0_i32 = arith.constant 0 : i32
    %c0_i32_0 = arith.constant 0 : i32
    %c0_i32_1 = arith.constant 0 : i32
    return %c0_i32, %c0_i32_0 : i32, i32
  }
  func.func @transform_7(%arg0: i32) -> (i32, i32) {
    %c0_i32 = arith.constant 0 : i32
    %c0_i32_0 = arith.constant 0 : i32
    %c0_i32_1 = arith.constant 0 : i32
    return %c0_i32, %c0_i32_0 : i32, i32
  }
}

module attributes {stable_mosaic.version = 14 : i64} {
  func.func @_k4_body(%arg0: memref<64x128x256xf32, #tpu.memory_space<vmem>>, %arg1: memref<64x256xf32, #tpu.memory_space<vmem>>, %arg2: memref<1x64xi32, #tpu.memory_space<vmem>>, %arg3: memref<64x256xf32, #tpu.memory_space<vmem>>, %arg4: memref<64x1xi32, #tpu.memory_space<vmem>>, %arg5: memref<64x1xf32, #tpu.memory_space<vmem>>, %arg6: memref<64x128x1xf32, #tpu.memory_space<vmem>>, %arg7: memref<64x128x1xf32, #tpu.memory_space<vmem>>) attributes {dimension_semantics = [], scalar_prefetch = 0 : i64, scratch_operands = 0 : i64, tpu.core_type = #tpu.core_type<tc>} {
    %get3A = arith.constant 0 : index
    %get3A_0 = arith.constant 0 : index
    %get3A_1 = vector.load %arg4[%get3A, %get3A_0] : memref<64x1xi32, #tpu.memory_space<vmem>>, vector<64x1xi32>
    %get3A_2 = arith.constant 0 : index
    %get3A_3 = arith.constant 0 : index
    %get3A_4 = vector.load %arg2[%get3A_2, %get3A_3] : memref<1x64xi32, #tpu.memory_space<vmem>>, vector<1x64xi32>
    %eq3A = vector.broadcast %get3A_1 : vector<64x1xi32> to vector<64x64xi32>
    %eq3A_5 = vector.broadcast %get3A_4 : vector<1x64xi32> to vector<64x64xi32>
    %eq3A_6 = arith.cmpi eq, %eq3A, %eq3A_5 : vector<64x64xi32>
    %jit3A = arith.constant 1.000000e+00 : f32
    %jit3A_7 = arith.constant 0.000000e+00 : f32
    %broadcast_in_dim3A = vector.broadcast %jit3A : f32 to vector<64x64xf32>
    %broadcast_in_dim3A_8 = vector.broadcast %jit3A_7 : f32 to vector<64x64xf32>
    %select_n3A = arith.select %eq3A_6, %broadcast_in_dim3A, %broadcast_in_dim3A_8 : vector<64x64xi1>, vector<64x64xf32>
    %reduce_max3A = arith.constant dense<0xFF800000> : vector<64xf32>
    %reduce_max3A_9 = vector.multi_reduction <maximumf>, %select_n3A, %reduce_max3A [1] : vector<64x64xf32> to vector<64xf32>
    %broadcast_in_dim3A_10 = vector.shape_cast %reduce_max3A_9 : vector<64xf32> to vector<64x1xf32>
    %get3A_11 = arith.constant 0 : index
    %get3A_12 = arith.constant 0 : index
    %get3A_13 = vector.load %arg3[%get3A_11, %get3A_12] : memref<64x256xf32, #tpu.memory_space<vmem>>, vector<64x256xf32>
    %dot_general3A = arith.constant dense<0.000000e+00> : vector<64x256xf32>
    %dot_general3A_14 = tpu.matmul %select_n3A, %get3A_13, %dot_general3A {dimension_numbers = #tpu.dot_dimension_numbers<[1], [0], [0], [1], [0, 0, 1, 1], [], []>, transpose_lhs_hint = false} : vector<64x64xf32>, vector<64x256xf32>, vector<64x256xf32> -> vector<64x256xf32>
    %gt3A = arith.constant 0.000000e+00 : f32
    %gt3A_15 = vector.broadcast %gt3A : f32 to vector<64x1xf32>
    %gt3A_16 = arith.cmpf ogt, %broadcast_in_dim3A_10, %gt3A_15 : vector<64x1xf32>
    %get3A_17 = arith.constant 0 : index
    %get3A_18 = arith.constant 0 : index
    %get3A_19 = vector.load %arg1[%get3A_17, %get3A_18] : memref<64x256xf32, #tpu.memory_space<vmem>>, vector<64x256xf32>
    %broadcast_in_dim3A_20 = vector.shape_cast %gt3A_16 : vector<64x1xi1> to vector<64x1xi1>
    %broadcast_in_dim3A_21 = vector.broadcast %broadcast_in_dim3A_20 : vector<64x1xi1> to vector<64x256xi1>
    %select_n3A_22 = arith.select %broadcast_in_dim3A_21, %dot_general3A_14, %get3A_19 : vector<64x256xi1>, vector<64x256xf32>
    %get3A_23 = arith.constant 0 : index
    %get3A_24 = arith.constant 0 : index
    %get3A_25 = arith.constant 0 : index
    %get3A_26 = vector.load %arg0[%get3A_23, %get3A_24, %get3A_25] : memref<64x128x256xf32, #tpu.memory_space<vmem>>, vector<64x128x256xf32>
    %reshape3A = vector.shape_cast %get3A_26 : vector<64x128x256xf32> to vector<8192x256xf32>
    %iota3A = tpu.iota {dimensions = array<i32: 0>} : vector<8192x64xi32>
    %jit3A_27 = arith.constant 128 : i32
    %div3A = vector.broadcast %jit3A_27 : i32 to vector<8192x64xi32>
    %div3A_28 = arith.divsi %iota3A, %div3A : vector<8192x64xi32>
    %sign3A = arith.constant 0 : i32
    %sign3A_29 = vector.broadcast %sign3A : i32 to vector<8192x64xi32>
    %sign3A_30 = arith.cmpi sgt, %iota3A, %sign3A_29 : vector<8192x64xi32>
    %sign3A_31 = arith.extui %sign3A_30 : vector<8192x64xi1> to vector<8192x64xi32>
    %sign3A_32 = arith.constant 0 : i32
    %sign3A_33 = vector.broadcast %sign3A_32 : i32 to vector<8192x64xi32>
    %sign3A_34 = arith.cmpi slt, %iota3A, %sign3A_33 : vector<8192x64xi32>
    %sign3A_35 = arith.extui %sign3A_34 : vector<8192x64xi1> to vector<8192x64xi32>
    %sign3A_36 = arith.subi %sign3A_31, %sign3A_35 : vector<8192x64xi32>
    %sign3A_37 = arith.constant 0 : i32
    %sign3A_38 = arith.cmpi sgt, %jit3A_27, %sign3A_37 : i32
    %sign3A_39 = arith.extui %sign3A_38 : i1 to i32
    %sign3A_40 = arith.constant 0 : i32
    %sign3A_41 = arith.cmpi slt, %jit3A_27, %sign3A_40 : i32
    %sign3A_42 = arith.extui %sign3A_41 : i1 to i32
    %sign3A_43 = arith.subi %sign3A_39, %sign3A_42 : i32
    %ne3A = vector.broadcast %sign3A_43 : i32 to vector<8192x64xi32>
    %ne3A_44 = arith.cmpi ne, %sign3A_36, %ne3A : vector<8192x64xi32>
    %rem3A = vector.broadcast %jit3A_27 : i32 to vector<8192x64xi32>
    %rem3A_45 = arith.remsi %iota3A, %rem3A : vector<8192x64xi32>
    %ne3A_46 = arith.constant 0 : i32
    %ne3A_47 = vector.broadcast %ne3A_46 : i32 to vector<8192x64xi32>
    %ne3A_48 = arith.cmpi ne, %rem3A_45, %ne3A_47 : vector<8192x64xi32>
    %and3A = arith.andi %ne3A_44, %ne3A_48 : vector<8192x64xi1>
    %sub3A = arith.constant 1 : i32
    %sub3A_49 = vector.broadcast %sub3A : i32 to vector<8192x64xi32>
    %sub3A_50 = arith.subi %div3A_28, %sub3A_49 : vector<8192x64xi32>
    %select_n3A_51 = arith.select %and3A, %sub3A_50, %div3A_28 : vector<8192x64xi1>, vector<8192x64xi32>
    %iota3A_52 = tpu.iota {dimensions = array<i32: 1>} : vector<8192x64xi32>
    %eq3A_53 = arith.cmpi eq, %select_n3A_51, %iota3A_52 : vector<8192x64xi32>
    %jit3A_54 = arith.constant 1.000000e+00 : f32
    %jit3A_55 = arith.constant 0.000000e+00 : f32
    %broadcast_in_dim3A_56 = vector.broadcast %jit3A_54 : f32 to vector<8192x64xf32>
    %broadcast_in_dim3A_57 = vector.broadcast %jit3A_55 : f32 to vector<8192x64xf32>
    %select_n3A_58 = arith.select %eq3A_53, %broadcast_in_dim3A_56, %broadcast_in_dim3A_57 : vector<8192x64xi1>, vector<8192x64xf32>
    %dot_general3A_59 = arith.constant dense<0.000000e+00> : vector<8192x256xf32>
    %dot_general3A_60 = tpu.matmul %select_n3A_58, %select_n3A_22, %dot_general3A_59 {dimension_numbers = #tpu.dot_dimension_numbers<[1], [0], [0], [1], [0, 0, 1, 1], [], []>, transpose_lhs_hint = false} : vector<8192x64xf32>, vector<64x256xf32>, vector<8192x256xf32> -> vector<8192x256xf32>
    %sub3A_61 = arith.subf %reshape3A, %dot_general3A_60 : vector<8192x256xf32>
    %mul3A = arith.mulf %sub3A_61, %sub3A_61 : vector<8192x256xf32>
    %reduce_sum3A = arith.constant dense<0.000000e+00> : vector<8192xf32>
    %reduce_sum3A_62 = vector.multi_reduction <add>, %mul3A, %reduce_sum3A [1] : vector<8192x256xf32> to vector<8192xf32>
    %broadcast_in_dim3A_63 = vector.shape_cast %reduce_sum3A_62 : vector<8192xf32> to vector<8192x1xf32>
    %sqrt3A = math.sqrt %broadcast_in_dim3A_63 : vector<8192x1xf32>
    %mul3A_64 = arith.constant 2.000000e-01 : f32
    %mul3A_65 = vector.broadcast %mul3A_64 : f32 to vector<8192x1xf32>
    %mul3A_66 = arith.mulf %mul3A_65, %sqrt3A : vector<8192x1xf32>
    %add3A = arith.constant 5.000000e-01 : f32
    %add3A_67 = vector.broadcast %add3A : f32 to vector<8192x1xf32>
    %add3A_68 = arith.addf %mul3A_66, %add3A_67 : vector<8192x1xf32>
    %jit3A_69 = arith.constant 0.000000e+00 : f32
    %jit3A_70 = arith.constant 1.000000e+00 : f32
    %max3A = vector.broadcast %jit3A_69 : f32 to vector<8192x1xf32>
    %max3A_71 = arith.maximumf %max3A, %add3A_68 : vector<8192x1xf32>
    %min3A = vector.broadcast %jit3A_70 : f32 to vector<8192x1xf32>
    %min3A_72 = arith.minimumf %min3A, %max3A_71 : vector<8192x1xf32>
    %sub3A_73 = arith.constant 5.000000e-01 : f32
    %sub3A_74 = vector.broadcast %sub3A_73 : f32 to vector<8192x1xf32>
    %sub3A_75 = arith.subf %sub3A_74, %min3A_72 : vector<8192x1xf32>
    %reshape3A_76 = vector.shape_cast %sub3A_75 : vector<8192x1xf32> to vector<64x128x1xf32>
    %swap3A = arith.constant 0 : index
    %swap3A_77 = arith.constant 0 : index
    %swap3A_78 = arith.constant 0 : index
    %swap3A_79 = vector.load %arg6[%swap3A, %swap3A_77, %swap3A_78] : memref<64x128x1xf32, #tpu.memory_space<vmem>>, vector<64x128x1xf32>
    tpu.vector_store %arg6[%swap3A, %swap3A_77, %swap3A_78], %reshape3A_76 {strides = array<i32>} : memref<64x128x1xf32, #tpu.memory_space<vmem>>, vector<64x128x1xf32>,
    %get3A_80 = arith.constant 0 : index
    %get3A_81 = arith.constant 0 : index
    %get3A_82 = vector.load %arg5[%get3A_80, %get3A_81] : memref<64x1xf32, #tpu.memory_space<vmem>>, vector<64x1xf32>
    %dot_general3A_83 = arith.constant dense<0.000000e+00> : vector<8192x1xf32>
    %dot_general3A_84 = tpu.matmul %select_n3A_58, %get3A_82, %dot_general3A_83 {dimension_numbers = #tpu.dot_dimension_numbers<[1], [0], [0], [1], [0, 0, 1, 1], [], []>, transpose_lhs_hint = false} : vector<8192x64xf32>, vector<64x1xf32>, vector<8192x1xf32> -> vector<8192x1xf32>
    %reshape3A_85 = vector.shape_cast %dot_general3A_84 : vector<8192x1xf32> to vector<64x128x1xf32>
    %swap3A_86 = arith.constant 0 : index
    %swap3A_87 = arith.constant 0 : index
    %swap3A_88 = arith.constant 0 : index
    %swap3A_89 = vector.load %arg7[%swap3A_86, %swap3A_87, %swap3A_88] : memref<64x128x1xf32, #tpu.memory_space<vmem>>, vector<64x128x1xf32>
    tpu.vector_store %arg7[%swap3A_86, %swap3A_87, %swap3A_88], %reshape3A_85 {strides = array<i32>} : memref<64x128x1xf32, #tpu.memory_space<vmem>>, vector<64x128x1xf32>,
    return
  }
}

</mosaic_0001>

<sc_bundles>
// kernel: kernel.6.cloned.1.call-start
scs
__scs_entry_jumppad:
0x0: {  	(pc) =	sbr.rel $0x88, $3  }
0x1: {  	(tag) =	ssettag $0x0;
	lr =	simm.s32 $0x1  }
0x2: {  	[smem:$0x3F99] =	sst lr;
	_ =	strace $0xD0000000  }
0x3: {  	_ = 	snop  }
0x4: {  	_ = 	snop  }
0x5: {  	_ = 	snop  }
0x6: {  	_ = 	snop  }
0x7: {  	_ = 	snop  }
__scs_overlays_trampoline_lowered:
0x8: {  	[smem:$0x3FA8] =	sst s0  }
0x9: {  	[smem:$0x3FA9] =	sst s1  }
0xa: {  	[smem:$0x3FAA] =	sst s2  }
0xb: {  	[smem:$0x3FAB] =	sst s3  }
0xc: {  	[smem:$0x3FAC] =	sst s4  }
0xd: {  	[smem:$0x3FAD] =	sst s5  }
0xe: {  	[smem:$0x3FAE] =	sst s6  }
0xf: {  	[smem:$0x3FAF] =	sst s7  }
0x10: {  	[smem:$0x3FB0] =	sst s8  }
0x11: {  	[smem:$0x3FB1] =	sst s9;
	s0 =	simm.s32 @!p0 $0x0  }
0x12: {  	s1 =	sld [smem:$0x3F97];
	s0 =	simm.s32 @p0 $0x1  }
0x13: {  	[smem:$0x3FB2] =	sst s0;
	s0 =	simm.s32 @!p1 $0x0  }
0x14: {  	s2 =	sld [smem:$0x3F96];
	s0 =	simm.s32 @p1 $0x1  }
0x15: {  	[smem:$0x3FB3] =	sst s0;
	s0 =	simm.s32 @!p2 $0x0  }
0x16: {  	s3 =	sld [smem:$0x3FDB];
	s0 =	simm.s32 @p2 $0x1  }
0x17: {  	s4 =	simm.s32 $0x1BF5;
	[smem:$0x3FB5] =	sst s0  }
0x18: {  	s0 =	sld [smem:$0x3F98];
	_ =	swait.ge [sflag:s4], $0x0  }
0x19: {  	s7 =	sld [smem:$0x3F99]  }
0x1a: {  	s8 =	sadd.s32 $0xFFFFE003, lr  }
0x1b: {  	s9 =	sadd.s32 $0xFFFFFEF7, lr;
	s5 =	simm.s32 $0xFFFFFFFF;
	p2 =	slt.u32 s8, $0xFFFFF086  }
0x1c: {  	p1 =	slt.u32 s9, $0xF7A;
	s5 =	simm.s32 @!p2 $0x0  }
0x1d: {  	s5 =	simm.s32 @p1 $0x1;
	p0 =	seq.s32 s7, s2  }
0x1e: {  	s7 =	smul.u32 @!p0 $0xF7A, s2;
	p2 =	seq.s32 @!p0 s5, $0x0  }
0x1f: {  	s9 =	smul.u32 $0xF7A, s1;
	s8 =	simm.s32 @!p0 $0x1BF5;
	p2 =	por !p2, p0  }
0x20: {  	[sflag:s8] =	ssyncset.s32 @!p0 $0xFFFFF086;
	s6 =	sadd.s32 @!p0 s3, s7;
	s7 =	simm.s32 @!p0 $0x108  }
0x21: {  	s3 =	sadd.s32 s3, s9;
	s6 =	sadd.s32 @!p0 $0x88, s6;
	s7 =	simm.s32 @p2 $0x1082  }
0x22: {  	[simem:s7], [sflag:s8] =	dma.local @!p0 [hbm:s6], $0xF7A  }
0x23: {  	s9 =	sor.u32 $0xD0000000, s2;
	s6 =	simm.s32 $0x108;
	_ =	swait.ge @!p0 [sflag:s8], $0x0  }
0x24: {  	s3 =	sadd.s32 $0x88, s3;
	s6 =	simm.s32 @!p1 $0x1082;
	[sflag:s4] =	ssyncset.s32 $0xFFFFF086  }
0x25: {  	[simem:s6], [sflag:s4] =	dma.local [hbm:s3], $0xF7A  }
0x26: {  	[smem:$0x3F99] =	sst s1;
	(tag) =	ssettag s2;
	_ =	strace s9  }
0x27: {  	s1 =	sld [smem:$0x3FA9]  }
0x28: {  	s2 =	sld [smem:$0x3FAA]  }
0x29: {  	s4 =	sld [smem:$0x3FAC]  }
0x2a: {  	p0 =	seq.s32 s5, $0x0;
	s5 =	sld [smem:$0x3FAD]  }
0x2b: {  	s6 =	sld [smem:$0x3FAE]  }
0x2c: {  	s7 =	sld [smem:$0x3FAF]  }
0x2d: {  	s3 =	simm.s32 $0x108;
	s8 =	sld [smem:$0x3FB0]  }
0x2e: {  	s3 =	simm.s32 @!p0 $0x1082;
	s9 =	sld [smem:$0x3FB1]  }
0x2f: {  	lr =	sadd.s32 s0, s3;
	s0 =	sld [smem:$0x3FA8]  }
0x30: {  	s3 =	sld [smem:$0x3FAB]  }
0x31: {  	[smem:$0x3FB4] =	sst s10  }
0x32: {  	s10 =	sld [smem:$0x3FB2];
	_ =	sdelay $0x3  }
0x33: {  	p0 =	seq.s32 s10, $0x1;
	s10 =	sld [smem:$0x3FB4];
	_ =	sdelay $0x3  }
0x34: {  	[smem:$0x3FB4] =	sst s10  }
0x35: {  	s10 =	sld [smem:$0x3FB3];
	_ =	sdelay $0x3  }
0x36: {  	p1 =	seq.s32 s10, $0x1;
	s10 =	sld [smem:$0x3FB4];
	_ =	sdelay $0x3  }
0x37: {  	[smem:$0x3FB4] =	sst s10  }
0x38: {  	s10 =	sld [smem:$0x3FB5]  }
0x39: {  	_ = 	snop;
	(pc) =	sbr.ind lr, $3  }
0x3a: {  	_ = 	snop  }
0x3b: {  	_ = 	snop  }
0x3c: {  	p2 =	seq.s32 s10, $0x1;
	s10 =	sld [smem:$0x3FB4]  }
0x3d: {  	_ =	shalt  }
0x3e: {  	_ =	shalt  }
0x3f: {  	_ =	shalt  }
0x40: {  	_ =	shalt  }
0x41: {  	_ =	shalt  }
0x42: {  	_ =	shalt  }
0x43: {  	_ =	shalt  }
0x44: {  	_ =	shalt  }
0x45: {  	_ =	shalt  }
0x46: {  	_ =	shalt  }
0x47: {  	_ =	shalt  }
0x48: {  	_ =	shalt  }
0x49: {  	_ =	shalt  }
0x4a: {  	_ =	shalt  }
0x4b: {  	_ =	shalt  }
0x4c: {  	_ =	shalt  }
0x4d: {  	_ =	shalt  }
0x4e: {  	_ =	shalt  }
0x4f: {  	_ =	shalt  }
0x50: {  	_ =	shalt  }
0x51: {  	_ =	shalt  }
0x52: {  	_ =	shalt  }
0x53: {  	_ =	shalt  }
0x54: {  	_ =	shalt  }
0x55: {  	_ =	shalt  }
0x56: {  	_ =	shalt  }
0x57: {  	_ =	shalt  }
0x58: {  	_ =	shalt  }
0x59: {  	_ =	shalt  }
0x5a: {  	_ =	shalt  }
0x5b: {  	_ =	shalt  }
0x5c: {  	_ =	shalt  }
0x5d: {  	_ =	shalt  }
0x5e: {  	_ =	shalt  }
0x5f: {  	_ =	shalt  }
0x60: {  	_ =	shalt  }
0x61: {  	_ =	shalt  }
0x62: {  	_ =	shalt  }
0x63: {  	_ =	shalt  }
0x64: {  	_ =	shalt  }
0x65: {  	_ =	shalt  }
0x66: {  	_ =	shalt  }
0x67: {  	_ =	shalt  }
0x68: {  	_ =	shalt  }
0x69: {  	_ =	shalt  }
0x6a: {  	_ =	shalt  }
0x6b: {  	_ =	shalt  }
0x6c: {  	_ =	shalt  }
0x6d: {  	_ =	shalt  }
0x6e: {  	_ =	shalt  }
0x6f: {  	_ =	shalt  }
0x70: {  	_ =	shalt  }
0x71: {  	_ =	shalt  }
0x72: {  	_ =	shalt  }
0x73: {  	_ =	shalt  }
0x74: {  	_ =	shalt  }
0x75: {  	_ =	shalt  }
0x76: {  	_ =	shalt  }
0x77: {  	_ =	shalt  }
0x78: {  	_ =	shalt  }
0x79: {  	_ =	shalt  }
0x7a: {  	_ =	shalt  }
0x7b: {  	_ =	shalt  }
0x7c: {  	_ =	shalt  }
0x7d: {  	_ =	shalt  }
0x7e: {  	_ =	shalt  }
0x7f: {  	_ =	shalt  }
0x80: {  	_ =	shalt  }
0x81: {  	_ =	shalt  }
0x82: {  	_ =	shalt  }
0x83: {  	_ =	shalt  }
0x84: {  	_ =	shalt  }
0x85: {  	_ =	shalt  }
0x86: {  	_ =	shalt  }
0x87: {  	_ =	shalt  }
.Lfunc_end0:
.L_simem_size_0:
called_computation_lowered:
.L_overlay_start_0:
0x88: {  	s2 =	sld [smem:$0x3FD9]  }
0x89: {  	s3 =	sld [smem:$0x3FFE];
	_ =	sdelay $0x1  }
0x8a: {  	s1 =	srdreg.scid  }
0x8b: {  	s0 =	sand.u32 $0x1, s1  }
0x8c: {  	s14 =	sshll.u32 s0, $0xA;
	s2 =	sadd.s32 s3, s2  }
0x8d: {  	s2 =	sadd.s32 s2, s14  }
0x8e: {  	[smem:$0x3FC0] =	sst s2  }
0x8f: {  	_ = 	snop  }
0x90: {  	s2 =	sld [smem:$0x3FD0];
	_ =	sdelay $0x2  }
0x91: {  	s4 =	simm.s32 $0xA;
	s5 =	simm.s32 $0x10;
	s15 =	sld [smem:$0x3FC3]  }
0x92: {  	[smem:s5], [sflag:s4] =	dma.local [hbm:s2], $0x1  }
0x93: {  	_ =	swait.eq [sflag:s4], $0x1  }
0x94: {  	[sflag:s4] =	ssyncset.done $0x0  }
0x95: {  	[sflag:s4] =	ssyncadd.s32 $0xFFFFFFFF  }
0x96: {  	s16 =	sld [smem:$0x11];
	(tm) =	ssettm $0x1  }
0x97: {  	s17 =	sld [smem:$0x3FFB];
	_ =	sdelay $0x3  }
0x98: {  	_ =	strace s17  }
0x99: {  	s4 =	sld [smem:$0x3FFC];
	_ =	sdelay $0x3  }
0x9a: {  	_ =	strace s4  }
0x9b: {  	s4 =	sld [smem:$0x3FFD];
	_ =	sdelay $0x3  }
0x9c: {  	_ =	strace s4  }
0x9d: {  	_ =	strace $0x8FFFFFFF  }
0x9e: {  	s18 =	sld [smem:$0x3FDB];
	_ =	sdelay $0x1  }
0x9f: {  	s19 =	simm.s32 $_scs_section_size  }
0xa0: {  	s6 =	simm.s32 $_size__tile_overlayer_lowered;
	s7 =	simm.s32 $_tile_overlayer_lowered  }
0xa1: {  	s22 =	simm.s32 $0x1BFF;
	s21 =	sshll.u32 s7, $0x1;
	s4 =	sadd.s32 s19, s18  }
0xa2: {  	s8 =	simm.s32 $0x0;
	s20 =	sshll.u32 s6, $0x1;
	s6 =	sadd.s32 s21, s4  }
0xa3: {  	[timem:s8], [sflag:s22] =	dma.local [hbm:s6], s20  }
0xa4: {  	_ =	swait.ge [sflag:s22], s20  }
0xa5: {  	s5 =	ssub.s32 $0x0, s20;
	[sflag:s22] =	ssyncset.done $0x0  }
0xa6: {  	[sflag:s22] =	ssyncadd.s32 s5;
	_ =	sdelay $0x1  }
0xa7: {  	s23 =	simm.s32 $0x1B8B  }
0xa8: {  	_ =	swait.ge [sflag:s23], $0x1  }
0xa9: {  	[sflag:s23] =	ssyncset.done $0x0  }
0xaa: {  	s25 =	simm.s32 $0x1B8E;
	s24 =	sld [smem:$0x3FFE];
	[sflag:s23] =	ssyncadd.s32 $0xFFFFFFFF  }
0xab: {  	s26 =	simm.s32 $execute0_lowered;
	[smem:$0x3FD2] =	sst s25  }
0xac: {  	s6 =	sshll.u32 s26, $0x1;
	_ =	strace $0x80000046;
	[dreg:$0x1] =	wrdreg $0xFFFFFFFF  }
0xad: {  	s28 =	simm.s32 $_size_execute0_lowered;
	s4 =	sadd.s32 s4, s6;
	[dreg:$0x0] =	wrdreg $0x0  }
0xae: {  	s6 =	sshll.u32 s28, $0x1;
	[dreg:$0x2] =	wrdreg s4  }
0xaf: {  	[dreg:$0x3] =	wrdreg s6  }
0xb0: {  	[dreg:$0x4] =	wrdreg $0xC0  }
0xb1: {  	_ =	task [dreg:s8], $0x5FFFF  }
0xb2: {  	[dreg:$0x1] =	wrdreg $0xFFFFFFFF  }
0xb3: {  	[dreg:$0x0] =	wrdreg $0x60  }
0xb4: {  	[dreg:$0x2] =	wrdreg s15  }
0xb5: {  	[dreg:$0x3] =	wrdreg s16  }
0xb6: {  	[dreg:$0x4] =	wrdreg s24  }
0xb7: {  	[dreg:$0x5] =	wrdreg $0x9  }
0xb8: {  	_ =	task.clear_ibuf [dreg:s8], $0x6FFFF;
	_ =	strace $0x90000046  }
0xb9: {  	s29 =	simm.s32 $0x9;
	_ =	strace $0x80000048  }
0xba: {  	_ =	swait.ge [sflag:s29], $0x1  }
0xbb: {  	[sflag:s29] =	ssyncadd.s32 $0xFFFFFFFF  }
0xbc: {  	_ =	strace $0x90000048  }
0xbd: {  	_ =	sfence  }
0xbe: {  	s30 =	sld [smem:$0x0];
	_ =	sdelay $0x2  }
0xbf: {  	s31 =	sshll.u32 s1, $0xD;
	s1 =	sshrl.u32 s1, $0x2  }
0xc0: {  	s3 =	sand.u32 $0x4000, s31;
	s1 =	sadd.s32 s1, s30  }
0xc1: {  	s0 =	sor.u32 s3, s0;
	s1 =	sshll.u32 s1, $0x11  }
0xc2: {  	s0 =	sor.u32 s1, s0  }
0xc3: {  	s0 =	sadd.s32 $0x8F2B, s0  }
0xc4: {  	[sflag:s0] =	ssyncadd.remote.s32 $0x1  }
0xc5: {  	_ =	sfence.sel $0xFFFF  }
0xc6: {  	[dreg:$0x0] =	wrdreg $0xFFFFFFFF;
	(pc) =	sbr.abs _section_cstart, $3  }
0xc7: {  	[dreg:$0x1] =	wrdreg $0xFFFFFFFF  }
0xc8: {  	_ =	task.clear_ibuf [dreg:s8], $0x2FFFF;
	_ =	strace $0x9FFFFFFF  }
0xc9: {  	(tm) =	ssettm $0x7FFFFFFF  }
tec
execute0_lowered:
.L_overlay_start_1:
0x0: {  	(tag) =	ssettag $0x1  }
0x1: {  	s0 =	srdreg.scid  }
0x2: {  	s4 =	sand.u32 $0x1, s0;
	s0 =	stileid.u32  }
0x3: {  	s6 =	sshll.u32 s0, $0x1;
	s7 =	ssub.s32 $0x0, s4  }
0x4: {  	p0 =	sne.s32 s6, s7  }
.Ltmp0:
0x5: {  	_ = 	snop;
	(pc) =	sbr.rel @p0 .LBB2_3-.Ltmp0, $4  }
0x6: {  	s1 =	rddreg [dreg:$0x0]  }
0x7: {  	s3 =	rddreg [dreg:$0x1]  }
0x8: {  	s5 =	rddreg [dreg:$0x2]  }
0x9: {  	s2 =	rddreg [dreg:$0x3];
	_ =	strace $0x80000047  }
0xa: {  	s6 =	ssub.s32 $0x2, s4  }
0xb: {  	s4 =	sadd.s32 $0x1000, s5;
	s8 =	simm.s32 $0x80;
	s9 =	simm.s32 $0x880  }
0xc: {  	s10 =	simm.s32 $0x1080;
	s11 =	simm.s32 $0x1880;
	s12 =	simm.s32 $0x2080  }
0xd: {  	v2 =	vlaneseq.u32;
	s13 =	simm.s32 $0x2880;
	s14 =	simm.s32 $0x3080;
	s7 =	sshrl.u32 s6, $0x1  }
0xe: {  	vm0 =	vmmov $0xffff;
	s15 =	simm.s32 $0x3880;
	s16 =	simm.s32 $0x1;
	v1 =	vshrl.u32 v2, $0x3;
	s31 =	ssub.s32 s6, s7  }
0xf: {  	v0 =	vand.u32 $0x7, v2;
	v2 =	vor.u32 $0x8, v2;
	s6 =	simm.s32 $0x0;
	s7 =	simm.s32 $0x2;
	v1 =	vmul.u32 $0x8, v1;
	s5 =	smax.u32 s31, $0x1  }
.LBB2_2:
0x10: {  	[tilespmem:s6], [sflag:$0x2] =	stream.linear.gather [hbm4b:s3+s6], $0x80, $0x38;
	[tilespmem:$0x4080] =	vst v63  }
0x11: {  	_ =	swait.ge [sflag:s7], $0x80  }
0x12: {  	[sflag:s7] =	ssyncset.done $0x0  }
0x13: {  	[sflag:s7] =	ssyncadd.s32 $0xFFFFFF80  }
0x14: {  	v3 =	vld [tilespmem:$0x0];
	_ =	sdelay $0x4  }
0x15: {  	v4 =	vshll.u32 v3, $0x1  }
0x16: {  	v3 =	vand.u32 $0x7, v3;
	v4 =	vand.u32 $0xFFFFFFF0, v4  }
0x17: {  	v3 =	vor.u32 v3, v4  }
0x18: {  	v4 =	vperm.xlane v3, v0;
	_ =	sdelay $0x1  }
0x19: {  	v3 =	vperm.xlane v3, v2;
	v4 =	vadd.s32 v1, v4;
	_ =	sdelay $0x1  }
0x1a: {  	v3 =	vadd.s32 v1, v3;
	_ =	sdelay $0x2  }
0x1b: {  	[tilespmem:s8], [sflag:$0x1] =	stream.indirect_vreg.gather [hbm4b:s1+s6], $0x80, v4, vm0, $0xb8;
	[tilespmem:$0x4080] =	vst v63  }
0x1c: {  	_ = 	snop  }
0x1d: {  	[tilespmem:s9], [sflag:$0x1] =	stream.indirect_vreg.gather [hbm4b:s1+s6], $0x80, v3, vm0, $0xb8;
	[tilespmem:$0x4080] =	vst v63  }
0x1e: {  	v3 =	vld [tilespmem:$0x10];
	_ =	sdelay $0x4  }
0x1f: {  	v61 =	vshll.u32 v3, $0x1  }
0x20: {  	v3 =	vand.u32 $0x7, v3;
	v4 =	vand.u32 $0xFFFFFFF0, v61  }
0x21: {  	v3 =	vor.u32 v3, v4  }
0x22: {  	v4 =	vperm.xlane v3, v0;
	_ =	sdelay $0x1  }
0x23: {  	v3 =	vperm.xlane v3, v2;
	v4 =	vadd.s32 v1, v4;
	_ =	sdelay $0x1  }
0x24: {  	v3 =	vadd.s32 v1, v3;
	_ =	sdelay $0x2  }
0x25: {  	[tilespmem:s10], [sflag:$0x1] =	stream.indirect_vreg.gather [hbm4b:s1+s6], $0x80, v4, vm0, $0xb8;
	[tilespmem:$0x4080] =	vst v63  }
0x26: {  	_ = 	snop  }
0x27: {  	[tilespmem:s11], [sflag:$0x1] =	stream.indirect_vreg.gather [hbm4b:s1+s6], $0x80, v3, vm0, $0xb8;
	[tilespmem:$0x4080] =	vst v63  }
0x28: {  	v3 =	vld [tilespmem:$0x20];
	_ =	sdelay $0x4  }
0x29: {  	v62 =	vshll.u32 v3, $0x1  }
0x2a: {  	v3 =	vand.u32 $0x7, v3;
	v4 =	vand.u32 $0xFFFFFFF0, v62  }
0x2b: {  	v3 =	vor.u32 v3, v4  }
0x2c: {  	v4 =	vperm.xlane v3, v0;
	_ =	sdelay $0x1  }
0x2d: {  	v3 =	vperm.xlane v3, v2;
	v4 =	vadd.s32 v1, v4;
	_ =	sdelay $0x1  }
0x2e: {  	v3 =	vadd.s32 v1, v3;
	_ =	sdelay $0x2  }
0x2f: {  	[tilespmem:s12], [sflag:$0x1] =	stream.indirect_vreg.gather [hbm4b:s1+s6], $0x80, v4, vm0, $0xb8;
	[tilespmem:$0x4080] =	vst v63  }
0x30: {  	_ = 	snop  }
0x31: {  	[tilespmem:s13], [sflag:$0x1] =	stream.indirect_vreg.gather [hbm4b:s1+s6], $0x80, v3, vm0, $0xb8;
	[tilespmem:$0x4080] =	vst v63  }
0x32: {  	v3 =	vld [tilespmem:$0x30];
	_ =	sdelay $0x4  }
0x33: {  	v63 =	vshll.u32 v3, $0x1  }
0x34: {  	v3 =	vand.u32 $0x7, v3;
	v4 =	vand.u32 $0xFFFFFFF0, v63  }
0x35: {  	v3 =	vor.u32 v3, v4  }
0x36: {  	v4 =	vperm.xlane v3, v0;
	_ =	sdelay $0x1  }
0x37: {  	v3 =	vperm.xlane v3, v2;
	v4 =	vadd.s32 v1, v4;
	_ =	sdelay $0x1  }
0x38: {  	v3 =	vadd.s32 v1, v3;
	_ =	sdelay $0x2  }
0x39: {  	[tilespmem:s14], [sflag:$0x1] =	stream.indirect_vreg.gather [hbm4b:s1+s6], $0x80, v4, vm0, $0xb8;
	[tilespmem:$0x4080] =	vst v63  }
0x3a: {  	_ = 	snop  }
0x3b: {  	[tilespmem:s15], [sflag:$0x1] =	stream.indirect_vreg.gather [hbm4b:s1+s6], $0x80, v3, vm0, $0xb8;
	[tilespmem:$0x4080] =	vst v63  }
0x3c: {  	_ =	swait.ge [sflag:s16], $0x4000  }
0x3d: {  	p0 =	sne.s32 s5, $0x1;
	[sflag:s16] =	ssyncset.done $0x0  }
.Ltmp1:
0x3e: {  	[sflag:s16] =	ssyncadd.s32 $0xFFFFC000;
	(pc) =	sbr.rel @p0 .LBB2_2-.Ltmp1, $4  }
0x3f: {  	[hbm4b:s4+s6] =	stream.linear.scatter [tilespmem:s8], [sflag:$0x2], $0x4000, $0x38;
	[tilespmem:$0x4080] =	vst v63  }
0x40: {  	_ =	swait.ge [sflag:s7], $0x4000  }
0x41: {  	[sflag:s7] =	ssyncset.done $0x0  }
0x42: {  	s5 =	sadd.s32 $0xFFFFFFFF, s5;
	[sflag:s7] =	ssyncadd.s32 $0xFFFFC000  }
.LBB2_3:
0x43: {  	_ =	sfence.sel $0x180000  }
0x44: {  	[bflag:$0x0] =	sbarrier.arrive $0xFFFF  }
0x45: {  	p0 =	sne.s32 s0, $0x0;
	_ =	strace $0x90000047  }
0x46: {  	s0 =	sadd.s32 @!p0 $0x100000, s2;
	[bflag:$0x2] =	sbarrier.arrive $0xFFFF  }
0x47: {  	[sflag:s0] =	ssyncadd.tile.s32 @!p0 $0x1;
	_ =	shalt  }
.Lfunc_end2:
_tile_overlayer_lowered:
.L_overlay_start_2:
0x48: {  	(tag) =	ssettag $0x2  }
0x49: {  	s0 =	rddreg [dreg:$0x0];
	s2 =	stileid.u32  }
0x4a: {  	s1 =	rddreg [dreg:$0x1];
	p0 =	sne.s32 s2, $0x0  }
0x4b: {  	s3 =	rddreg [dreg:$0x2];
	[bflag:$0x3] =	sbarrier.arrive $0xFFFF;
	s2 =	simm.s32 @!p0 $0x1C02  }
0x4c: {  	[timem:s3], [sflag:s2] =	dma.local @!p0 [hbm:s0], s1  }
0x4d: {  	s0 =	simm.s32 @!p0 $0x2  }
0x4e: {  	_ =	swait.ge @!p0 [sflag:s0], s1  }
0x4f: {  	s1 =	ssub.s32 @!p0 $0x0, s1;
	[sflag:s0] =	ssyncset.done @!p0 $0x0  }
0x50: {  	[sflag:s0] =	ssyncadd.s32 @!p0 s1  }
0x51: {  	[bflag:$0x3] =	sbarrier.arrive $0xFFFF  }
0x52: {  	_ =	shalt  }

</sc_bundles>
